<compile_context>
chip_gen: v7x
topology: tpu7x:2x2x1
jax: 0.10.2.dev20260603
libtpu: 0.0.44.dev20260713+nightly
codegen_flags: <defaults>
</compile_context>

<pallas_src>
import functools

import jax
import jax.numpy as jnp
from jax import lax
from jax.experimental import pallas as pl
from jax.experimental.pallas import tpu as pltpu
from jax.experimental.pallas import tpu_sc as plsc

F32 = jnp.float32
I32 = jnp.int32

NC = 2
NS = 16
NW = NC * NS

_SC_PARAMS = dict(
    mesh=plsc.VectorSubcoreMesh(core_axis_name="c", subcore_axis_name="s"),
    compiler_params=pltpu.CompilerParams(needs_layout_passes=False,
                                         use_tc_tiling_on_sc=False),
)


def _iota16():
    return lax.iota(I32, 16)


def _wid():
    return lax.axis_index("c") * NS + lax.axis_index("s")


def _lrelu_exp(e):
    return jnp.exp(jnp.where(e >= 0.0, e, 0.2 * e))


def _zero_rows(ref, rows, n):
    z = jnp.zeros((16,), F32)

    def body(i, carry):
        for r in range(rows):
            ref[r, pl.ds(i * 16, 16)] = z
        return carry

    lax.fori_loop(0, n // 16, body, 0)


def _l0a_body(N, E, K, ei_hbm, as_hbm, ad_hbm, sp_hbm,
              ei_v, as_t, ad_t, s_t):
    wid = _wid()
    er = wid // 2
    hh = wid % 2
    per_range = E // 16

    pltpu.sync_copy(as_hbm.at[pl.ds(hh * 4, 4)], as_t)
    pltpu.sync_copy(ad_hbm.at[pl.ds(hh * 4, 4)], ad_t)
    _zero_rows(s_t, 4, N)

    def chunk(j, carry):
        base = er * per_range + j * K
        pltpu.sync_copy(ei_hbm.at[:, pl.ds(base, K)], ei_v)

        def grp(g, c2):
            s16 = ei_v[0, pl.ds(g * 16, 16)]
            d16 = ei_v[1, pl.ds(g * 16, 16)]
            for c in range(4):
                c16 = jnp.full((16,), c, I32)
                a = plsc.load_gather(as_t, [c16, s16])
                b = plsc.load_gather(ad_t, [c16, d16])
                p = _lrelu_exp(a + b)
                plsc.addupdate_scatter(s_t, [c16, d16], p)
            return c2

        lax.fori_loop(0, K // 16, grp, 0)
        return carry

    lax.fori_loop(0, per_range // K, chunk, 0)
    pltpu.sync_copy(s_t, sp_hbm.at[wid])


def _l0a(ei, asT, adT, N, E):
    K = 4000
    kern = pl.kernel(
        functools.partial(_l0a_body, N, E, K),
        out_type=jax.ShapeDtypeStruct((NW, 4, N), F32),
        scratch_types=[
            pltpu.VMEM((2, K), I32),
            pltpu.VMEM((4, N), F32),
            pltpu.VMEM((4, N), F32),
            pltpu.VMEM((4, N), F32),
        ],
        **_SC_PARAMS,
    )
    return kern(ei, asT, adT)


def _l0al_body(N, E, K, ei_hbm, as_hbm, ad_hbm, s_hbm, at_hbm,
               ei_v, as_t, ad_t, s_t, aT):
    wid = _wid()
    lanes = _iota16()
    z16 = jnp.zeros((16,), I32)
    er = wid // 2
    hh = wid % 2
    nchunks = E // K

    pltpu.sync_copy(as_hbm.at[pl.ds(hh * 4, 4)], as_t)
    pltpu.sync_copy(ad_hbm.at[pl.ds(hh * 4, 4)], ad_t)
    pltpu.sync_copy(s_hbm.at[pl.ds(hh * 4, 4)], s_t)
    my_n = jnp.where(er < (nchunks % 16), nchunks // 16 + 1, nchunks // 16)

    def chunk(j, carry):
        base = (er + j * 16) * K
        pltpu.sync_copy(ei_hbm.at[:, pl.ds(base, K)], ei_v)

        def grp(g, c2):
            off16 = g * 16 + lanes
            s16 = ei_v[0, pl.ds(g * 16, 16)]
            d16 = ei_v[1, pl.ds(g * 16, 16)]
            for c in range(4):
                c16 = jnp.full((16,), c, I32)
                a = plsc.load_gather(as_t, [c16, s16])
                b = plsc.load_gather(ad_t, [c16, d16])
                p = _lrelu_exp(a + b)
                s = plsc.load_gather(s_t, [c16, d16])
                plsc.store_scatter(aT, [c16, z16, off16], p / (s + 1e-16))
            return c2

        lax.fori_loop(0, K // 16, grp, 0)
        pltpu.sync_copy(aT, at_hbm.at[pl.ds(hh * 4, 4), :, pl.ds(base, K)])
        return carry

    lax.fori_loop(0, my_n, chunk, 0)


def _l0alpha(ei, asT, adT, s0T, N, E):
    K = 640
    kern = pl.kernel(
        functools.partial(_l0al_body, N, E, K),
        out_type=jax.ShapeDtypeStruct((8, 1, E), F32),
        scratch_types=[
            pltpu.VMEM((2, K), I32),
            pltpu.VMEM((4, N), F32),
            pltpu.VMEM((4, N), F32),
            pltpu.VMEM((4, N), F32),
            pltpu.VMEM((4, 1, K), F32),
        ],
        **_SC_PARAMS,
    )
    return kern(ei, asT, adT, s0T)


def _l0b_body(N, E, K, ei_hbm, xw_hbm, at_hbm, out_hbm,
              ei_v, a_c, xw_t, acc):
    wid = _wid()
    nchunks = E // K
    head = wid // 4

    for p in range(2):
        cg = 2 * wid + p
        pltpu.sync_copy(xw_hbm.at[pl.ds(cg * 4, 4)], xw_t)
        _zero_rows(acc, 4, N)

        def chunk(j, carry):
            base = j * K
            pltpu.sync_copy(ei_hbm.at[:, pl.ds(base, K)], ei_v)
            pltpu.sync_copy(at_hbm.at[head, 0, pl.ds(base, K)], a_c)

            def grp(g, c2):
                s16 = ei_v[0, pl.ds(g * 16, 16)]
                d16 = ei_v[1, pl.ds(g * 16, 16)]
                al = a_c[pl.ds(g * 16, 16)]
                for c in range(4):
                    c16 = jnp.full((16,), c, I32)
                    v = plsc.load_gather(xw_t, [c16, s16]) * al
                    plsc.addupdate_scatter(acc, [c16, d16], v)
                return c2

            lax.fori_loop(0, K // 16, grp, 0)
            return carry

        lax.fori_loop(0, nchunks, chunk, 0)
        pltpu.sync_copy(acc, out_hbm.at[cg])


def _l0b(ei, xwT, alphaT, N, E):
    K = 4000
    kern = pl.kernel(
        functools.partial(_l0b_body, N, E, K),
        out_type=jax.ShapeDtypeStruct((64, 4, N), F32),
        scratch_types=[
            pltpu.VMEM((2, K), I32),
            pltpu.VMEM((K,), F32),
            pltpu.VMEM((4, N), F32),
            pltpu.VMEM((4, N), F32),
        ],
        **_SC_PARAMS,
    )
    return kern(ei, xwT, alphaT)


def _l1a_body(N, E, K, ei_hbm, aa_hbm, sp_hbm, ei_v, aa_t, s_t):
    wid = _wid()
    z16 = jnp.zeros((16,), I32)
    o16 = jnp.ones((16,), I32)
    per_tile = E // NW

    pltpu.sync_copy(aa_hbm, aa_t)
    _zero_rows(s_t, 1, N)
    pltpu.sync_copy(ei_hbm.at[:, pl.ds(wid * per_tile, K)], ei_v)

    def grp(g, c2):
        s16 = ei_v[0, pl.ds(g * 16, 16)]
        d16 = ei_v[1, pl.ds(g * 16, 16)]
        e = (plsc.load_gather(aa_t, [z16, s16])
             + plsc.load_gather(aa_t, [o16, d16]))
        plsc.addupdate_scatter(s_t, [z16, d16], _lrelu_exp(e))
        return c2

    lax.fori_loop(0, K // 16, grp, 0)
    pltpu.sync_copy(s_t, sp_hbm.at[wid])


def _l1a(ei, aa1, N, E):
    K = E // NW
    kern = pl.kernel(
        functools.partial(_l1a_body, N, E, K),
        out_type=jax.ShapeDtypeStruct((NW, 1, N), F32),
        scratch_types=[
            pltpu.VMEM((2, K), I32),
            pltpu.VMEM((2, N), F32),
            pltpu.VMEM((1, N), F32),
        ],
        **_SC_PARAMS,
    )
    return kern(ei, aa1)


def _l1b_body(N, E, K, ei_hbm, xw_hbm, aa_hbm, s_hbm, out_hbm,
              ei_v, aa_t, s_t, xw_t, acc):
    wid = _wid()
    z16 = jnp.zeros((16,), I32)
    o16 = jnp.ones((16,), I32)
    cg = wid % 8
    q = wid // 8
    per_q = E // 4

    pltpu.sync_copy(aa_hbm, aa_t)
    pltpu.sync_copy(s_hbm, s_t)
    pltpu.sync_copy(xw_hbm.at[pl.ds(cg * 4, 4)], xw_t)
    _zero_rows(acc, 4, N)

    def chunk(j, carry):
        base = q * per_q + j * K
        pltpu.sync_copy(ei_hbm.at[:, pl.ds(base, K)], ei_v)

        def grp(g, c2):
            s16 = ei_v[0, pl.ds(g * 16, 16)]
            d16 = ei_v[1, pl.ds(g * 16, 16)]
            e = (plsc.load_gather(aa_t, [z16, s16])
                 + plsc.load_gather(aa_t, [o16, d16]))
            p = _lrelu_exp(e)
            s = plsc.load_gather(s_t, [z16, d16])
            al = p / (s + 1e-16)
            for c in range(4):
                c16 = jnp.full((16,), c, I32)
                v = plsc.load_gather(xw_t, [c16, s16]) * al
                plsc.addupdate_scatter(acc, [c16, d16], v)
            return c2

        lax.fori_loop(0, K // 16, grp, 0)
        return carry

    lax.fori_loop(0, per_q // K, chunk, 0)
    pltpu.sync_copy(acc, out_hbm.at[wid])


def _l1b(ei, xw1T, aa1, s1, N, E):
    K = 4000
    kern = pl.kernel(
        functools.partial(_l1b_body, N, E, K),
        out_type=jax.ShapeDtypeStruct((NW, 4, N), F32),
        scratch_types=[
            pltpu.VMEM((2, K), I32),
            pltpu.VMEM((2, N), F32),
            pltpu.VMEM((1, N), F32),
            pltpu.VMEM((4, N), F32),
            pltpu.VMEM((4, N), F32),
        ],
        **_SC_PARAMS,
    )
    return kern(ei, xw1T, aa1, s1)


def _elu(y):
    return jnp.where(y > 0, y, jnp.exp(jnp.minimum(y, 0.0)) - 1.0)


def _dotT(w, xT):
    return lax.dot_general(w, xT, (((0,), (0,)), ((), ())),
                           preferred_element_type=F32)


def _tc_pre_body(xT_ref, w0_ref, asrc_ref, adst_ref, skip_ref,
                 xw_ref, as_ref, ad_ref, xs_ref):
    xT = xT_ref[...]
    xwT = _dotT(w0_ref[...], xT)
    n = xT.shape[1]
    xw3 = xwT.reshape(8, 32, n)
    as_ref[...] = (xw3 * asrc_ref[...][:, :, None]).sum(1)
    ad_ref[...] = (xw3 * adst_ref[...][:, :, None]).sum(1)
    xw_ref[...] = xwT
    xs_ref[...] = _dotT(skip_ref[...], xT)


def _tc_pre(xT, W0, att_src0, att_dst0, skip0, N):
    full = lambda s: pl.BlockSpec(s, lambda: tuple(0 for _ in s))
    return pl.pallas_call(
        _tc_pre_body,
        out_shape=(jax.ShapeDtypeStruct((256, N), F32),
                   jax.ShapeDtypeStruct((8, N), F32),
                   jax.ShapeDtypeStruct((8, N), F32),
                   jax.ShapeDtypeStruct((256, N), F32)),
        in_specs=[full((128, N)), full((128, 256)), full((8, 32)),
                  full((8, 32)), full((128, 256))],
        out_specs=(full((256, N)), full((8, N)), full((8, N)),
                   full((256, N))),
    )(xT, W0, att_src0, att_dst0, skip0)


def _tc_red0_body(sp_ref, o_ref):
    sp = sp_ref[...]
    n = sp.shape[2]
    o_ref[...] = sp.reshape(16, 2 * 4, n).sum(axis=0)


def _tc_red0(s_part, N):
    full = lambda s: pl.BlockSpec(s, lambda: tuple(0 for _ in s))
    return pl.pallas_call(
        _tc_red0_body,
        out_shape=jax.ShapeDtypeStruct((8, N), F32),
        in_specs=[full((NW, 4, N))],
        out_specs=full((8, N)),
    )(s_part)


def _tc_red1_body(sp_ref, o_ref):
    o_ref[...] = sp_ref[...].sum(axis=0)


def _tc_red1(s1_part, N):
    full = lambda s: pl.BlockSpec(s, lambda: tuple(0 for _ in s))
    return pl.pallas_call(
        _tc_red1_body,
        out_shape=jax.ShapeDtypeStruct((1, N), F32),
        in_specs=[full((NW, 1, N))],
        out_specs=full((1, N)),
    )(s1_part)


def _tc_mid_body(acc_ref, xs_ref, b0_ref, g_ref, bb_ref, rm_ref, rv_ref,
                 w1_ref, as1_ref, ad1_ref, skip1_ref,
                 xw1_ref, aa1_ref, hs1_ref):
    n = xs_ref.shape[1]
    h = acc_ref[...].reshape(256, n) + b0_ref[...]
    inv = g_ref[...] * lax.rsqrt(rv_ref[...] + 1e-5)
    h = (h - rm_ref[...]) * inv + bb_ref[...] + xs_ref[...]
    h = _elu(h)
    xw1T = _dotT(w1_ref[...], h)
    xw1_ref[...] = xw1T
    as1 = (xw1T * as1_ref[...].reshape(32, 1)).sum(0)
    ad1 = (xw1T * ad1_ref[...].reshape(32, 1)).sum(0)
    aa1_ref[...] = jnp.stack([as1, ad1], axis=0)
    hs1_ref[...] = _dotT(skip1_ref[...], h)


def _tc_mid(acc0, xs0, b0, bn0_g, bn0_b, bn0_rm, bn0_rv, W1,
            att_src1, att_dst1, skip1, N):
    full = lambda s: pl.BlockSpec(s, lambda: tuple(0 for _ in s))
    col = lambda v: v.reshape(-1, 1)
    return pl.pallas_call(
        _tc_mid_body,
        out_shape=(jax.ShapeDtypeStruct((32, N), F32),
                   jax.ShapeDtypeStruct((2, N), F32),
                   jax.ShapeDtypeStruct((32, N), F32)),
        in_specs=[full((64, 4, N)), full((256, N)), full((256, 1)),
                  full((256, 1)), full((256, 1)), full((256, 1)),
                  full((256, 1)), full((256, 32)), full((1, 32)),
                  full((1, 32)), full((256, 32))],
        out_specs=(full((32, N)), full((2, N)), full((32, N))),
    )(acc0, xs0, col(b0), col(bn0_g), col(bn0_b), col(bn0_rm), col(bn0_rv),
      W1, att_src1, att_dst1, skip1)


def _tc_fin_body(acc_ref, hs_ref, b1_ref, g_ref, bb_ref, rm_ref, rv_ref,
                 o_ref):
    n = hs_ref.shape[1]
    acc = acc_ref[...].reshape(4, 8, 4, n).sum(axis=0)
    h = acc.reshape(32, n) + b1_ref[...]
    inv = g_ref[...] * lax.rsqrt(rv_ref[...] + 1e-5)
    h = (h - rm_ref[...]) * inv + bb_ref[...] + hs_ref[...]
    o_ref[...] = _elu(h)


def _tc_fin(acc1, hs1, b1, bn1_g, bn1_b, bn1_rm, bn1_rv, N):
    full = lambda s: pl.BlockSpec(s, lambda: tuple(0 for _ in s))
    col = lambda v: v.reshape(-1, 1)
    return pl.pallas_call(
        _tc_fin_body,
        out_shape=jax.ShapeDtypeStruct((32, N), F32),
        in_specs=[full((NW, 4, N)), full((32, N)), full((32, 1)),
                  full((32, 1)), full((32, 1)), full((32, 1)),
                  full((32, 1))],
        out_specs=full((32, N)),
    )(acc1, hs1, col(b1), col(bn1_g), col(bn1_b), col(bn1_rm), col(bn1_rv))


def kernel(x, edge_index, W0, att_src0, att_dst0, b0, bn0_g, bn0_b, bn0_rm,
           bn0_rv, skip0, W1, att_src1, att_dst1, b1, bn1_g, bn1_b, bn1_rm,
           bn1_rv, skip1):
    N = x.shape[0]
    E = edge_index.shape[1]
    xT = x.T

    xwT, asT, adT, xsT = _tc_pre(xT, W0, att_src0, att_dst0, skip0, N)

    s_part = _l0a(edge_index, asT, adT, N, E)
    s0T = _tc_red0(s_part, N)
    alphaT = _l0alpha(edge_index, asT, adT, s0T, N, E)
    acc0 = _l0b(edge_index, xwT, alphaT, N, E)

    xw1T, aa1, hs1T = _tc_mid(acc0, xsT, b0, bn0_g, bn0_b, bn0_rm, bn0_rv,
                              W1, att_src1, att_dst1, skip1, N)
    s1_part = _l1a(edge_index, aa1, N, E)
    s1 = _tc_red1(s1_part, N)
    acc1 = _l1b(edge_index, xw1T, aa1, s1, N, E)
    h1T = _tc_fin(acc1, hs1T, b1, bn1_g, bn1_b, bn1_rm, bn1_rv, N)
    return h1T.T

# --- scband reference (transcript-rebuilt; emitter-appended) ---
"""Pipeline reference for scband-gat-embedding-5540507812193 (READ-ONLY COPY).

The authoritative reference and input builder live on the scoring server;
editing this copy changes nothing except your own understanding.
"""

import jax, jax.numpy as jnp
import numpy as np


def _gat(x, ei, W, a_src, a_dst, b, H, C, concat):
    N = x.shape[0]
    src, dst = ei[0], ei[1]
    xw = (x @ W).reshape(N, H, C)
    as_ = (xw * a_src).sum(-1)
    ad_ = (xw * a_dst).sum(-1)
    e = jax.nn.leaky_relu(as_[src] + ad_[dst], 0.2)
    m = jax.ops.segment_max(e, dst, num_segments=N)
    m = jnp.where(jnp.isfinite(m), m, 0.0)
    p = jnp.exp(e - m[dst])
    s = jax.ops.segment_sum(p, dst, num_segments=N)
    alpha = p / (s[dst] + 1e-16)
    out = jax.ops.segment_sum(xw[src] * alpha[:, :, None], dst, num_segments=N)
    out = out.reshape(N, H * C) if concat else out.mean(axis=1)
    return out + b


def _bn(h, g, b, rm, rv):
    # eval-mode BatchNorm1d with running stats
    return (h - rm) / jnp.sqrt(rv + 1e-5) * g + b


def setup_inputs(seed: int = 0):
    key = jax.random.key(seed)
    ks = jax.random.split(key, 12)
    N, E, D, Hd, Hh = 10000, 320000, 128, 32, 8
    d0 = Hd * Hh  # 256
    return {
        "x": jax.random.normal(ks[0], (N, D), jnp.float32),
        "edge_index": jax.random.randint(ks[1], (2, E), 0, N, jnp.int32),
        "W0": jax.random.normal(ks[2], (D, d0), jnp.float32) * 0.05,
        "att_src0": jax.random.normal(ks[3], (Hh, Hd), jnp.float32) * 0.05,
        "att_dst0": jax.random.normal(ks[4], (Hh, Hd), jnp.float32) * 0.05,
        "b0": jnp.zeros((d0,), jnp.float32),
        "bn0_g": jnp.ones((d0,), jnp.float32),
        "bn0_b": jnp.zeros((d0,), jnp.float32),
        "bn0_rm": jnp.zeros((d0,), jnp.float32),
        "bn0_rv": jnp.ones((d0,), jnp.float32),
        "skip0": jax.random.normal(ks[5], (D, d0), jnp.float32) * 0.05,
        "W1": jax.random.normal(ks[6], (d0, Hd), jnp.float32) * 0.05,
        "att_src1": jax.random.normal(ks[7], (1, Hd), jnp.float32) * 0.05,
        "att_dst1": jax.random.normal(ks[8], (1, Hd), jnp.float32) * 0.05,
        "b1": jnp.zeros((Hd,), jnp.float32),
        "bn1_g": jnp.ones((Hd,), jnp.float32),
        "bn1_b": jnp.zeros((Hd,), jnp.float32),
        "bn1_rm": jnp.zeros((Hd,), jnp.float32),
        "bn1_rv": jnp.ones((Hd,), jnp.float32),
        "skip1": jax.random.normal(ks[9], (d0, Hd), jnp.float32) * 0.05,
    }


def reference(x, edge_index, W0, att_src0, att_dst0, b0, bn0_g, bn0_b, bn0_rm, bn0_rv, skip0,
              W1, att_src1, att_dst1, b1, bn1_g, bn1_b, bn1_rm, bn1_rv, skip1):
    # eval mode: all dropouts are no-ops, BN uses running stats
    h_in = x
    h = _gat(x, edge_index, W0, att_src0, att_dst0, b0, 8, 32, True)
    h = _bn(h, bn0_g, bn0_b, bn0_rm, bn0_rv)
    h = jax.nn.elu(h + h_in @ skip0)
    h_in = h
    h = _gat(h, edge_index, W1, att_src1, att_dst1, b1, 1, 32, False)
    h = _bn(h, bn1_g, bn1_b, bn1_rm, bn1_rv)
    h = jax.nn.elu(h + h_in @ skip1)
    return h

if __name__ == "__main__":
    import jax
    _d = setup_inputs()
    print(jax.jit(kernel)(*tuple(_d.values())))

</pallas_src>

<mosaic_0001>
#map = affine_map<(d0, d1) -> (0, 0)>
#map1 = affine_map<(d0, d1) -> (0, 0, 0)>
module attributes {stable_mosaic.version = 14 : i64} {
  func.func @_l1a_body(%arg0: i32, %arg1: i32, %arg2: memref<2x320000xi32, #tpu.memory_space<hbm>>, %arg3: memref<2x10000xf32, #tpu.memory_space<hbm>>, %arg4: memref<32x1x10000xf32, #tpu.memory_space<hbm>>, %arg5: memref<2x10000xi32, #tpu.memory_space<vmem>>, %arg6: memref<2x10000xf32, #tpu.memory_space<vmem>>, %arg7: memref<1x10000xf32, #tpu.memory_space<vmem>>) attributes {dimension_semantics = [#tpu.dimension_semantics<core_parallel>, #tpu.dimension_semantics<subcore_parallel>], iteration_bounds = array<i64: 2, 16>, scalar_prefetch = 0 : i64, scratch_operands = 3 : i64, tpu.core_type = #tpu.core_type<sc_vector_subcore>, window_params = [{transform_indices = #map}, {transform_indices = #map}, {transform_indices = #map1}]} {
    %mul3A = arith.constant 16 : i32
    %mul3A_0 = arith.muli %arg0, %mul3A : i32
    %add3A = arith.addi %mul3A_0, %arg1 : i32
    %broadcast_in_dim3A = arith.constant 0 : i32
    %broadcast_in_dim3A_1 = vector.broadcast %broadcast_in_dim3A : i32 to vector<16xi32>
    %broadcast_in_dim3A_2 = arith.constant 1 : i32
    %broadcast_in_dim3A_3 = vector.broadcast %broadcast_in_dim3A_2 : i32 to vector<16xi32>
    "tpu.region"() ({
      %run_scoped3A = tpu.sem_alloc : memref<!tpu.dma_semaphore, #tpu.memory_space<semaphore_mem>>
      tpu.enqueue_dma source(%arg3 : memref<2x10000xf32, #tpu.memory_space<hbm>>) target(%arg6 : memref<2x10000xf32, #tpu.memory_space<vmem>>) target_semaphore(%run_scoped3A : memref<!tpu.dma_semaphore, #tpu.memory_space<semaphore_mem>>)
      tpu.wait_dma2 semaphore(%run_scoped3A : memref<!tpu.dma_semaphore, #tpu.memory_space<semaphore_mem>>) src(%arg3 : memref<2x10000xf32, #tpu.memory_space<hbm>>) dst(%arg6 : memref<2x10000xf32, #tpu.memory_space<vmem>>)
      tpu.yield
    }) : () -> ()
    %broadcast_in_dim3A_4 = arith.constant 0.000000e+00 : f32
    %broadcast_in_dim3A_5 = vector.broadcast %broadcast_in_dim3A_4 : f32 to vector<16xf32>
    %scan3A = arith.constant 0 : i32
    %scan3A_6 = arith.constant 0 : i32
    %scan3A_7 = arith.constant 625 : i32
    %scan3A_8 = arith.addi %scan3A_6, %scan3A_7 : i32
    %scan3A_9 = arith.constant 1 : i32
    scf.for %scan3A_19 = %scan3A_6 to %scan3A_8 step %scan3A_9  : i32 {
      %mul3A_20 = arith.constant 16 : i32
      %mul3A_21 = arith.muli %scan3A_19, %mul3A_20 : i32
      %swap3A = arith.constant 0 : i32
      %swap3A_22 = arith.index_cast %swap3A : i32 to index
      %swap3A_23 = arith.index_cast %mul3A_21 : i32 to index
      %swap3A_24 = tpu.vector_load %arg7[%swap3A_22, %swap3A_23] {strides = array<i32>} : memref<1x10000xf32, #tpu.memory_space<vmem>>, vector<16xf32>,
      tpu.vector_store %arg7[%swap3A_22, %swap3A_23], %broadcast_in_dim3A_5 {strides = array<i32>} : memref<1x10000xf32, #tpu.memory_space<vmem>>, vector<16xf32>,
    }
    %scan3A_10 = arith.constant 625 : i32
    %mul3A_11 = arith.constant 10000 : i32
    %mul3A_12 = arith.muli %add3A, %mul3A_11 : i32
    "tpu.region"() ({
      %run_scoped3A = tpu.sem_alloc : memref<!tpu.dma_semaphore, #tpu.memory_space<semaphore_mem>>
      %dma_start3A = arith.constant 0 : i32
      %dma_start3A_19 = tpu.memref_slice %arg2[%dma_start3A, %mul3A_12] : memref<2x320000xi32, #tpu.memory_space<hbm>> -> memref<2x10000xi32, #tpu.memory_space<hbm>>
      %dma_start3A_20 = arith.constant 0 : i32
      %dma_start3A_21 = tpu.memref_slice %arg2[%dma_start3A_20, %mul3A_12] : memref<2x320000xi32, #tpu.memory_space<hbm>> -> memref<2x10000xi32, #tpu.memory_space<hbm>>
      tpu.enqueue_dma source(%dma_start3A_21 : memref<2x10000xi32, #tpu.memory_space<hbm>>) target(%arg5 : memref<2x10000xi32, #tpu.memory_space<vmem>>) target_semaphore(%run_scoped3A : memref<!tpu.dma_semaphore, #tpu.memory_space<semaphore_mem>>)
      %dma_wait3A = arith.constant 0 : i32
      %dma_wait3A_22 = tpu.memref_slice %arg2[%dma_wait3A, %mul3A_12] : memref<2x320000xi32, #tpu.memory_space<hbm>> -> memref<2x10000xi32, #tpu.memory_space<hbm>>
      %dma_wait3A_23 = arith.constant 0 : i32
      %dma_wait3A_24 = tpu.memref_slice %arg2[%dma_wait3A_23, %mul3A_12] : memref<2x320000xi32, #tpu.memory_space<hbm>> -> memref<2x10000xi32, #tpu.memory_space<hbm>>
      tpu.wait_dma2 semaphore(%run_scoped3A : memref<!tpu.dma_semaphore, #tpu.memory_space<semaphore_mem>>) src(%dma_wait3A_24 : memref<2x10000xi32, #tpu.memory_space<hbm>>) dst(%arg5 : memref<2x10000xi32, #tpu.memory_space<vmem>>)
      tpu.yield
    }) : () -> ()
    %scan3A_13 = arith.constant 0 : i32
    %scan3A_14 = arith.constant 0 : i32
    %scan3A_15 = arith.constant 625 : i32
    %scan3A_16 = arith.addi %scan3A_14, %scan3A_15 : i32
    %scan3A_17 = arith.constant 1 : i32
    scf.for %scan3A_19 = %scan3A_14 to %scan3A_16 step %scan3A_17  : i32 {
      %mul3A_20 = arith.constant 16 : i32
      %mul3A_21 = arith.muli %scan3A_19, %mul3A_20 : i32
      %get3A = arith.constant 0 : i32
      %get3A_22 = arith.index_cast %get3A : i32 to index
      %get3A_23 = arith.index_cast %mul3A_21 : i32 to index
      %get3A_24 = tpu.vector_load %arg5[%get3A_22, %get3A_23] {strides = array<i32>} : memref<2x10000xi32, #tpu.memory_space<vmem>>, vector<16xi32>,
      %mul3A_25 = arith.constant 16 : i32
      %mul3A_26 = arith.muli %scan3A_19, %mul3A_25 : i32
      %get3A_27 = arith.constant 1 : i32
      %get3A_28 = arith.index_cast %get3A_27 : i32 to index
      %get3A_29 = arith.index_cast %mul3A_26 : i32 to index
      %get3A_30 = tpu.vector_load %arg5[%get3A_28, %get3A_29] {strides = array<i32>} : memref<2x10000xi32, #tpu.memory_space<vmem>>, vector<16xi32>,
      %gather3A = tpu.vector_load_idx %arg6[%broadcast_in_dim3A_1, %get3A_24] : memref<2x10000xf32, #tpu.memory_space<vmem>>[vector<16xi32>, vector<16xi32>], vector<16xf32>,
      %gather3A_31 = tpu.vector_load_idx %arg6[%broadcast_in_dim3A_3, %get3A_30] : memref<2x10000xf32, #tpu.memory_space<vmem>>[vector<16xi32>, vector<16xi32>], vector<16xf32>,
      %add3A_32 = arith.addf %gather3A, %gather3A_31 : vector<16xf32>
      %ge3A = arith.constant 0.000000e+00 : f32
      %ge3A_33 = vector.broadcast %ge3A : f32 to vector<16xf32>
      %ge3A_34 = arith.cmpf oge, %add3A_32, %ge3A_33 : vector<16xf32>
      %mul3A_35 = arith.constant 2.000000e-01 : f32
      %mul3A_36 = vector.broadcast %mul3A_35 : f32 to vector<16xf32>
      %mul3A_37 = arith.mulf %mul3A_36, %add3A_32 : vector<16xf32>
      %select_n3A = arith.select %ge3A_34, %add3A_32, %mul3A_37 : vector<16xi1>, vector<16xf32>
      %exp3A = math.exp %select_n3A : vector<16xf32>
      tpu.vector_store_idx %arg7[%broadcast_in_dim3A_1, %get3A_30], %exp3A {add = true} : memref<1x10000xf32, #tpu.memory_space<vmem>>[vector<16xi32>, vector<16xi32>], vector<16xf32>,
    }
    %scan3A_18 = arith.constant 625 : i32
    "tpu.region"() ({
      %run_scoped3A = tpu.sem_alloc : memref<!tpu.dma_semaphore, #tpu.memory_space<semaphore_mem>>
      %dma_start3A = arith.constant 0 : i32
      %dma_start3A_19 = arith.constant 0 : i32
      %dma_start3A_20 = tpu.memref_slice %arg4[%add3A, %dma_start3A, %dma_start3A_19] : memref<32x1x10000xf32, #tpu.memory_space<hbm>> -> memref<1x1x10000xf32, #tpu.memory_space<hbm>>
      %dma_start3A_21 = tpu.memref_squeeze %dma_start3A_20 : memref<1x1x10000xf32, #tpu.memory_space<hbm>> -> memref<1x10000xf32, #tpu.memory_space<hbm>>
      %dma_start3A_22 = arith.constant 0 : i32
      %dma_start3A_23 = arith.constant 0 : i32
      %dma_start3A_24 = tpu.memref_slice %arg4[%add3A, %dma_start3A_22, %dma_start3A_23] : memref<32x1x10000xf32, #tpu.memory_space<hbm>> -> memref<1x1x10000xf32, #tpu.memory_space<hbm>>
      %dma_start3A_25 = tpu.memref_squeeze %dma_start3A_24 : memref<1x1x10000xf32, #tpu.memory_space<hbm>> -> memref<1x10000xf32, #tpu.memory_space<hbm>>
      tpu.enqueue_dma source(%arg7 : memref<1x10000xf32, #tpu.memory_space<vmem>>) target(%dma_start3A_25 : memref<1x10000xf32, #tpu.memory_space<hbm>>) target_semaphore(%run_scoped3A : memref<!tpu.dma_semaphore, #tpu.memory_space<semaphore_mem>>)
      %dma_wait3A = arith.constant 0 : i32
      %dma_wait3A_26 = arith.constant 0 : i32
      %dma_wait3A_27 = tpu.memref_slice %arg4[%add3A, %dma_wait3A, %dma_wait3A_26] : memref<32x1x10000xf32, #tpu.memory_space<hbm>> -> memref<1x1x10000xf32, #tpu.memory_space<hbm>>
      %dma_wait3A_28 = tpu.memref_squeeze %dma_wait3A_27 : memref<1x1x10000xf32, #tpu.memory_space<hbm>> -> memref<1x10000xf32, #tpu.memory_space<hbm>>
      %dma_wait3A_29 = arith.constant 0 : i32
      %dma_wait3A_30 = arith.constant 0 : i32
      %dma_wait3A_31 = tpu.memref_slice %arg4[%add3A, %dma_wait3A_29, %dma_wait3A_30] : memref<32x1x10000xf32, #tpu.memory_space<hbm>> -> memref<1x1x10000xf32, #tpu.memory_space<hbm>>
      %dma_wait3A_32 = tpu.memref_squeeze %dma_wait3A_31 : memref<1x1x10000xf32, #tpu.memory_space<hbm>> -> memref<1x10000xf32, #tpu.memory_space<hbm>>
      tpu.wait_dma2 semaphore(%run_scoped3A : memref<!tpu.dma_semaphore, #tpu.memory_space<semaphore_mem>>) src(%arg7 : memref<1x10000xf32, #tpu.memory_space<vmem>>) dst(%dma_wait3A_32 : memref<1x10000xf32, #tpu.memory_space<hbm>>)
      tpu.yield
    }) : () -> ()
    return
  }
}

#map = affine_map<(d0, d1) -> (0, 0)>
#map1 = affine_map<(d0, d1) -> (0, 0, 0)>
module attributes {stable_mosaic.version = 14 : i64} {
  func.func @_l0al_body(%arg0: i32, %arg1: i32, %arg2: memref<2x320000xi32, #tpu.memory_space<hbm>>, %arg3: memref<8x10000xf32, #tpu.memory_space<hbm>>, %arg4: memref<8x10000xf32, #tpu.memory_space<hbm>>, %arg5: memref<8x10000xf32, #tpu.memory_space<hbm>>, %arg6: memref<8x1x320000xf32, #tpu.memory_space<hbm>>, %arg7: memref<2x640xi32, #tpu.memory_space<vmem>>, %arg8: memref<4x10000xf32, #tpu.memory_space<vmem>>, %arg9: memref<4x10000xf32, #tpu.memory_space<vmem>>, %arg10: memref<4x10000xf32, #tpu.memory_space<vmem>>, %arg11: memref<4x1x640xf32, #tpu.memory_space<vmem>>) attributes {dimension_semantics = [#tpu.dimension_semantics<core_parallel>, #tpu.dimension_semantics<subcore_parallel>], iteration_bounds = array<i64: 2, 16>, scalar_prefetch = 0 : i64, scratch_operands = 5 : i64, tpu.core_type = #tpu.core_type<sc_vector_subcore>, window_params = [{transform_indices = #map}, {transform_indices = #map}, {transform_indices = #map}, {transform_indices = #map}, {transform_indices = #map1}]} {
    %mul3A = arith.constant 16 : i32
    %mul3A_0 = arith.muli %arg0, %mul3A : i32
    %add3A = arith.addi %mul3A_0, %arg1 : i32
    %iota3A = tpu.iota {dimensions = array<i32: 0>} : vector<16xi32>
    %broadcast_in_dim3A = arith.constant 0 : i32
    %broadcast_in_dim3A_1 = vector.broadcast %broadcast_in_dim3A : i32 to vector<16xi32>
    %jit3A = arith.constant 2 : i32
    %div3A = arith.divsi %add3A, %jit3A : i32
    %sign3A = arith.constant 0 : i32
    %sign3A_2 = arith.cmpi sgt, %add3A, %sign3A : i32
    %sign3A_3 = arith.extui %sign3A_2 : i1 to i32
    %sign3A_4 = arith.constant 0 : i32
    %sign3A_5 = arith.cmpi slt, %add3A, %sign3A_4 : i32
    %sign3A_6 = arith.extui %sign3A_5 : i1 to i32
    %sign3A_7 = arith.subi %sign3A_3, %sign3A_6 : i32
    %sign3A_8 = arith.constant 0 : i32
    %sign3A_9 = arith.cmpi sgt, %jit3A, %sign3A_8 : i32
    %sign3A_10 = arith.extui %sign3A_9 : i1 to i32
    %sign3A_11 = arith.constant 0 : i32
    %sign3A_12 = arith.cmpi slt, %jit3A, %sign3A_11 : i32
    %sign3A_13 = arith.extui %sign3A_12 : i1 to i32
    %sign3A_14 = arith.subi %sign3A_10, %sign3A_13 : i32
    %ne3A = arith.cmpi ne, %sign3A_7, %sign3A_14 : i32
    %rem3A = arith.remsi %add3A, %jit3A : i32
    %ne3A_15 = arith.constant 0 : i32
    %ne3A_16 = arith.cmpi ne, %rem3A, %ne3A_15 : i32
    %and3A = arith.andi %ne3A, %ne3A_16 : i1
    %sub3A = arith.constant 1 : i32
    %sub3A_17 = arith.subi %div3A, %sub3A : i32
    %select_n3A = arith.select %and3A, %sub3A_17, %div3A : i32
    %jit3A_18 = arith.constant 2 : i32
    %eq3A = arith.constant 0 : i32
    %eq3A_19 = arith.cmpi eq, %jit3A_18, %eq3A : i32
    %jit3A_20 = arith.constant 1 : i32
    %select_n3A_21 = arith.select %eq3A_19, %jit3A_20, %jit3A_18 : i32
    %rem3A_22 = arith.remsi %add3A, %select_n3A_21 : i32
    %ne3A_23 = arith.constant 0 : i32
    %ne3A_24 = arith.cmpi ne, %rem3A_22, %ne3A_23 : i32
    %lt3A = arith.constant 0 : i32
    %lt3A_25 = arith.cmpi slt, %rem3A_22, %lt3A : i32
    %lt3A_26 = arith.constant 0 : i32
    %lt3A_27 = arith.cmpi slt, %select_n3A_21, %lt3A_26 : i32
    %ne3A_28 = arith.xori %lt3A_25, %lt3A_27 : i1
    %and3A_29 = arith.andi %ne3A_28, %ne3A_24 : i1
    %add3A_30 = arith.addi %rem3A_22, %select_n3A_21 : i32
    %select_n3A_31 = arith.select %and3A_29, %add3A_30, %rem3A_22 : i32
    %mul3A_32 = arith.constant 4 : i32
    %mul3A_33 = arith.muli %select_n3A_31, %mul3A_32 : i32
    "tpu.region"() ({
      %run_scoped3A = tpu.sem_alloc : memref<!tpu.dma_semaphore, #tpu.memory_space<semaphore_mem>>
      %dma_start3A = arith.constant 0 : i32
      %dma_start3A_52 = tpu.memref_slice %arg3[%mul3A_33, %dma_start3A] : memref<8x10000xf32, #tpu.memory_space<hbm>> -> memref<4x10000xf32, #tpu.memory_space<hbm>>
      %dma_start3A_53 = arith.constant 0 : i32
      %dma_start3A_54 = tpu.memref_slice %arg3[%mul3A_33, %dma_start3A_53] : memref<8x10000xf32, #tpu.memory_space<hbm>> -> memref<4x10000xf32, #tpu.memory_space<hbm>>
      tpu.enqueue_dma source(%dma_start3A_54 : memref<4x10000xf32, #tpu.memory_space<hbm>>) target(%arg8 : memref<4x10000xf32, #tpu.memory_space<vmem>>) target_semaphore(%run_scoped3A : memref<!tpu.dma_semaphore, #tpu.memory_space<semaphore_mem>>)
      %dma_wait3A = arith.constant 0 : i32
      %dma_wait3A_55 = tpu.memref_slice %arg3[%mul3A_33, %dma_wait3A] : memref<8x10000xf32, #tpu.memory_space<hbm>> -> memref<4x10000xf32, #tpu.memory_space<hbm>>
      %dma_wait3A_56 = arith.constant 0 : i32
      %dma_wait3A_57 = tpu.memref_slice %arg3[%mul3A_33, %dma_wait3A_56] : memref<8x10000xf32, #tpu.memory_space<hbm>> -> memref<4x10000xf32, #tpu.memory_space<hbm>>
      tpu.wait_dma2 semaphore(%run_scoped3A : memref<!tpu.dma_semaphore, #tpu.memory_space<semaphore_mem>>) src(%dma_wait3A_57 : memref<4x10000xf32, #tpu.memory_space<hbm>>) dst(%arg8 : memref<4x10000xf32, #tpu.memory_space<vmem>>)
      tpu.yield
    }) : () -> ()
    %mul3A_34 = arith.constant 4 : i32
    %mul3A_35 = arith.muli %select_n3A_31, %mul3A_34 : i32
    "tpu.region"() ({
      %run_scoped3A = tpu.sem_alloc : memref<!tpu.dma_semaphore, #tpu.memory_space<semaphore_mem>>
      %dma_start3A = arith.constant 0 : i32
      %dma_start3A_52 = tpu.memref_slice %arg4[%mul3A_35, %dma_start3A] : memref<8x10000xf32, #tpu.memory_space<hbm>> -> memref<4x10000xf32, #tpu.memory_space<hbm>>
      %dma_start3A_53 = arith.constant 0 : i32
      %dma_start3A_54 = tpu.memref_slice %arg4[%mul3A_35, %dma_start3A_53] : memref<8x10000xf32, #tpu.memory_space<hbm>> -> memref<4x10000xf32, #tpu.memory_space<hbm>>
      tpu.enqueue_dma source(%dma_start3A_54 : memref<4x10000xf32, #tpu.memory_space<hbm>>) target(%arg9 : memref<4x10000xf32, #tpu.memory_space<vmem>>) target_semaphore(%run_scoped3A : memref<!tpu.dma_semaphore, #tpu.memory_space<semaphore_mem>>)
      %dma_wait3A = arith.constant 0 : i32
      %dma_wait3A_55 = tpu.memref_slice %arg4[%mul3A_35, %dma_wait3A] : memref<8x10000xf32, #tpu.memory_space<hbm>> -> memref<4x10000xf32, #tpu.memory_space<hbm>>
      %dma_wait3A_56 = arith.constant 0 : i32
      %dma_wait3A_57 = tpu.memref_slice %arg4[%mul3A_35, %dma_wait3A_56] : memref<8x10000xf32, #tpu.memory_space<hbm>> -> memref<4x10000xf32, #tpu.memory_space<hbm>>
      tpu.wait_dma2 semaphore(%run_scoped3A : memref<!tpu.dma_semaphore, #tpu.memory_space<semaphore_mem>>) src(%dma_wait3A_57 : memref<4x10000xf32, #tpu.memory_space<hbm>>) dst(%arg9 : memref<4x10000xf32, #tpu.memory_space<vmem>>)
      tpu.yield
    }) : () -> ()
    %mul3A_36 = arith.constant 4 : i32
    %mul3A_37 = arith.muli %select_n3A_31, %mul3A_36 : i32
    "tpu.region"() ({
      %run_scoped3A = tpu.sem_alloc : memref<!tpu.dma_semaphore, #tpu.memory_space<semaphore_mem>>
      %dma_start3A = arith.constant 0 : i32
      %dma_start3A_52 = tpu.memref_slice %arg5[%mul3A_37, %dma_start3A] : memref<8x10000xf32, #tpu.memory_space<hbm>> -> memref<4x10000xf32, #tpu.memory_space<hbm>>
      %dma_start3A_53 = arith.constant 0 : i32
      %dma_start3A_54 = tpu.memref_slice %arg5[%mul3A_37, %dma_start3A_53] : memref<8x10000xf32, #tpu.memory_space<hbm>> -> memref<4x10000xf32, #tpu.memory_space<hbm>>
      tpu.enqueue_dma source(%dma_start3A_54 : memref<4x10000xf32, #tpu.memory_space<hbm>>) target(%arg10 : memref<4x10000xf32, #tpu.memory_space<vmem>>) target_semaphore(%run_scoped3A : memref<!tpu.dma_semaphore, #tpu.memory_space<semaphore_mem>>)
      %dma_wait3A = arith.constant 0 : i32
      %dma_wait3A_55 = tpu.memref_slice %arg5[%mul3A_37, %dma_wait3A] : memref<8x10000xf32, #tpu.memory_space<hbm>> -> memref<4x10000xf32, #tpu.memory_space<hbm>>
      %dma_wait3A_56 = arith.constant 0 : i32
      %dma_wait3A_57 = tpu.memref_slice %arg5[%mul3A_37, %dma_wait3A_56] : memref<8x10000xf32, #tpu.memory_space<hbm>> -> memref<4x10000xf32, #tpu.memory_space<hbm>>
      tpu.wait_dma2 semaphore(%run_scoped3A : memref<!tpu.dma_semaphore, #tpu.memory_space<semaphore_mem>>) src(%dma_wait3A_57 : memref<4x10000xf32, #tpu.memory_space<hbm>>) dst(%arg10 : memref<4x10000xf32, #tpu.memory_space<vmem>>)
      tpu.yield
    }) : () -> ()
    %lt3A_38 = arith.constant 4 : i32
    %lt3A_39 = arith.cmpi slt, %select_n3A, %lt3A_38 : i32
    %jit3A_40 = arith.constant 32 : i32
    %jit3A_41 = arith.constant 31 : i32
    %select_n3A_42 = arith.select %lt3A_39, %jit3A_40, %jit3A_41 : i32
    %while3A = arith.constant 0 : i32
    %while3A_43 = arith.constant 0 : i32
    %while3A_44 = arith.subi %select_n3A_42, %while3A_43 : i32
    %while3A_45 = arith.addi %while3A_43, %while3A_44 : i32
    %while3A_46 = arith.constant 1 : i32
    %while3A_47 = arith.divsi %while3A_44, %while3A_46 : i32
    %while3A_48 = arith.muli %while3A_47, %while3A_46 : i32
    %while3A_49 = arith.addi %while3A_43, %while3A_48 : i32
    %while3A_50 = arith.constant 1 : i32
    scf.for %while3A_52 = %while3A_43 to %while3A_49 step %while3A_50  : i32 {
      %mul3A_53 = arith.constant 16 : i32
      %mul3A_54 = arith.muli %while3A_52, %mul3A_53 : i32
      %add3A_55 = arith.addi %select_n3A, %mul3A_54 : i32
      %mul3A_56 = arith.constant 640 : i32
      %mul3A_57 = arith.muli %add3A_55, %mul3A_56 : i32
      "tpu.region"() ({
        %run_scoped3A = tpu.sem_alloc : memref<!tpu.dma_semaphore, #tpu.memory_space<semaphore_mem>>
        %dma_start3A = arith.constant 0 : i32
        %dma_start3A_65 = tpu.memref_slice %arg2[%dma_start3A, %mul3A_57] : memref<2x320000xi32, #tpu.memory_space<hbm>> -> memref<2x640xi32, #tpu.memory_space<hbm>>
        %dma_start3A_66 = arith.constant 0 : i32
        %dma_start3A_67 = tpu.memref_slice %arg2[%dma_start3A_66, %mul3A_57] : memref<2x320000xi32, #tpu.memory_space<hbm>> -> memref<2x640xi32, #tpu.memory_space<hbm>>
        tpu.enqueue_dma source(%dma_start3A_67 : memref<2x640xi32, #tpu.memory_space<hbm>>) target(%arg7 : memref<2x640xi32, #tpu.memory_space<vmem>>) target_semaphore(%run_scoped3A : memref<!tpu.dma_semaphore, #tpu.memory_space<semaphore_mem>>)
        %dma_wait3A = arith.constant 0 : i32
        %dma_wait3A_68 = tpu.memref_slice %arg2[%dma_wait3A, %mul3A_57] : memref<2x320000xi32, #tpu.memory_space<hbm>> -> memref<2x640xi32, #tpu.memory_space<hbm>>
        %dma_wait3A_69 = arith.constant 0 : i32
        %dma_wait3A_70 = tpu.memref_slice %arg2[%dma_wait3A_69, %mul3A_57] : memref<2x320000xi32, #tpu.memory_space<hbm>> -> memref<2x640xi32, #tpu.memory_space<hbm>>
        tpu.wait_dma2 semaphore(%run_scoped3A : memref<!tpu.dma_semaphore, #tpu.memory_space<semaphore_mem>>) src(%dma_wait3A_70 : memref<2x640xi32, #tpu.memory_space<hbm>>) dst(%arg7 : memref<2x640xi32, #tpu.memory_space<vmem>>)
        tpu.yield
      }) : () -> ()
      %scan3A = arith.constant 0 : i32
      %scan3A_58 = arith.constant 0 : i32
      %scan3A_59 = arith.constant 40 : i32
      %scan3A_60 = arith.addi %scan3A_58, %scan3A_59 : i32
      %scan3A_61 = arith.constant 1 : i32
      scf.for %scan3A_65 = %scan3A_58 to %scan3A_60 step %scan3A_61  : i32 {
        %mul3A_66 = arith.constant 16 : i32
        %mul3A_67 = arith.muli %scan3A_65, %mul3A_66 : i32
        %add3A_68 = vector.broadcast %mul3A_67 : i32 to vector<16xi32>
        %add3A_69 = arith.addi %add3A_68, %iota3A : vector<16xi32>
        %mul3A_70 = arith.constant 16 : i32
        %mul3A_71 = arith.muli %scan3A_65, %mul3A_70 : i32
        %get3A = arith.constant 0 : i32
        %get3A_72 = arith.index_cast %get3A : i32 to index
        %get3A_73 = arith.index_cast %mul3A_71 : i32 to index
        %get3A_74 = tpu.vector_load %arg7[%get3A_72, %get3A_73] {strides = array<i32>} : memref<2x640xi32, #tpu.memory_space<vmem>>, vector<16xi32>,
        %mul3A_75 = arith.constant 16 : i32
        %mul3A_76 = arith.muli %scan3A_65, %mul3A_75 : i32
        %get3A_77 = arith.constant 1 : i32
        %get3A_78 = arith.index_cast %get3A_77 : i32 to index
        %get3A_79 = arith.index_cast %mul3A_76 : i32 to index
        %get3A_80 = tpu.vector_load %arg7[%get3A_78, %get3A_79] {strides = array<i32>} : memref<2x640xi32, #tpu.memory_space<vmem>>, vector<16xi32>,
        %broadcast_in_dim3A_81 = arith.constant 0 : i32
        %broadcast_in_dim3A_82 = vector.broadcast %broadcast_in_dim3A_81 : i32 to vector<16xi32>
        %gather3A = tpu.vector_load_idx %arg8[%broadcast_in_dim3A_82, %get3A_74] : memref<4x10000xf32, #tpu.memory_space<vmem>>[vector<16xi32>, vector<16xi32>], vector<16xf32>,
        %gather3A_83 = tpu.vector_load_idx %arg9[%broadcast_in_dim3A_82, %get3A_80] : memref<4x10000xf32, #tpu.memory_space<vmem>>[vector<16xi32>, vector<16xi32>], vector<16xf32>,
        %add3A_84 = arith.addf %gather3A, %gather3A_83 : vector<16xf32>
        %ge3A = arith.constant 0.000000e+00 : f32
        %ge3A_85 = vector.broadcast %ge3A : f32 to vector<16xf32>
        %ge3A_86 = arith.cmpf oge, %add3A_84, %ge3A_85 : vector<16xf32>
        %mul3A_87 = arith.constant 2.000000e-01 : f32
        %mul3A_88 = vector.broadcast %mul3A_87 : f32 to vector<16xf32>
        %mul3A_89 = arith.mulf %mul3A_88, %add3A_84 : vector<16xf32>
        %select_n3A_90 = arith.select %ge3A_86, %add3A_84, %mul3A_89 : vector<16xi1>, vector<16xf32>
        %exp3A = math.exp %select_n3A_90 : vector<16xf32>
        %gather3A_91 = tpu.vector_load_idx %arg10[%broadcast_in_dim3A_82, %get3A_80] : memref<4x10000xf32, #tpu.memory_space<vmem>>[vector<16xi32>, vector<16xi32>], vector<16xf32>,
        %add3A_92 = arith.constant 1.000000e-16 : f32
        %add3A_93 = vector.broadcast %add3A_92 : f32 to vector<16xf32>
        %add3A_94 = arith.addf %gather3A_91, %add3A_93 : vector<16xf32>
        %div3A_95 = arith.divf %exp3A, %add3A_94 : vector<16xf32>
        tpu.vector_store_idx %arg11[%broadcast_in_dim3A_82, %broadcast_in_dim3A_1, %add3A_69], %div3A_95 : memref<4x1x640xf32, #tpu.memory_space<vmem>>[vector<16xi32>, vector<16xi32>, vector<16xi32>], vector<16xf32>,
        %broadcast_in_dim3A_96 = arith.constant 1 : i32
        %broadcast_in_dim3A_97 = vector.broadcast %broadcast_in_dim3A_96 : i32 to vector<16xi32>
        %gather3A_98 = tpu.vector_load_idx %arg8[%broadcast_in_dim3A_97, %get3A_74] : memref<4x10000xf32, #tpu.memory_space<vmem>>[vector<16xi32>, vector<16xi32>], vector<16xf32>,
        %gather3A_99 = tpu.vector_load_idx %arg9[%broadcast_in_dim3A_97, %get3A_80] : memref<4x10000xf32, #tpu.memory_space<vmem>>[vector<16xi32>, vector<16xi32>], vector<16xf32>,
        %add3A_100 = arith.addf %gather3A_98, %gather3A_99 : vector<16xf32>
        %ge3A_101 = arith.constant 0.000000e+00 : f32
        %ge3A_102 = vector.broadcast %ge3A_101 : f32 to vector<16xf32>
        %ge3A_103 = arith.cmpf oge, %add3A_100, %ge3A_102 : vector<16xf32>
        %mul3A_104 = arith.constant 2.000000e-01 : f32
        %mul3A_105 = vector.broadcast %mul3A_104 : f32 to vector<16xf32>
        %mul3A_106 = arith.mulf %mul3A_105, %add3A_100 : vector<16xf32>
        %select_n3A_107 = arith.select %ge3A_103, %add3A_100, %mul3A_106 : vector<16xi1>, vector<16xf32>
        %exp3A_108 = math.exp %select_n3A_107 : vector<16xf32>
        %gather3A_109 = tpu.vector_load_idx %arg10[%broadcast_in_dim3A_97, %get3A_80] : memref<4x10000xf32, #tpu.memory_space<vmem>>[vector<16xi32>, vector<16xi32>], vector<16xf32>,
        %add3A_110 = arith.constant 1.000000e-16 : f32
        %add3A_111 = vector.broadcast %add3A_110 : f32 to vector<16xf32>
        %add3A_112 = arith.addf %gather3A_109, %add3A_111 : vector<16xf32>
        %div3A_113 = arith.divf %exp3A_108, %add3A_112 : vector<16xf32>
        tpu.vector_store_idx %arg11[%broadcast_in_dim3A_97, %broadcast_in_dim3A_1, %add3A_69], %div3A_113 : memref<4x1x640xf32, #tpu.memory_space<vmem>>[vector<16xi32>, vector<16xi32>, vector<16xi32>], vector<16xf32>,
        %broadcast_in_dim3A_114 = arith.constant 2 : i32
        %broadcast_in_dim3A_115 = vector.broadcast %broadcast_in_dim3A_114 : i32 to vector<16xi32>
        %gather3A_116 = tpu.vector_load_idx %arg8[%broadcast_in_dim3A_115, %get3A_74] : memref<4x10000xf32, #tpu.memory_space<vmem>>[vector<16xi32>, vector<16xi32>], vector<16xf32>,
        %gather3A_117 = tpu.vector_load_idx %arg9[%broadcast_in_dim3A_115, %get3A_80] : memref<4x10000xf32, #tpu.memory_space<vmem>>[vector<16xi32>, vector<16xi32>], vector<16xf32>,
        %add3A_118 = arith.addf %gather3A_116, %gather3A_117 : vector<16xf32>
        %ge3A_119 = arith.constant 0.000000e+00 : f32
        %ge3A_120 = vector.broadcast %ge3A_119 : f32 to vector<16xf32>
        %ge3A_121 = arith.cmpf oge, %add3A_118, %ge3A_120 : vector<16xf32>
        %mul3A_122 = arith.constant 2.000000e-01 : f32
        %mul3A_123 = vector.broadcast %mul3A_122 : f32 to vector<16xf32>
        %mul3A_124 = arith.mulf %mul3A_123, %add3A_118 : vector<16xf32>
        %select_n3A_125 = arith.select %ge3A_121, %add3A_118, %mul3A_124 : vector<16xi1>, vector<16xf32>
        %exp3A_126 = math.exp %select_n3A_125 : vector<16xf32>
        %gather3A_127 = tpu.vector_load_idx %arg10[%broadcast_in_dim3A_115, %get3A_80] : memref<4x10000xf32, #tpu.memory_space<vmem>>[vector<16xi32>, vector<16xi32>], vector<16xf32>,
        %add3A_128 = arith.constant 1.000000e-16 : f32
        %add3A_129 = vector.broadcast %add3A_128 : f32 to vector<16xf32>
        %add3A_130 = arith.addf %gather3A_127, %add3A_129 : vector<16xf32>
        %div3A_131 = arith.divf %exp3A_126, %add3A_130 : vector<16xf32>
        tpu.vector_store_idx %arg11[%broadcast_in_dim3A_115, %broadcast_in_dim3A_1, %add3A_69], %div3A_131 : memref<4x1x640xf32, #tpu.memory_space<vmem>>[vector<16xi32>, vector<16xi32>, vector<16xi32>], vector<16xf32>,
        %broadcast_in_dim3A_132 = arith.constant 3 : i32
        %broadcast_in_dim3A_133 = vector.broadcast %broadcast_in_dim3A_132 : i32 to vector<16xi32>
        %gather3A_134 = tpu.vector_load_idx %arg8[%broadcast_in_dim3A_133, %get3A_74] : memref<4x10000xf32, #tpu.memory_space<vmem>>[vector<16xi32>, vector<16xi32>], vector<16xf32>,
        %gather3A_135 = tpu.vector_load_idx %arg9[%broadcast_in_dim3A_133, %get3A_80] : memref<4x10000xf32, #tpu.memory_space<vmem>>[vector<16xi32>, vector<16xi32>], vector<16xf32>,
        %add3A_136 = arith.addf %gather3A_134, %gather3A_135 : vector<16xf32>
        %ge3A_137 = arith.constant 0.000000e+00 : f32
        %ge3A_138 = vector.broadcast %ge3A_137 : f32 to vector<16xf32>
        %ge3A_139 = arith.cmpf oge, %add3A_136, %ge3A_138 : vector<16xf32>
        %mul3A_140 = arith.constant 2.000000e-01 : f32
        %mul3A_141 = vector.broadcast %mul3A_140 : f32 to vector<16xf32>
        %mul3A_142 = arith.mulf %mul3A_141, %add3A_136 : vector<16xf32>
        %select_n3A_143 = arith.select %ge3A_139, %add3A_136, %mul3A_142 : vector<16xi1>, vector<16xf32>
        %exp3A_144 = math.exp %select_n3A_143 : vector<16xf32>
        %gather3A_145 = tpu.vector_load_idx %arg10[%broadcast_in_dim3A_133, %get3A_80] : memref<4x10000xf32, #tpu.memory_space<vmem>>[vector<16xi32>, vector<16xi32>], vector<16xf32>,
        %add3A_146 = arith.constant 1.000000e-16 : f32
        %add3A_147 = vector.broadcast %add3A_146 : f32 to vector<16xf32>
        %add3A_148 = arith.addf %gather3A_145, %add3A_147 : vector<16xf32>
        %div3A_149 = arith.divf %exp3A_144, %add3A_148 : vector<16xf32>
        tpu.vector_store_idx %arg11[%broadcast_in_dim3A_133, %broadcast_in_dim3A_1, %add3A_69], %div3A_149 : memref<4x1x640xf32, #tpu.memory_space<vmem>>[vector<16xi32>, vector<16xi32>, vector<16xi32>], vector<16xf32>,
      }
      %scan3A_62 = arith.constant 40 : i32
      %mul3A_63 = arith.constant 4 : i32
      %mul3A_64 = arith.muli %select_n3A_31, %mul3A_63 : i32
      "tpu.region"() ({
        %run_scoped3A = tpu.sem_alloc : memref<!tpu.dma_semaphore, #tpu.memory_space<semaphore_mem>>
        %dma_start3A = arith.constant 0 : i32
        %dma_start3A_65 = tpu.memref_slice %arg6[%mul3A_64, %dma_start3A, %mul3A_57] : memref<8x1x320000xf32, #tpu.memory_space<hbm>> -> memref<4x1x640xf32, #tpu.memory_space<hbm>>
        %dma_start3A_66 = arith.constant 0 : i32
        %dma_start3A_67 = tpu.memref_slice %arg6[%mul3A_64, %dma_start3A_66, %mul3A_57] : memref<8x1x320000xf32, #tpu.memory_space<hbm>> -> memref<4x1x640xf32, #tpu.memory_space<hbm>>
        tpu.enqueue_dma source(%arg11 : memref<4x1x640xf32, #tpu.memory_space<vmem>>) target(%dma_start3A_67 : memref<4x1x640xf32, #tpu.memory_space<hbm>>) target_semaphore(%run_scoped3A : memref<!tpu.dma_semaphore, #tpu.memory_space<semaphore_mem>>)
        %dma_wait3A = arith.constant 0 : i32
        %dma_wait3A_68 = tpu.memref_slice %arg6[%mul3A_64, %dma_wait3A, %mul3A_57] : memref<8x1x320000xf32, #tpu.memory_space<hbm>> -> memref<4x1x640xf32, #tpu.memory_space<hbm>>
        %dma_wait3A_69 = arith.constant 0 : i32
        %dma_wait3A_70 = tpu.memref_slice %arg6[%mul3A_64, %dma_wait3A_69, %mul3A_57] : memref<8x1x320000xf32, #tpu.memory_space<hbm>> -> memref<4x1x640xf32, #tpu.memory_space<hbm>>
        tpu.wait_dma2 semaphore(%run_scoped3A : memref<!tpu.dma_semaphore, #tpu.memory_space<semaphore_mem>>) src(%arg11 : memref<4x1x640xf32, #tpu.memory_space<vmem>>) dst(%dma_wait3A_70 : memref<4x1x640xf32, #tpu.memory_space<hbm>>)
        tpu.yield
      }) : () -> ()
    }
    %while3A_51 = arith.constant 1 : i32
    scf.for %while3A_52 = %while3A_49 to %while3A_45 step %while3A_51  : i32 {
      %mul3A_53 = arith.constant 16 : i32
      %mul3A_54 = arith.muli %while3A_52, %mul3A_53 : i32
      %add3A_55 = arith.addi %select_n3A, %mul3A_54 : i32
      %mul3A_56 = arith.constant 640 : i32
      %mul3A_57 = arith.muli %add3A_55, %mul3A_56 : i32
      "tpu.region"() ({
        %run_scoped3A = tpu.sem_alloc : memref<!tpu.dma_semaphore, #tpu.memory_space<semaphore_mem>>
        %dma_start3A = arith.constant 0 : i32
        %dma_start3A_65 = tpu.memref_slice %arg2[%dma_start3A, %mul3A_57] : memref<2x320000xi32, #tpu.memory_space<hbm>> -> memref<2x640xi32, #tpu.memory_space<hbm>>
        %dma_start3A_66 = arith.constant 0 : i32
        %dma_start3A_67 = tpu.memref_slice %arg2[%dma_start3A_66, %mul3A_57] : memref<2x320000xi32, #tpu.memory_space<hbm>> -> memref<2x640xi32, #tpu.memory_space<hbm>>
        tpu.enqueue_dma source(%dma_start3A_67 : memref<2x640xi32, #tpu.memory_space<hbm>>) target(%arg7 : memref<2x640xi32, #tpu.memory_space<vmem>>) target_semaphore(%run_scoped3A : memref<!tpu.dma_semaphore, #tpu.memory_space<semaphore_mem>>)
        %dma_wait3A = arith.constant 0 : i32
        %dma_wait3A_68 = tpu.memref_slice %arg2[%dma_wait3A, %mul3A_57] : memref<2x320000xi32, #tpu.memory_space<hbm>> -> memref<2x640xi32, #tpu.memory_space<hbm>>
        %dma_wait3A_69 = arith.constant 0 : i32
        %dma_wait3A_70 = tpu.memref_slice %arg2[%dma_wait3A_69, %mul3A_57] : memref<2x320000xi32, #tpu.memory_space<hbm>> -> memref<2x640xi32, #tpu.memory_space<hbm>>
        tpu.wait_dma2 semaphore(%run_scoped3A : memref<!tpu.dma_semaphore, #tpu.memory_space<semaphore_mem>>) src(%dma_wait3A_70 : memref<2x640xi32, #tpu.memory_space<hbm>>) dst(%arg7 : memref<2x640xi32, #tpu.memory_space<vmem>>)
        tpu.yield
      }) : () -> ()
      %scan3A = arith.constant 0 : i32
      %scan3A_58 = arith.constant 0 : i32
      %scan3A_59 = arith.constant 40 : i32
      %scan3A_60 = arith.addi %scan3A_58, %scan3A_59 : i32
      %scan3A_61 = arith.constant 1 : i32
      scf.for %scan3A_65 = %scan3A_58 to %scan3A_60 step %scan3A_61  : i32 {
        %mul3A_66 = arith.constant 16 : i32
        %mul3A_67 = arith.muli %scan3A_65, %mul3A_66 : i32
        %add3A_68 = vector.broadcast %mul3A_67 : i32 to vector<16xi32>
        %add3A_69 = arith.addi %add3A_68, %iota3A : vector<16xi32>
        %mul3A_70 = arith.constant 16 : i32
        %mul3A_71 = arith.muli %scan3A_65, %mul3A_70 : i32
        %get3A = arith.constant 0 : i32
        %get3A_72 = arith.index_cast %get3A : i32 to index
        %get3A_73 = arith.index_cast %mul3A_71 : i32 to index
        %get3A_74 = tpu.vector_load %arg7[%get3A_72, %get3A_73] {strides = array<i32>} : memref<2x640xi32, #tpu.memory_space<vmem>>, vector<16xi32>,
        %mul3A_75 = arith.constant 16 : i32
        %mul3A_76 = arith.muli %scan3A_65, %mul3A_75 : i32
        %get3A_77 = arith.constant 1 : i32
        %get3A_78 = arith.index_cast %get3A_77 : i32 to index
        %get3A_79 = arith.index_cast %mul3A_76 : i32 to index
        %get3A_80 = tpu.vector_load %arg7[%get3A_78, %get3A_79] {strides = array<i32>} : memref<2x640xi32, #tpu.memory_space<vmem>>, vector<16xi32>,
        %broadcast_in_dim3A_81 = arith.constant 0 : i32
        %broadcast_in_dim3A_82 = vector.broadcast %broadcast_in_dim3A_81 : i32 to vector<16xi32>
        %gather3A = tpu.vector_load_idx %arg8[%broadcast_in_dim3A_82, %get3A_74] : memref<4x10000xf32, #tpu.memory_space<vmem>>[vector<16xi32>, vector<16xi32>], vector<16xf32>,
        %gather3A_83 = tpu.vector_load_idx %arg9[%broadcast_in_dim3A_82, %get3A_80] : memref<4x10000xf32, #tpu.memory_space<vmem>>[vector<16xi32>, vector<16xi32>], vector<16xf32>,
        %add3A_84 = arith.addf %gather3A, %gather3A_83 : vector<16xf32>
        %ge3A = arith.constant 0.000000e+00 : f32
        %ge3A_85 = vector.broadcast %ge3A : f32 to vector<16xf32>
        %ge3A_86 = arith.cmpf oge, %add3A_84, %ge3A_85 : vector<16xf32>
        %mul3A_87 = arith.constant 2.000000e-01 : f32
        %mul3A_88 = vector.broadcast %mul3A_87 : f32 to vector<16xf32>
        %mul3A_89 = arith.mulf %mul3A_88, %add3A_84 : vector<16xf32>
        %select_n3A_90 = arith.select %ge3A_86, %add3A_84, %mul3A_89 : vector<16xi1>, vector<16xf32>
        %exp3A = math.exp %select_n3A_90 : vector<16xf32>
        %gather3A_91 = tpu.vector_load_idx %arg10[%broadcast_in_dim3A_82, %get3A_80] : memref<4x10000xf32, #tpu.memory_space<vmem>>[vector<16xi32>, vector<16xi32>], vector<16xf32>,
        %add3A_92 = arith.constant 1.000000e-16 : f32
        %add3A_93 = vector.broadcast %add3A_92 : f32 to vector<16xf32>
        %add3A_94 = arith.addf %gather3A_91, %add3A_93 : vector<16xf32>
        %div3A_95 = arith.divf %exp3A, %add3A_94 : vector<16xf32>
        tpu.vector_store_idx %arg11[%broadcast_in_dim3A_82, %broadcast_in_dim3A_1, %add3A_69], %div3A_95 : memref<4x1x640xf32, #tpu.memory_space<vmem>>[vector<16xi32>, vector<16xi32>, vector<16xi32>], vector<16xf32>,
        %broadcast_in_dim3A_96 = arith.constant 1 : i32
        %broadcast_in_dim3A_97 = vector.broadcast %broadcast_in_dim3A_96 : i32 to vector<16xi32>
        %gather3A_98 = tpu.vector_load_idx %arg8[%broadcast_in_dim3A_97, %get3A_74] : memref<4x10000xf32, #tpu.memory_space<vmem>>[vector<16xi32>, vector<16xi32>], vector<16xf32>,
        %gather3A_99 = tpu.vector_load_idx %arg9[%broadcast_in_dim3A_97, %get3A_80] : memref<4x10000xf32, #tpu.memory_space<vmem>>[vector<16xi32>, vector<16xi32>], vector<16xf32>,
        %add3A_100 = arith.addf %gather3A_98, %gather3A_99 : vector<16xf32>
        %ge3A_101 = arith.constant 0.000000e+00 : f32
        %ge3A_102 = vector.broadcast %ge3A_101 : f32 to vector<16xf32>
        %ge3A_103 = arith.cmpf oge, %add3A_100, %ge3A_102 : vector<16xf32>
        %mul3A_104 = arith.constant 2.000000e-01 : f32
        %mul3A_105 = vector.broadcast %mul3A_104 : f32 to vector<16xf32>
        %mul3A_106 = arith.mulf %mul3A_105, %add3A_100 : vector<16xf32>
        %select_n3A_107 = arith.select %ge3A_103, %add3A_100, %mul3A_106 : vector<16xi1>, vector<16xf32>
        %exp3A_108 = math.exp %select_n3A_107 : vector<16xf32>
        %gather3A_109 = tpu.vector_load_idx %arg10[%broadcast_in_dim3A_97, %get3A_80] : memref<4x10000xf32, #tpu.memory_space<vmem>>[vector<16xi32>, vector<16xi32>], vector<16xf32>,
        %add3A_110 = arith.constant 1.000000e-16 : f32
        %add3A_111 = vector.broadcast %add3A_110 : f32 to vector<16xf32>
        %add3A_112 = arith.addf %gather3A_109, %add3A_111 : vector<16xf32>
        %div3A_113 = arith.divf %exp3A_108, %add3A_112 : vector<16xf32>
        tpu.vector_store_idx %arg11[%broadcast_in_dim3A_97, %broadcast_in_dim3A_1, %add3A_69], %div3A_113 : memref<4x1x640xf32, #tpu.memory_space<vmem>>[vector<16xi32>, vector<16xi32>, vector<16xi32>], vector<16xf32>,
        %broadcast_in_dim3A_114 = arith.constant 2 : i32
        %broadcast_in_dim3A_115 = vector.broadcast %broadcast_in_dim3A_114 : i32 to vector<16xi32>
        %gather3A_116 = tpu.vector_load_idx %arg8[%broadcast_in_dim3A_115, %get3A_74] : memref<4x10000xf32, #tpu.memory_space<vmem>>[vector<16xi32>, vector<16xi32>], vector<16xf32>,
        %gather3A_117 = tpu.vector_load_idx %arg9[%broadcast_in_dim3A_115, %get3A_80] : memref<4x10000xf32, #tpu.memory_space<vmem>>[vector<16xi32>, vector<16xi32>], vector<16xf32>,
        %add3A_118 = arith.addf %gather3A_116, %gather3A_117 : vector<16xf32>
        %ge3A_119 = arith.constant 0.000000e+00 : f32
        %ge3A_120 = vector.broadcast %ge3A_119 : f32 to vector<16xf32>
        %ge3A_121 = arith.cmpf oge, %add3A_118, %ge3A_120 : vector<16xf32>
        %mul3A_122 = arith.constant 2.000000e-01 : f32
        %mul3A_123 = vector.broadcast %mul3A_122 : f32 to vector<16xf32>
        %mul3A_124 = arith.mulf %mul3A_123, %add3A_118 : vector<16xf32>
        %select_n3A_125 = arith.select %ge3A_121, %add3A_118, %mul3A_124 : vector<16xi1>, vector<16xf32>
        %exp3A_126 = math.exp %select_n3A_125 : vector<16xf32>
        %gather3A_127 = tpu.vector_load_idx %arg10[%broadcast_in_dim3A_115, %get3A_80] : memref<4x10000xf32, #tpu.memory_space<vmem>>[vector<16xi32>, vector<16xi32>], vector<16xf32>,
        %add3A_128 = arith.constant 1.000000e-16 : f32
        %add3A_129 = vector.broadcast %add3A_128 : f32 to vector<16xf32>
        %add3A_130 = arith.addf %gather3A_127, %add3A_129 : vector<16xf32>
        %div3A_131 = arith.divf %exp3A_126, %add3A_130 : vector<16xf32>
        tpu.vector_store_idx %arg11[%broadcast_in_dim3A_115, %broadcast_in_dim3A_1, %add3A_69], %div3A_131 : memref<4x1x640xf32, #tpu.memory_space<vmem>>[vector<16xi32>, vector<16xi32>, vector<16xi32>], vector<16xf32>,
        %broadcast_in_dim3A_132 = arith.constant 3 : i32
        %broadcast_in_dim3A_133 = vector.broadcast %broadcast_in_dim3A_132 : i32 to vector<16xi32>
        %gather3A_134 = tpu.vector_load_idx %arg8[%broadcast_in_dim3A_133, %get3A_74] : memref<4x10000xf32, #tpu.memory_space<vmem>>[vector<16xi32>, vector<16xi32>], vector<16xf32>,
        %gather3A_135 = tpu.vector_load_idx %arg9[%broadcast_in_dim3A_133, %get3A_80] : memref<4x10000xf32, #tpu.memory_space<vmem>>[vector<16xi32>, vector<16xi32>], vector<16xf32>,
        %add3A_136 = arith.addf %gather3A_134, %gather3A_135 : vector<16xf32>
        %ge3A_137 = arith.constant 0.000000e+00 : f32
        %ge3A_138 = vector.broadcast %ge3A_137 : f32 to vector<16xf32>
        %ge3A_139 = arith.cmpf oge, %add3A_136, %ge3A_138 : vector<16xf32>
        %mul3A_140 = arith.constant 2.000000e-01 : f32
        %mul3A_141 = vector.broadcast %mul3A_140 : f32 to vector<16xf32>
        %mul3A_142 = arith.mulf %mul3A_141, %add3A_136 : vector<16xf32>
        %select_n3A_143 = arith.select %ge3A_139, %add3A_136, %mul3A_142 : vector<16xi1>, vector<16xf32>
        %exp3A_144 = math.exp %select_n3A_143 : vector<16xf32>
        %gather3A_145 = tpu.vector_load_idx %arg10[%broadcast_in_dim3A_133, %get3A_80] : memref<4x10000xf32, #tpu.memory_space<vmem>>[vector<16xi32>, vector<16xi32>], vector<16xf32>,
        %add3A_146 = arith.constant 1.000000e-16 : f32
        %add3A_147 = vector.broadcast %add3A_146 : f32 to vector<16xf32>
        %add3A_148 = arith.addf %gather3A_145, %add3A_147 : vector<16xf32>
        %div3A_149 = arith.divf %exp3A_144, %add3A_148 : vector<16xf32>
        tpu.vector_store_idx %arg11[%broadcast_in_dim3A_133, %broadcast_in_dim3A_1, %add3A_69], %div3A_149 : memref<4x1x640xf32, #tpu.memory_space<vmem>>[vector<16xi32>, vector<16xi32>, vector<16xi32>], vector<16xf32>,
      }
      %scan3A_62 = arith.constant 40 : i32
      %mul3A_63 = arith.constant 4 : i32
      %mul3A_64 = arith.muli %select_n3A_31, %mul3A_63 : i32
      "tpu.region"() ({
        %run_scoped3A = tpu.sem_alloc : memref<!tpu.dma_semaphore, #tpu.memory_space<semaphore_mem>>
        %dma_start3A = arith.constant 0 : i32
        %dma_start3A_65 = tpu.memref_slice %arg6[%mul3A_64, %dma_start3A, %mul3A_57] : memref<8x1x320000xf32, #tpu.memory_space<hbm>> -> memref<4x1x640xf32, #tpu.memory_space<hbm>>
        %dma_start3A_66 = arith.constant 0 : i32
        %dma_start3A_67 = tpu.memref_slice %arg6[%mul3A_64, %dma_start3A_66, %mul3A_57] : memref<8x1x320000xf32, #tpu.memory_space<hbm>> -> memref<4x1x640xf32, #tpu.memory_space<hbm>>
        tpu.enqueue_dma source(%arg11 : memref<4x1x640xf32, #tpu.memory_space<vmem>>) target(%dma_start3A_67 : memref<4x1x640xf32, #tpu.memory_space<hbm>>) target_semaphore(%run_scoped3A : memref<!tpu.dma_semaphore, #tpu.memory_space<semaphore_mem>>)
        %dma_wait3A = arith.constant 0 : i32
        %dma_wait3A_68 = tpu.memref_slice %arg6[%mul3A_64, %dma_wait3A, %mul3A_57] : memref<8x1x320000xf32, #tpu.memory_space<hbm>> -> memref<4x1x640xf32, #tpu.memory_space<hbm>>
        %dma_wait3A_69 = arith.constant 0 : i32
        %dma_wait3A_70 = tpu.memref_slice %arg6[%mul3A_64, %dma_wait3A_69, %mul3A_57] : memref<8x1x320000xf32, #tpu.memory_space<hbm>> -> memref<4x1x640xf32, #tpu.memory_space<hbm>>
        tpu.wait_dma2 semaphore(%run_scoped3A : memref<!tpu.dma_semaphore, #tpu.memory_space<semaphore_mem>>) src(%arg11 : memref<4x1x640xf32, #tpu.memory_space<vmem>>) dst(%dma_wait3A_70 : memref<4x1x640xf32, #tpu.memory_space<hbm>>)
        tpu.yield
      }) : () -> ()
    }
    return
  }
}

#map = affine_map<(d0, d1) -> (0, 0)>
#map1 = affine_map<(d0, d1) -> (0, 0, 0)>
module attributes {stable_mosaic.version = 14 : i64} {
  func.func @_l0a_body(%arg0: i32, %arg1: i32, %arg2: memref<2x320000xi32, #tpu.memory_space<hbm>>, %arg3: memref<8x10000xf32, #tpu.memory_space<hbm>>, %arg4: memref<8x10000xf32, #tpu.memory_space<hbm>>, %arg5: memref<32x4x10000xf32, #tpu.memory_space<hbm>>, %arg6: memref<2x4000xi32, #tpu.memory_space<vmem>>, %arg7: memref<4x10000xf32, #tpu.memory_space<vmem>>, %arg8: memref<4x10000xf32, #tpu.memory_space<vmem>>, %arg9: memref<4x10000xf32, #tpu.memory_space<vmem>>) attributes {dimension_semantics = [#tpu.dimension_semantics<core_parallel>, #tpu.dimension_semantics<subcore_parallel>], iteration_bounds = array<i64: 2, 16>, scalar_prefetch = 0 : i64, scratch_operands = 4 : i64, tpu.core_type = #tpu.core_type<sc_vector_subcore>, window_params = [{transform_indices = #map}, {transform_indices = #map}, {transform_indices = #map}, {transform_indices = #map1}]} {
    %mul3A = arith.constant 16 : i32
    %mul3A_0 = arith.muli %arg0, %mul3A : i32
    %add3A = arith.addi %mul3A_0, %arg1 : i32
    %jit3A = arith.constant 2 : i32
    %div3A = arith.divsi %add3A, %jit3A : i32
    %sign3A = arith.constant 0 : i32
    %sign3A_1 = arith.cmpi sgt, %add3A, %sign3A : i32
    %sign3A_2 = arith.extui %sign3A_1 : i1 to i32
    %sign3A_3 = arith.constant 0 : i32
    %sign3A_4 = arith.cmpi slt, %add3A, %sign3A_3 : i32
    %sign3A_5 = arith.extui %sign3A_4 : i1 to i32
    %sign3A_6 = arith.subi %sign3A_2, %sign3A_5 : i32
    %sign3A_7 = arith.constant 0 : i32
    %sign3A_8 = arith.cmpi sgt, %jit3A, %sign3A_7 : i32
    %sign3A_9 = arith.extui %sign3A_8 : i1 to i32
    %sign3A_10 = arith.constant 0 : i32
    %sign3A_11 = arith.cmpi slt, %jit3A, %sign3A_10 : i32
    %sign3A_12 = arith.extui %sign3A_11 : i1 to i32
    %sign3A_13 = arith.subi %sign3A_9, %sign3A_12 : i32
    %ne3A = arith.cmpi ne, %sign3A_6, %sign3A_13 : i32
    %rem3A = arith.remsi %add3A, %jit3A : i32
    %ne3A_14 = arith.constant 0 : i32
    %ne3A_15 = arith.cmpi ne, %rem3A, %ne3A_14 : i32
    %and3A = arith.andi %ne3A, %ne3A_15 : i1
    %sub3A = arith.constant 1 : i32
    %sub3A_16 = arith.subi %div3A, %sub3A : i32
    %select_n3A = arith.select %and3A, %sub3A_16, %div3A : i32
    %jit3A_17 = arith.constant 2 : i32
    %eq3A = arith.constant 0 : i32
    %eq3A_18 = arith.cmpi eq, %jit3A_17, %eq3A : i32
    %jit3A_19 = arith.constant 1 : i32
    %select_n3A_20 = arith.select %eq3A_18, %jit3A_19, %jit3A_17 : i32
    %rem3A_21 = arith.remsi %add3A, %select_n3A_20 : i32
    %ne3A_22 = arith.constant 0 : i32
    %ne3A_23 = arith.cmpi ne, %rem3A_21, %ne3A_22 : i32
    %lt3A = arith.constant 0 : i32
    %lt3A_24 = arith.cmpi slt, %rem3A_21, %lt3A : i32
    %lt3A_25 = arith.constant 0 : i32
    %lt3A_26 = arith.cmpi slt, %select_n3A_20, %lt3A_25 : i32
    %ne3A_27 = arith.xori %lt3A_24, %lt3A_26 : i1
    %and3A_28 = arith.andi %ne3A_27, %ne3A_23 : i1
    %add3A_29 = arith.addi %rem3A_21, %select_n3A_20 : i32
    %select_n3A_30 = arith.select %and3A_28, %add3A_29, %rem3A_21 : i32
    %mul3A_31 = arith.constant 4 : i32
    %mul3A_32 = arith.muli %select_n3A_30, %mul3A_31 : i32
    "tpu.region"() ({
      %run_scoped3A = tpu.sem_alloc : memref<!tpu.dma_semaphore, #tpu.memory_space<semaphore_mem>>
      %dma_start3A = arith.constant 0 : i32
      %dma_start3A_47 = tpu.memref_slice %arg3[%mul3A_32, %dma_start3A] : memref<8x10000xf32, #tpu.memory_space<hbm>> -> memref<4x10000xf32, #tpu.memory_space<hbm>>
      %dma_start3A_48 = arith.constant 0 : i32
      %dma_start3A_49 = tpu.memref_slice %arg3[%mul3A_32, %dma_start3A_48] : memref<8x10000xf32, #tpu.memory_space<hbm>> -> memref<4x10000xf32, #tpu.memory_space<hbm>>
      tpu.enqueue_dma source(%dma_start3A_49 : memref<4x10000xf32, #tpu.memory_space<hbm>>) target(%arg7 : memref<4x10000xf32, #tpu.memory_space<vmem>>) target_semaphore(%run_scoped3A : memref<!tpu.dma_semaphore, #tpu.memory_space<semaphore_mem>>)
      %dma_wait3A = arith.constant 0 : i32
      %dma_wait3A_50 = tpu.memref_slice %arg3[%mul3A_32, %dma_wait3A] : memref<8x10000xf32, #tpu.memory_space<hbm>> -> memref<4x10000xf32, #tpu.memory_space<hbm>>
      %dma_wait3A_51 = arith.constant 0 : i32
      %dma_wait3A_52 = tpu.memref_slice %arg3[%mul3A_32, %dma_wait3A_51] : memref<8x10000xf32, #tpu.memory_space<hbm>> -> memref<4x10000xf32, #tpu.memory_space<hbm>>
      tpu.wait_dma2 semaphore(%run_scoped3A : memref<!tpu.dma_semaphore, #tpu.memory_space<semaphore_mem>>) src(%dma_wait3A_52 : memref<4x10000xf32, #tpu.memory_space<hbm>>) dst(%arg7 : memref<4x10000xf32, #tpu.memory_space<vmem>>)
      tpu.yield
    }) : () -> ()
    %mul3A_33 = arith.constant 4 : i32
    %mul3A_34 = arith.muli %select_n3A_30, %mul3A_33 : i32
    "tpu.region"() ({
      %run_scoped3A = tpu.sem_alloc : memref<!tpu.dma_semaphore, #tpu.memory_space<semaphore_mem>>
      %dma_start3A = arith.constant 0 : i32
      %dma_start3A_47 = tpu.memref_slice %arg4[%mul3A_34, %dma_start3A] : memref<8x10000xf32, #tpu.memory_space<hbm>> -> memref<4x10000xf32, #tpu.memory_space<hbm>>
      %dma_start3A_48 = arith.constant 0 : i32
      %dma_start3A_49 = tpu.memref_slice %arg4[%mul3A_34, %dma_start3A_48] : memref<8x10000xf32, #tpu.memory_space<hbm>> -> memref<4x10000xf32, #tpu.memory_space<hbm>>
      tpu.enqueue_dma source(%dma_start3A_49 : memref<4x10000xf32, #tpu.memory_space<hbm>>) target(%arg8 : memref<4x10000xf32, #tpu.memory_space<vmem>>) target_semaphore(%run_scoped3A : memref<!tpu.dma_semaphore, #tpu.memory_space<semaphore_mem>>)
      %dma_wait3A = arith.constant 0 : i32
      %dma_wait3A_50 = tpu.memref_slice %arg4[%mul3A_34, %dma_wait3A] : memref<8x10000xf32, #tpu.memory_space<hbm>> -> memref<4x10000xf32, #tpu.memory_space<hbm>>
      %dma_wait3A_51 = arith.constant 0 : i32
      %dma_wait3A_52 = tpu.memref_slice %arg4[%mul3A_34, %dma_wait3A_51] : memref<8x10000xf32, #tpu.memory_space<hbm>> -> memref<4x10000xf32, #tpu.memory_space<hbm>>
      tpu.wait_dma2 semaphore(%run_scoped3A : memref<!tpu.dma_semaphore, #tpu.memory_space<semaphore_mem>>) src(%dma_wait3A_52 : memref<4x10000xf32, #tpu.memory_space<hbm>>) dst(%arg8 : memref<4x10000xf32, #tpu.memory_space<vmem>>)
      tpu.yield
    }) : () -> ()
    %broadcast_in_dim3A = arith.constant 0.000000e+00 : f32
    %broadcast_in_dim3A_35 = vector.broadcast %broadcast_in_dim3A : f32 to vector<16xf32>
    %scan3A = arith.constant 0 : i32
    %scan3A_36 = arith.constant 0 : i32
    %scan3A_37 = arith.constant 625 : i32
    %scan3A_38 = arith.addi %scan3A_36, %scan3A_37 : i32
    %scan3A_39 = arith.constant 1 : i32
    scf.for %scan3A_47 = %scan3A_36 to %scan3A_38 step %scan3A_39  : i32 {
      %mul3A_48 = arith.constant 16 : i32
      %mul3A_49 = arith.muli %scan3A_47, %mul3A_48 : i32
      %swap3A = arith.constant 0 : i32
      %swap3A_50 = arith.index_cast %swap3A : i32 to index
      %swap3A_51 = arith.index_cast %mul3A_49 : i32 to index
      %swap3A_52 = tpu.vector_load %arg9[%swap3A_50, %swap3A_51] {strides = array<i32>} : memref<4x10000xf32, #tpu.memory_space<vmem>>, vector<16xf32>,
      tpu.vector_store %arg9[%swap3A_50, %swap3A_51], %broadcast_in_dim3A_35 {strides = array<i32>} : memref<4x10000xf32, #tpu.memory_space<vmem>>, vector<16xf32>,
      %mul3A_53 = arith.constant 16 : i32
      %mul3A_54 = arith.muli %scan3A_47, %mul3A_53 : i32
      %swap3A_55 = arith.constant 1 : i32
      %swap3A_56 = arith.index_cast %swap3A_55 : i32 to index
      %swap3A_57 = arith.index_cast %mul3A_54 : i32 to index
      %swap3A_58 = tpu.vector_load %arg9[%swap3A_56, %swap3A_57] {strides = array<i32>} : memref<4x10000xf32, #tpu.memory_space<vmem>>, vector<16xf32>,
      tpu.vector_store %arg9[%swap3A_56, %swap3A_57], %broadcast_in_dim3A_35 {strides = array<i32>} : memref<4x10000xf32, #tpu.memory_space<vmem>>, vector<16xf32>,
      %mul3A_59 = arith.constant 16 : i32
      %mul3A_60 = arith.muli %scan3A_47, %mul3A_59 : i32
      %swap3A_61 = arith.constant 2 : i32
      %swap3A_62 = arith.index_cast %swap3A_61 : i32 to index
      %swap3A_63 = arith.index_cast %mul3A_60 : i32 to index
      %swap3A_64 = tpu.vector_load %arg9[%swap3A_62, %swap3A_63] {strides = array<i32>} : memref<4x10000xf32, #tpu.memory_space<vmem>>, vector<16xf32>,
      tpu.vector_store %arg9[%swap3A_62, %swap3A_63], %broadcast_in_dim3A_35 {strides = array<i32>} : memref<4x10000xf32, #tpu.memory_space<vmem>>, vector<16xf32>,
      %mul3A_65 = arith.constant 16 : i32
      %mul3A_66 = arith.muli %scan3A_47, %mul3A_65 : i32
      %swap3A_67 = arith.constant 3 : i32
      %swap3A_68 = arith.index_cast %swap3A_67 : i32 to index
      %swap3A_69 = arith.index_cast %mul3A_66 : i32 to index
      %swap3A_70 = tpu.vector_load %arg9[%swap3A_68, %swap3A_69] {strides = array<i32>} : memref<4x10000xf32, #tpu.memory_space<vmem>>, vector<16xf32>,
      tpu.vector_store %arg9[%swap3A_68, %swap3A_69], %broadcast_in_dim3A_35 {strides = array<i32>} : memref<4x10000xf32, #tpu.memory_space<vmem>>, vector<16xf32>,
    }
    %scan3A_40 = arith.constant 625 : i32
    %scan3A_41 = arith.constant 0 : i32
    %scan3A_42 = arith.constant 0 : i32
    %scan3A_43 = arith.constant 5 : i32
    %scan3A_44 = arith.addi %scan3A_42, %scan3A_43 : i32
    %scan3A_45 = arith.constant 1 : i32
    scf.for %scan3A_47 = %scan3A_42 to %scan3A_44 step %scan3A_45  : i32 {
      %mul3A_48 = arith.constant 20000 : i32
      %mul3A_49 = arith.muli %select_n3A, %mul3A_48 : i32
      %mul3A_50 = arith.constant 4000 : i32
      %mul3A_51 = arith.muli %scan3A_47, %mul3A_50 : i32
      %add3A_52 = arith.addi %mul3A_49, %mul3A_51 : i32
      "tpu.region"() ({
        %run_scoped3A = tpu.sem_alloc : memref<!tpu.dma_semaphore, #tpu.memory_space<semaphore_mem>>
        %dma_start3A = arith.constant 0 : i32
        %dma_start3A_59 = tpu.memref_slice %arg2[%dma_start3A, %add3A_52] : memref<2x320000xi32, #tpu.memory_space<hbm>> -> memref<2x4000xi32, #tpu.memory_space<hbm>>
        %dma_start3A_60 = arith.constant 0 : i32
        %dma_start3A_61 = tpu.memref_slice %arg2[%dma_start3A_60, %add3A_52] : memref<2x320000xi32, #tpu.memory_space<hbm>> -> memref<2x4000xi32, #tpu.memory_space<hbm>>
        tpu.enqueue_dma source(%dma_start3A_61 : memref<2x4000xi32, #tpu.memory_space<hbm>>) target(%arg6 : memref<2x4000xi32, #tpu.memory_space<vmem>>) target_semaphore(%run_scoped3A : memref<!tpu.dma_semaphore, #tpu.memory_space<semaphore_mem>>)
        %dma_wait3A = arith.constant 0 : i32
        %dma_wait3A_62 = tpu.memref_slice %arg2[%dma_wait3A, %add3A_52] : memref<2x320000xi32, #tpu.memory_space<hbm>> -> memref<2x4000xi32, #tpu.memory_space<hbm>>
        %dma_wait3A_63 = arith.constant 0 : i32
        %dma_wait3A_64 = tpu.memref_slice %arg2[%dma_wait3A_63, %add3A_52] : memref<2x320000xi32, #tpu.memory_space<hbm>> -> memref<2x4000xi32, #tpu.memory_space<hbm>>
        tpu.wait_dma2 semaphore(%run_scoped3A : memref<!tpu.dma_semaphore, #tpu.memory_space<semaphore_mem>>) src(%dma_wait3A_64 : memref<2x4000xi32, #tpu.memory_space<hbm>>) dst(%arg6 : memref<2x4000xi32, #tpu.memory_space<vmem>>)
        tpu.yield
      }) : () -> ()
      %scan3A_53 = arith.constant 0 : i32
      %scan3A_54 = arith.constant 0 : i32
      %scan3A_55 = arith.constant 250 : i32
      %scan3A_56 = arith.addi %scan3A_54, %scan3A_55 : i32
      %scan3A_57 = arith.constant 1 : i32
      scf.for %scan3A_59 = %scan3A_54 to %scan3A_56 step %scan3A_57  : i32 {
        %mul3A_60 = arith.constant 16 : i32
        %mul3A_61 = arith.muli %scan3A_59, %mul3A_60 : i32
        %get3A = arith.constant 0 : i32
        %get3A_62 = arith.index_cast %get3A : i32 to index
        %get3A_63 = arith.index_cast %mul3A_61 : i32 to index
        %get3A_64 = tpu.vector_load %arg6[%get3A_62, %get3A_63] {strides = array<i32>} : memref<2x4000xi32, #tpu.memory_space<vmem>>, vector<16xi32>,
        %mul3A_65 = arith.constant 16 : i32
        %mul3A_66 = arith.muli %scan3A_59, %mul3A_65 : i32
        %get3A_67 = arith.constant 1 : i32
        %get3A_68 = arith.index_cast %get3A_67 : i32 to index
        %get3A_69 = arith.index_cast %mul3A_66 : i32 to index
        %get3A_70 = tpu.vector_load %arg6[%get3A_68, %get3A_69] {strides = array<i32>} : memref<2x4000xi32, #tpu.memory_space<vmem>>, vector<16xi32>,
        %broadcast_in_dim3A_71 = arith.constant 0 : i32
        %broadcast_in_dim3A_72 = vector.broadcast %broadcast_in_dim3A_71 : i32 to vector<16xi32>
        %gather3A = tpu.vector_load_idx %arg7[%broadcast_in_dim3A_72, %get3A_64] : memref<4x10000xf32, #tpu.memory_space<vmem>>[vector<16xi32>, vector<16xi32>], vector<16xf32>,
        %gather3A_73 = tpu.vector_load_idx %arg8[%broadcast_in_dim3A_72, %get3A_70] : memref<4x10000xf32, #tpu.memory_space<vmem>>[vector<16xi32>, vector<16xi32>], vector<16xf32>,
        %add3A_74 = arith.addf %gather3A, %gather3A_73 : vector<16xf32>
        %ge3A = arith.constant 0.000000e+00 : f32
        %ge3A_75 = vector.broadcast %ge3A : f32 to vector<16xf32>
        %ge3A_76 = arith.cmpf oge, %add3A_74, %ge3A_75 : vector<16xf32>
        %mul3A_77 = arith.constant 2.000000e-01 : f32
        %mul3A_78 = vector.broadcast %mul3A_77 : f32 to vector<16xf32>
        %mul3A_79 = arith.mulf %mul3A_78, %add3A_74 : vector<16xf32>
        %select_n3A_80 = arith.select %ge3A_76, %add3A_74, %mul3A_79 : vector<16xi1>, vector<16xf32>
        %exp3A = math.exp %select_n3A_80 : vector<16xf32>
        tpu.vector_store_idx %arg9[%broadcast_in_dim3A_72, %get3A_70], %exp3A {add = true} : memref<4x10000xf32, #tpu.memory_space<vmem>>[vector<16xi32>, vector<16xi32>], vector<16xf32>,
        %broadcast_in_dim3A_81 = arith.constant 1 : i32
        %broadcast_in_dim3A_82 = vector.broadcast %broadcast_in_dim3A_81 : i32 to vector<16xi32>
        %gather3A_83 = tpu.vector_load_idx %arg7[%broadcast_in_dim3A_82, %get3A_64] : memref<4x10000xf32, #tpu.memory_space<vmem>>[vector<16xi32>, vector<16xi32>], vector<16xf32>,
        %gather3A_84 = tpu.vector_load_idx %arg8[%broadcast_in_dim3A_82, %get3A_70] : memref<4x10000xf32, #tpu.memory_space<vmem>>[vector<16xi32>, vector<16xi32>], vector<16xf32>,
        %add3A_85 = arith.addf %gather3A_83, %gather3A_84 : vector<16xf32>
        %ge3A_86 = arith.constant 0.000000e+00 : f32
        %ge3A_87 = vector.broadcast %ge3A_86 : f32 to vector<16xf32>
        %ge3A_88 = arith.cmpf oge, %add3A_85, %ge3A_87 : vector<16xf32>
        %mul3A_89 = arith.constant 2.000000e-01 : f32
        %mul3A_90 = vector.broadcast %mul3A_89 : f32 to vector<16xf32>
        %mul3A_91 = arith.mulf %mul3A_90, %add3A_85 : vector<16xf32>
        %select_n3A_92 = arith.select %ge3A_88, %add3A_85, %mul3A_91 : vector<16xi1>, vector<16xf32>
        %exp3A_93 = math.exp %select_n3A_92 : vector<16xf32>
        tpu.vector_store_idx %arg9[%broadcast_in_dim3A_82, %get3A_70], %exp3A_93 {add = true} : memref<4x10000xf32, #tpu.memory_space<vmem>>[vector<16xi32>, vector<16xi32>], vector<16xf32>,
        %broadcast_in_dim3A_94 = arith.constant 2 : i32
        %broadcast_in_dim3A_95 = vector.broadcast %broadcast_in_dim3A_94 : i32 to vector<16xi32>
        %gather3A_96 = tpu.vector_load_idx %arg7[%broadcast_in_dim3A_95, %get3A_64] : memref<4x10000xf32, #tpu.memory_space<vmem>>[vector<16xi32>, vector<16xi32>], vector<16xf32>,
        %gather3A_97 = tpu.vector_load_idx %arg8[%broadcast_in_dim3A_95, %get3A_70] : memref<4x10000xf32, #tpu.memory_space<vmem>>[vector<16xi32>, vector<16xi32>], vector<16xf32>,
        %add3A_98 = arith.addf %gather3A_96, %gather3A_97 : vector<16xf32>
        %ge3A_99 = arith.constant 0.000000e+00 : f32
        %ge3A_100 = vector.broadcast %ge3A_99 : f32 to vector<16xf32>
        %ge3A_101 = arith.cmpf oge, %add3A_98, %ge3A_100 : vector<16xf32>
        %mul3A_102 = arith.constant 2.000000e-01 : f32
        %mul3A_103 = vector.broadcast %mul3A_102 : f32 to vector<16xf32>
        %mul3A_104 = arith.mulf %mul3A_103, %add3A_98 : vector<16xf32>
        %select_n3A_105 = arith.select %ge3A_101, %add3A_98, %mul3A_104 : vector<16xi1>, vector<16xf32>
        %exp3A_106 = math.exp %select_n3A_105 : vector<16xf32>
        tpu.vector_store_idx %arg9[%broadcast_in_dim3A_95, %get3A_70], %exp3A_106 {add = true} : memref<4x10000xf32, #tpu.memory_space<vmem>>[vector<16xi32>, vector<16xi32>], vector<16xf32>,
        %broadcast_in_dim3A_107 = arith.constant 3 : i32
        %broadcast_in_dim3A_108 = vector.broadcast %broadcast_in_dim3A_107 : i32 to vector<16xi32>
        %gather3A_109 = tpu.vector_load_idx %arg7[%broadcast_in_dim3A_108, %get3A_64] : memref<4x10000xf32, #tpu.memory_space<vmem>>[vector<16xi32>, vector<16xi32>], vector<16xf32>,
        %gather3A_110 = tpu.vector_load_idx %arg8[%broadcast_in_dim3A_108, %get3A_70] : memref<4x10000xf32, #tpu.memory_space<vmem>>[vector<16xi32>, vector<16xi32>], vector<16xf32>,
        %add3A_111 = arith.addf %gather3A_109, %gather3A_110 : vector<16xf32>
        %ge3A_112 = arith.constant 0.000000e+00 : f32
        %ge3A_113 = vector.broadcast %ge3A_112 : f32 to vector<16xf32>
        %ge3A_114 = arith.cmpf oge, %add3A_111, %ge3A_113 : vector<16xf32>
        %mul3A_115 = arith.constant 2.000000e-01 : f32
        %mul3A_116 = vector.broadcast %mul3A_115 : f32 to vector<16xf32>
        %mul3A_117 = arith.mulf %mul3A_116, %add3A_111 : vector<16xf32>
        %select_n3A_118 = arith.select %ge3A_114, %add3A_111, %mul3A_117 : vector<16xi1>, vector<16xf32>
        %exp3A_119 = math.exp %select_n3A_118 : vector<16xf32>
        tpu.vector_store_idx %arg9[%broadcast_in_dim3A_108, %get3A_70], %exp3A_119 {add = true} : memref<4x10000xf32, #tpu.memory_space<vmem>>[vector<16xi32>, vector<16xi32>], vector<16xf32>,
      }
      %scan3A_58 = arith.constant 250 : i32
    }
    %scan3A_46 = arith.constant 5 : i32
    "tpu.region"() ({
      %run_scoped3A = tpu.sem_alloc : memref<!tpu.dma_semaphore, #tpu.memory_space<semaphore_mem>>
      %dma_start3A = arith.constant 0 : i32
      %dma_start3A_47 = arith.constant 0 : i32
      %dma_start3A_48 = tpu.memref_slice %arg5[%add3A, %dma_start3A, %dma_start3A_47] : memref<32x4x10000xf32, #tpu.memory_space<hbm>> -> memref<1x4x10000xf32, #tpu.memory_space<hbm>>
      %dma_start3A_49 = tpu.memref_squeeze %dma_start3A_48 : memref<1x4x10000xf32, #tpu.memory_space<hbm>> -> memref<4x10000xf32, #tpu.memory_space<hbm>>
      %dma_start3A_50 = arith.constant 0 : i32
      %dma_start3A_51 = arith.constant 0 : i32
      %dma_start3A_52 = tpu.memref_slice %arg5[%add3A, %dma_start3A_50, %dma_start3A_51] : memref<32x4x10000xf32, #tpu.memory_space<hbm>> -> memref<1x4x10000xf32, #tpu.memory_space<hbm>>
      %dma_start3A_53 = tpu.memref_squeeze %dma_start3A_52 : memref<1x4x10000xf32, #tpu.memory_space<hbm>> -> memref<4x10000xf32, #tpu.memory_space<hbm>>
      tpu.enqueue_dma source(%arg9 : memref<4x10000xf32, #tpu.memory_space<vmem>>) target(%dma_start3A_53 : memref<4x10000xf32, #tpu.memory_space<hbm>>) target_semaphore(%run_scoped3A : memref<!tpu.dma_semaphore, #tpu.memory_space<semaphore_mem>>)
      %dma_wait3A = arith.constant 0 : i32
      %dma_wait3A_54 = arith.constant 0 : i32
      %dma_wait3A_55 = tpu.memref_slice %arg5[%add3A, %dma_wait3A, %dma_wait3A_54] : memref<32x4x10000xf32, #tpu.memory_space<hbm>> -> memref<1x4x10000xf32, #tpu.memory_space<hbm>>
      %dma_wait3A_56 = tpu.memref_squeeze %dma_wait3A_55 : memref<1x4x10000xf32, #tpu.memory_space<hbm>> -> memref<4x10000xf32, #tpu.memory_space<hbm>>
      %dma_wait3A_57 = arith.constant 0 : i32
      %dma_wait3A_58 = arith.constant 0 : i32
      %dma_wait3A_59 = tpu.memref_slice %arg5[%add3A, %dma_wait3A_57, %dma_wait3A_58] : memref<32x4x10000xf32, #tpu.memory_space<hbm>> -> memref<1x4x10000xf32, #tpu.memory_space<hbm>>
      %dma_wait3A_60 = tpu.memref_squeeze %dma_wait3A_59 : memref<1x4x10000xf32, #tpu.memory_space<hbm>> -> memref<4x10000xf32, #tpu.memory_space<hbm>>
      tpu.wait_dma2 semaphore(%run_scoped3A : memref<!tpu.dma_semaphore, #tpu.memory_space<semaphore_mem>>) src(%arg9 : memref<4x10000xf32, #tpu.memory_space<vmem>>) dst(%dma_wait3A_60 : memref<4x10000xf32, #tpu.memory_space<hbm>>)
      tpu.yield
    }) : () -> ()
    return
  }
}

#map = affine_map<(d0, d1) -> (0, 0)>
#map1 = affine_map<(d0, d1) -> (0, 0, 0)>
module attributes {stable_mosaic.version = 14 : i64} {
  func.func @_l0b_body(%arg0: i32, %arg1: i32, %arg2: memref<2x320000xi32, #tpu.memory_space<hbm>>, %arg3: memref<256x10000xf32, #tpu.memory_space<hbm>>, %arg4: memref<8x1x320000xf32, #tpu.memory_space<hbm>>, %arg5: memref<64x4x10000xf32, #tpu.memory_space<hbm>>, %arg6: memref<2x4000xi32, #tpu.memory_space<vmem>>, %arg7: memref<4000xf32, #tpu.memory_space<vmem>>, %arg8: memref<4x10000xf32, #tpu.memory_space<vmem>>, %arg9: memref<4x10000xf32, #tpu.memory_space<vmem>>) attributes {dimension_semantics = [#tpu.dimension_semantics<core_parallel>, #tpu.dimension_semantics<subcore_parallel>], iteration_bounds = array<i64: 2, 16>, scalar_prefetch = 0 : i64, scratch_operands = 4 : i64, tpu.core_type = #tpu.core_type<sc_vector_subcore>, window_params = [{transform_indices = #map}, {transform_indices = #map}, {transform_indices = #map1}, {transform_indices = #map1}]} {
    %mul3A = arith.constant 16 : i32
    %mul3A_0 = arith.muli %arg0, %mul3A : i32
    %add3A = arith.addi %mul3A_0, %arg1 : i32
    %jit3A = arith.constant 4 : i32
    %div3A = arith.divsi %add3A, %jit3A : i32
    %sign3A = arith.constant 0 : i32
    %sign3A_1 = arith.cmpi sgt, %add3A, %sign3A : i32
    %sign3A_2 = arith.extui %sign3A_1 : i1 to i32
    %sign3A_3 = arith.constant 0 : i32
    %sign3A_4 = arith.cmpi slt, %add3A, %sign3A_3 : i32
    %sign3A_5 = arith.extui %sign3A_4 : i1 to i32
    %sign3A_6 = arith.subi %sign3A_2, %sign3A_5 : i32
    %sign3A_7 = arith.constant 0 : i32
    %sign3A_8 = arith.cmpi sgt, %jit3A, %sign3A_7 : i32
    %sign3A_9 = arith.extui %sign3A_8 : i1 to i32
    %sign3A_10 = arith.constant 0 : i32
    %sign3A_11 = arith.cmpi slt, %jit3A, %sign3A_10 : i32
    %sign3A_12 = arith.extui %sign3A_11 : i1 to i32
    %sign3A_13 = arith.subi %sign3A_9, %sign3A_12 : i32
    %ne3A = arith.cmpi ne, %sign3A_6, %sign3A_13 : i32
    %rem3A = arith.remsi %add3A, %jit3A : i32
    %ne3A_14 = arith.constant 0 : i32
    %ne3A_15 = arith.cmpi ne, %rem3A, %ne3A_14 : i32
    %and3A = arith.andi %ne3A, %ne3A_15 : i1
    %sub3A = arith.constant 1 : i32
    %sub3A_16 = arith.subi %div3A, %sub3A : i32
    %select_n3A = arith.select %and3A, %sub3A_16, %div3A : i32
    %mul3A_17 = arith.constant 2 : i32
    %mul3A_18 = arith.muli %mul3A_17, %add3A : i32
    %add3A_19 = arith.constant 0 : i32
    %add3A_20 = arith.addi %mul3A_18, %add3A_19 : i32
    %mul3A_21 = arith.constant 4 : i32
    %mul3A_22 = arith.muli %add3A_20, %mul3A_21 : i32
    "tpu.region"() ({
      %run_scoped3A = tpu.sem_alloc : memref<!tpu.dma_semaphore, #tpu.memory_space<semaphore_mem>>
      %dma_start3A = arith.constant 0 : i32
      %dma_start3A_55 = tpu.memref_slice %arg3[%mul3A_22, %dma_start3A] : memref<256x10000xf32, #tpu.memory_space<hbm>> -> memref<4x10000xf32, #tpu.memory_space<hbm>>
      %dma_start3A_56 = arith.constant 0 : i32
      %dma_start3A_57 = tpu.memref_slice %arg3[%mul3A_22, %dma_start3A_56] : memref<256x10000xf32, #tpu.memory_space<hbm>> -> memref<4x10000xf32, #tpu.memory_space<hbm>>
      tpu.enqueue_dma source(%dma_start3A_57 : memref<4x10000xf32, #tpu.memory_space<hbm>>) target(%arg8 : memref<4x10000xf32, #tpu.memory_space<vmem>>) target_semaphore(%run_scoped3A : memref<!tpu.dma_semaphore, #tpu.memory_space<semaphore_mem>>)
      %dma_wait3A = arith.constant 0 : i32
      %dma_wait3A_58 = tpu.memref_slice %arg3[%mul3A_22, %dma_wait3A] : memref<256x10000xf32, #tpu.memory_space<hbm>> -> memref<4x10000xf32, #tpu.memory_space<hbm>>
      %dma_wait3A_59 = arith.constant 0 : i32
      %dma_wait3A_60 = tpu.memref_slice %arg3[%mul3A_22, %dma_wait3A_59] : memref<256x10000xf32, #tpu.memory_space<hbm>> -> memref<4x10000xf32, #tpu.memory_space<hbm>>
      tpu.wait_dma2 semaphore(%run_scoped3A : memref<!tpu.dma_semaphore, #tpu.memory_space<semaphore_mem>>) src(%dma_wait3A_60 : memref<4x10000xf32, #tpu.memory_space<hbm>>) dst(%arg8 : memref<4x10000xf32, #tpu.memory_space<vmem>>)
      tpu.yield
    }) : () -> ()
    %broadcast_in_dim3A = arith.constant 0.000000e+00 : f32
    %broadcast_in_dim3A_23 = vector.broadcast %broadcast_in_dim3A : f32 to vector<16xf32>
    %scan3A = arith.constant 0 : i32
    %scan3A_24 = arith.constant 0 : i32
    %scan3A_25 = arith.constant 625 : i32
    %scan3A_26 = arith.addi %scan3A_24, %scan3A_25 : i32
    %scan3A_27 = arith.constant 1 : i32
    scf.for %scan3A_55 = %scan3A_24 to %scan3A_26 step %scan3A_27  : i32 {
      %mul3A_56 = arith.constant 16 : i32
      %mul3A_57 = arith.muli %scan3A_55, %mul3A_56 : i32
      %swap3A = arith.constant 0 : i32
      %swap3A_58 = arith.index_cast %swap3A : i32 to index
      %swap3A_59 = arith.index_cast %mul3A_57 : i32 to index
      %swap3A_60 = tpu.vector_load %arg9[%swap3A_58, %swap3A_59] {strides = array<i32>} : memref<4x10000xf32, #tpu.memory_space<vmem>>, vector<16xf32>,
      tpu.vector_store %arg9[%swap3A_58, %swap3A_59], %broadcast_in_dim3A_23 {strides = array<i32>} : memref<4x10000xf32, #tpu.memory_space<vmem>>, vector<16xf32>,
      %mul3A_61 = arith.constant 16 : i32
      %mul3A_62 = arith.muli %scan3A_55, %mul3A_61 : i32
      %swap3A_63 = arith.constant 1 : i32
      %swap3A_64 = arith.index_cast %swap3A_63 : i32 to index
      %swap3A_65 = arith.index_cast %mul3A_62 : i32 to index
      %swap3A_66 = tpu.vector_load %arg9[%swap3A_64, %swap3A_65] {strides = array<i32>} : memref<4x10000xf32, #tpu.memory_space<vmem>>, vector<16xf32>,
      tpu.vector_store %arg9[%swap3A_64, %swap3A_65], %broadcast_in_dim3A_23 {strides = array<i32>} : memref<4x10000xf32, #tpu.memory_space<vmem>>, vector<16xf32>,
      %mul3A_67 = arith.constant 16 : i32
      %mul3A_68 = arith.muli %scan3A_55, %mul3A_67 : i32
      %swap3A_69 = arith.constant 2 : i32
      %swap3A_70 = arith.index_cast %swap3A_69 : i32 to index
      %swap3A_71 = arith.index_cast %mul3A_68 : i32 to index
      %swap3A_72 = tpu.vector_load %arg9[%swap3A_70, %swap3A_71] {strides = array<i32>} : memref<4x10000xf32, #tpu.memory_space<vmem>>, vector<16xf32>,
      tpu.vector_store %arg9[%swap3A_70, %swap3A_71], %broadcast_in_dim3A_23 {strides = array<i32>} : memref<4x10000xf32, #tpu.memory_space<vmem>>, vector<16xf32>,
      %mul3A_73 = arith.constant 16 : i32
      %mul3A_74 = arith.muli %scan3A_55, %mul3A_73 : i32
      %swap3A_75 = arith.constant 3 : i32
      %swap3A_76 = arith.index_cast %swap3A_75 : i32 to index
      %swap3A_77 = arith.index_cast %mul3A_74 : i32 to index
      %swap3A_78 = tpu.vector_load %arg9[%swap3A_76, %swap3A_77] {strides = array<i32>} : memref<4x10000xf32, #tpu.memory_space<vmem>>, vector<16xf32>,
      tpu.vector_store %arg9[%swap3A_76, %swap3A_77], %broadcast_in_dim3A_23 {strides = array<i32>} : memref<4x10000xf32, #tpu.memory_space<vmem>>, vector<16xf32>,
    }
    %scan3A_28 = arith.constant 625 : i32
    %scan3A_29 = arith.constant 0 : i32
    %scan3A_30 = arith.constant 0 : i32
    %scan3A_31 = arith.constant 80 : i32
    %scan3A_32 = arith.addi %scan3A_30, %scan3A_31 : i32
    %scan3A_33 = arith.constant 1 : i32
    scf.for %scan3A_55 = %scan3A_30 to %scan3A_32 step %scan3A_33  : i32 {
      %mul3A_56 = arith.constant 4000 : i32
      %mul3A_57 = arith.muli %scan3A_55, %mul3A_56 : i32
      "tpu.region"() ({
        %run_scoped3A_64 = tpu.sem_alloc : memref<!tpu.dma_semaphore, #tpu.memory_space<semaphore_mem>>
        %dma_start3A = arith.constant 0 : i32
        %dma_start3A_65 = tpu.memref_slice %arg2[%dma_start3A, %mul3A_57] : memref<2x320000xi32, #tpu.memory_space<hbm>> -> memref<2x4000xi32, #tpu.memory_space<hbm>>
        %dma_start3A_66 = arith.constant 0 : i32
        %dma_start3A_67 = tpu.memref_slice %arg2[%dma_start3A_66, %mul3A_57] : memref<2x320000xi32, #tpu.memory_space<hbm>> -> memref<2x4000xi32, #tpu.memory_space<hbm>>
        tpu.enqueue_dma source(%dma_start3A_67 : memref<2x4000xi32, #tpu.memory_space<hbm>>) target(%arg6 : memref<2x4000xi32, #tpu.memory_space<vmem>>) target_semaphore(%run_scoped3A_64 : memref<!tpu.dma_semaphore, #tpu.memory_space<semaphore_mem>>)
        %dma_wait3A = arith.constant 0 : i32
        %dma_wait3A_68 = tpu.memref_slice %arg2[%dma_wait3A, %mul3A_57] : memref<2x320000xi32, #tpu.memory_space<hbm>> -> memref<2x4000xi32, #tpu.memory_space<hbm>>
        %dma_wait3A_69 = arith.constant 0 : i32
        %dma_wait3A_70 = tpu.memref_slice %arg2[%dma_wait3A_69, %mul3A_57] : memref<2x320000xi32, #tpu.memory_space<hbm>> -> memref<2x4000xi32, #tpu.memory_space<hbm>>
        tpu.wait_dma2 semaphore(%run_scoped3A_64 : memref<!tpu.dma_semaphore, #tpu.memory_space<semaphore_mem>>) src(%dma_wait3A_70 : memref<2x4000xi32, #tpu.memory_space<hbm>>) dst(%arg6 : memref<2x4000xi32, #tpu.memory_space<vmem>>)
        tpu.yield
      }) : () -> ()
      %run_scoped3A = arith.constant 0 : i32
      "tpu.region"() ({
        %run_scoped3A_64 = tpu.sem_alloc : memref<!tpu.dma_semaphore, #tpu.memory_space<semaphore_mem>>
        %dma_start3A = tpu.memref_slice %arg4[%select_n3A, %run_scoped3A, %mul3A_57] : memref<8x1x320000xf32, #tpu.memory_space<hbm>> -> memref<1x1x4000xf32, #tpu.memory_space<hbm>>
        %dma_start3A_65 = tpu.memref_squeeze %dma_start3A : memref<1x1x4000xf32, #tpu.memory_space<hbm>> -> memref<4000xf32, #tpu.memory_space<hbm>>
        %dma_start3A_66 = tpu.memref_slice %arg4[%select_n3A, %run_scoped3A, %mul3A_57] : memref<8x1x320000xf32, #tpu.memory_space<hbm>> -> memref<1x1x4000xf32, #tpu.memory_space<hbm>>
        %dma_start3A_67 = tpu.memref_squeeze %dma_start3A_66 : memref<1x1x4000xf32, #tpu.memory_space<hbm>> -> memref<4000xf32, #tpu.memory_space<hbm>>
        tpu.enqueue_dma source(%dma_start3A_67 : memref<4000xf32, #tpu.memory_space<hbm>>) target(%arg7 : memref<4000xf32, #tpu.memory_space<vmem>>) target_semaphore(%run_scoped3A_64 : memref<!tpu.dma_semaphore, #tpu.memory_space<semaphore_mem>>)
        %dma_wait3A = tpu.memref_slice %arg4[%select_n3A, %run_scoped3A, %mul3A_57] : memref<8x1x320000xf32, #tpu.memory_space<hbm>> -> memref<1x1x4000xf32, #tpu.memory_space<hbm>>
        %dma_wait3A_68 = tpu.memref_squeeze %dma_wait3A : memref<1x1x4000xf32, #tpu.memory_space<hbm>> -> memref<4000xf32, #tpu.memory_space<hbm>>
        %dma_wait3A_69 = tpu.memref_slice %arg4[%select_n3A, %run_scoped3A, %mul3A_57] : memref<8x1x320000xf32, #tpu.memory_space<hbm>> -> memref<1x1x4000xf32, #tpu.memory_space<hbm>>
        %dma_wait3A_70 = tpu.memref_squeeze %dma_wait3A_69 : memref<1x1x4000xf32, #tpu.memory_space<hbm>> -> memref<4000xf32, #tpu.memory_space<hbm>>
        tpu.wait_dma2 semaphore(%run_scoped3A_64 : memref<!tpu.dma_semaphore, #tpu.memory_space<semaphore_mem>>) src(%dma_wait3A_70 : memref<4000xf32, #tpu.memory_space<hbm>>) dst(%arg7 : memref<4000xf32, #tpu.memory_space<vmem>>)
        tpu.yield
      }) : () -> ()
      %scan3A_58 = arith.constant 0 : i32
      %scan3A_59 = arith.constant 0 : i32
      %scan3A_60 = arith.constant 250 : i32
      %scan3A_61 = arith.addi %scan3A_59, %scan3A_60 : i32
      %scan3A_62 = arith.constant 1 : i32
      scf.for %scan3A_64 = %scan3A_59 to %scan3A_61 step %scan3A_62  : i32 {
        %mul3A_65 = arith.constant 16 : i32
        %mul3A_66 = arith.muli %scan3A_64, %mul3A_65 : i32
        %get3A = arith.constant 0 : i32
        %get3A_67 = arith.index_cast %get3A : i32 to index
        %get3A_68 = arith.index_cast %mul3A_66 : i32 to index
        %get3A_69 = tpu.vector_load %arg6[%get3A_67, %get3A_68] {strides = array<i32>} : memref<2x4000xi32, #tpu.memory_space<vmem>>, vector<16xi32>,
        %mul3A_70 = arith.constant 16 : i32
        %mul3A_71 = arith.muli %scan3A_64, %mul3A_70 : i32
        %get3A_72 = arith.constant 1 : i32
        %get3A_73 = arith.index_cast %get3A_72 : i32 to index
        %get3A_74 = arith.index_cast %mul3A_71 : i32 to index
        %get3A_75 = tpu.vector_load %arg6[%get3A_73, %get3A_74] {strides = array<i32>} : memref<2x4000xi32, #tpu.memory_space<vmem>>, vector<16xi32>,
        %mul3A_76 = arith.constant 16 : i32
        %mul3A_77 = arith.muli %scan3A_64, %mul3A_76 : i32
        %get3A_78 = arith.index_cast %mul3A_77 : i32 to index
        %get3A_79 = tpu.vector_load %arg7[%get3A_78] {strides = array<i32>} : memref<4000xf32, #tpu.memory_space<vmem>>, vector<16xf32>,
        %broadcast_in_dim3A_80 = arith.constant 0 : i32
        %broadcast_in_dim3A_81 = vector.broadcast %broadcast_in_dim3A_80 : i32 to vector<16xi32>
        %gather3A = tpu.vector_load_idx %arg8[%broadcast_in_dim3A_81, %get3A_69] : memref<4x10000xf32, #tpu.memory_space<vmem>>[vector<16xi32>, vector<16xi32>], vector<16xf32>,
        %mul3A_82 = arith.mulf %gather3A, %get3A_79 : vector<16xf32>
        tpu.vector_store_idx %arg9[%broadcast_in_dim3A_81, %get3A_75], %mul3A_82 {add = true} : memref<4x10000xf32, #tpu.memory_space<vmem>>[vector<16xi32>, vector<16xi32>], vector<16xf32>,
        %broadcast_in_dim3A_83 = arith.constant 1 : i32
        %broadcast_in_dim3A_84 = vector.broadcast %broadcast_in_dim3A_83 : i32 to vector<16xi32>
        %gather3A_85 = tpu.vector_load_idx %arg8[%broadcast_in_dim3A_84, %get3A_69] : memref<4x10000xf32, #tpu.memory_space<vmem>>[vector<16xi32>, vector<16xi32>], vector<16xf32>,
        %mul3A_86 = arith.mulf %gather3A_85, %get3A_79 : vector<16xf32>
        tpu.vector_store_idx %arg9[%broadcast_in_dim3A_84, %get3A_75], %mul3A_86 {add = true} : memref<4x10000xf32, #tpu.memory_space<vmem>>[vector<16xi32>, vector<16xi32>], vector<16xf32>,
        %broadcast_in_dim3A_87 = arith.constant 2 : i32
        %broadcast_in_dim3A_88 = vector.broadcast %broadcast_in_dim3A_87 : i32 to vector<16xi32>
        %gather3A_89 = tpu.vector_load_idx %arg8[%broadcast_in_dim3A_88, %get3A_69] : memref<4x10000xf32, #tpu.memory_space<vmem>>[vector<16xi32>, vector<16xi32>], vector<16xf32>,
        %mul3A_90 = arith.mulf %gather3A_89, %get3A_79 : vector<16xf32>
        tpu.vector_store_idx %arg9[%broadcast_in_dim3A_88, %get3A_75], %mul3A_90 {add = true} : memref<4x10000xf32, #tpu.memory_space<vmem>>[vector<16xi32>, vector<16xi32>], vector<16xf32>,
        %broadcast_in_dim3A_91 = arith.constant 3 : i32
        %broadcast_in_dim3A_92 = vector.broadcast %broadcast_in_dim3A_91 : i32 to vector<16xi32>
        %gather3A_93 = tpu.vector_load_idx %arg8[%broadcast_in_dim3A_92, %get3A_69] : memref<4x10000xf32, #tpu.memory_space<vmem>>[vector<16xi32>, vector<16xi32>], vector<16xf32>,
        %mul3A_94 = arith.mulf %gather3A_93, %get3A_79 : vector<16xf32>
        tpu.vector_store_idx %arg9[%broadcast_in_dim3A_92, %get3A_75], %mul3A_94 {add = true} : memref<4x10000xf32, #tpu.memory_space<vmem>>[vector<16xi32>, vector<16xi32>], vector<16xf32>,
      }
      %scan3A_63 = arith.constant 250 : i32
    }
    %scan3A_34 = arith.constant 80 : i32
    "tpu.region"() ({
      %run_scoped3A = tpu.sem_alloc : memref<!tpu.dma_semaphore, #tpu.memory_space<semaphore_mem>>
      %dma_start3A = arith.constant 0 : i32
      %dma_start3A_55 = arith.constant 0 : i32
      %dma_start3A_56 = tpu.memref_slice %arg5[%add3A_20, %dma_start3A, %dma_start3A_55] : memref<64x4x10000xf32, #tpu.memory_space<hbm>> -> memref<1x4x10000xf32, #tpu.memory_space<hbm>>
      %dma_start3A_57 = tpu.memref_squeeze %dma_start3A_56 : memref<1x4x10000xf32, #tpu.memory_space<hbm>> -> memref<4x10000xf32, #tpu.memory_space<hbm>>
      %dma_start3A_58 = arith.constant 0 : i32
      %dma_start3A_59 = arith.constant 0 : i32
      %dma_start3A_60 = tpu.memref_slice %arg5[%add3A_20, %dma_start3A_58, %dma_start3A_59] : memref<64x4x10000xf32, #tpu.memory_space<hbm>> -> memref<1x4x10000xf32, #tpu.memory_space<hbm>>
      %dma_start3A_61 = tpu.memref_squeeze %dma_start3A_60 : memref<1x4x10000xf32, #tpu.memory_space<hbm>> -> memref<4x10000xf32, #tpu.memory_space<hbm>>
      tpu.enqueue_dma source(%arg9 : memref<4x10000xf32, #tpu.memory_space<vmem>>) target(%dma_start3A_61 : memref<4x10000xf32, #tpu.memory_space<hbm>>) target_semaphore(%run_scoped3A : memref<!tpu.dma_semaphore, #tpu.memory_space<semaphore_mem>>)
      %dma_wait3A = arith.constant 0 : i32
      %dma_wait3A_62 = arith.constant 0 : i32
      %dma_wait3A_63 = tpu.memref_slice %arg5[%add3A_20, %dma_wait3A, %dma_wait3A_62] : memref<64x4x10000xf32, #tpu.memory_space<hbm>> -> memref<1x4x10000xf32, #tpu.memory_space<hbm>>
      %dma_wait3A_64 = tpu.memref_squeeze %dma_wait3A_63 : memref<1x4x10000xf32, #tpu.memory_space<hbm>> -> memref<4x10000xf32, #tpu.memory_space<hbm>>
      %dma_wait3A_65 = arith.constant 0 : i32
      %dma_wait3A_66 = arith.constant 0 : i32
      %dma_wait3A_67 = tpu.memref_slice %arg5[%add3A_20, %dma_wait3A_65, %dma_wait3A_66] : memref<64x4x10000xf32, #tpu.memory_space<hbm>> -> memref<1x4x10000xf32, #tpu.memory_space<hbm>>
      %dma_wait3A_68 = tpu.memref_squeeze %dma_wait3A_67 : memref<1x4x10000xf32, #tpu.memory_space<hbm>> -> memref<4x10000xf32, #tpu.memory_space<hbm>>
      tpu.wait_dma2 semaphore(%run_scoped3A : memref<!tpu.dma_semaphore, #tpu.memory_space<semaphore_mem>>) src(%arg9 : memref<4x10000xf32, #tpu.memory_space<vmem>>) dst(%dma_wait3A_68 : memref<4x10000xf32, #tpu.memory_space<hbm>>)
      tpu.yield
    }) : () -> ()
    %mul3A_35 = arith.constant 2 : i32
    %mul3A_36 = arith.muli %mul3A_35, %add3A : i32
    %add3A_37 = arith.constant 1 : i32
    %add3A_38 = arith.addi %mul3A_36, %add3A_37 : i32
    %mul3A_39 = arith.constant 4 : i32
    %mul3A_40 = arith.muli %add3A_38, %mul3A_39 : i32
    "tpu.region"() ({
      %run_scoped3A = tpu.sem_alloc : memref<!tpu.dma_semaphore, #tpu.memory_space<semaphore_mem>>
      %dma_start3A = arith.constant 0 : i32
      %dma_start3A_55 = tpu.memref_slice %arg3[%mul3A_40, %dma_start3A] : memref<256x10000xf32, #tpu.memory_space<hbm>> -> memref<4x10000xf32, #tpu.memory_space<hbm>>
      %dma_start3A_56 = arith.constant 0 : i32
      %dma_start3A_57 = tpu.memref_slice %arg3[%mul3A_40, %dma_start3A_56] : memref<256x10000xf32, #tpu.memory_space<hbm>> -> memref<4x10000xf32, #tpu.memory_space<hbm>>
      tpu.enqueue_dma source(%dma_start3A_57 : memref<4x10000xf32, #tpu.memory_space<hbm>>) target(%arg8 : memref<4x10000xf32, #tpu.memory_space<vmem>>) target_semaphore(%run_scoped3A : memref<!tpu.dma_semaphore, #tpu.memory_space<semaphore_mem>>)
      %dma_wait3A = arith.constant 0 : i32
      %dma_wait3A_58 = tpu.memref_slice %arg3[%mul3A_40, %dma_wait3A] : memref<256x10000xf32, #tpu.memory_space<hbm>> -> memref<4x10000xf32, #tpu.memory_space<hbm>>
      %dma_wait3A_59 = arith.constant 0 : i32
      %dma_wait3A_60 = tpu.memref_slice %arg3[%mul3A_40, %dma_wait3A_59] : memref<256x10000xf32, #tpu.memory_space<hbm>> -> memref<4x10000xf32, #tpu.memory_space<hbm>>
      tpu.wait_dma2 semaphore(%run_scoped3A : memref<!tpu.dma_semaphore, #tpu.memory_space<semaphore_mem>>) src(%dma_wait3A_60 : memref<4x10000xf32, #tpu.memory_space<hbm>>) dst(%arg8 : memref<4x10000xf32, #tpu.memory_space<vmem>>)
      tpu.yield
    }) : () -> ()
    %broadcast_in_dim3A_41 = arith.constant 0.000000e+00 : f32
    %broadcast_in_dim3A_42 = vector.broadcast %broadcast_in_dim3A_41 : f32 to vector<16xf32>
    %scan3A_43 = arith.constant 0 : i32
    %scan3A_44 = arith.constant 0 : i32
    %scan3A_45 = arith.constant 625 : i32
    %scan3A_46 = arith.addi %scan3A_44, %scan3A_45 : i32
    %scan3A_47 = arith.constant 1 : i32
    scf.for %scan3A_55 = %scan3A_44 to %scan3A_46 step %scan3A_47  : i32 {
      %mul3A_56 = arith.constant 16 : i32
      %mul3A_57 = arith.muli %scan3A_55, %mul3A_56 : i32
      %swap3A = arith.constant 0 : i32
      %swap3A_58 = arith.index_cast %swap3A : i32 to index
      %swap3A_59 = arith.index_cast %mul3A_57 : i32 to index
      %swap3A_60 = tpu.vector_load %arg9[%swap3A_58, %swap3A_59] {strides = array<i32>} : memref<4x10000xf32, #tpu.memory_space<vmem>>, vector<16xf32>,
      tpu.vector_store %arg9[%swap3A_58, %swap3A_59], %broadcast_in_dim3A_42 {strides = array<i32>} : memref<4x10000xf32, #tpu.memory_space<vmem>>, vector<16xf32>,
      %mul3A_61 = arith.constant 16 : i32
      %mul3A_62 = arith.muli %scan3A_55, %mul3A_61 : i32
      %swap3A_63 = arith.constant 1 : i32
      %swap3A_64 = arith.index_cast %swap3A_63 : i32 to index
      %swap3A_65 = arith.index_cast %mul3A_62 : i32 to index
      %swap3A_66 = tpu.vector_load %arg9[%swap3A_64, %swap3A_65] {strides = array<i32>} : memref<4x10000xf32, #tpu.memory_space<vmem>>, vector<16xf32>,
      tpu.vector_store %arg9[%swap3A_64, %swap3A_65], %broadcast_in_dim3A_42 {strides = array<i32>} : memref<4x10000xf32, #tpu.memory_space<vmem>>, vector<16xf32>,
      %mul3A_67 = arith.constant 16 : i32
      %mul3A_68 = arith.muli %scan3A_55, %mul3A_67 : i32
      %swap3A_69 = arith.constant 2 : i32
      %swap3A_70 = arith.index_cast %swap3A_69 : i32 to index
      %swap3A_71 = arith.index_cast %mul3A_68 : i32 to index
      %swap3A_72 = tpu.vector_load %arg9[%swap3A_70, %swap3A_71] {strides = array<i32>} : memref<4x10000xf32, #tpu.memory_space<vmem>>, vector<16xf32>,
      tpu.vector_store %arg9[%swap3A_70, %swap3A_71], %broadcast_in_dim3A_42 {strides = array<i32>} : memref<4x10000xf32, #tpu.memory_space<vmem>>, vector<16xf32>,
      %mul3A_73 = arith.constant 16 : i32
      %mul3A_74 = arith.muli %scan3A_55, %mul3A_73 : i32
      %swap3A_75 = arith.constant 3 : i32
      %swap3A_76 = arith.index_cast %swap3A_75 : i32 to index
      %swap3A_77 = arith.index_cast %mul3A_74 : i32 to index
      %swap3A_78 = tpu.vector_load %arg9[%swap3A_76, %swap3A_77] {strides = array<i32>} : memref<4x10000xf32, #tpu.memory_space<vmem>>, vector<16xf32>,
      tpu.vector_store %arg9[%swap3A_76, %swap3A_77], %broadcast_in_dim3A_42 {strides = array<i32>} : memref<4x10000xf32, #tpu.memory_space<vmem>>, vector<16xf32>,
    }
    %scan3A_48 = arith.constant 625 : i32
    %scan3A_49 = arith.constant 0 : i32
    %scan3A_50 = arith.constant 0 : i32
    %scan3A_51 = arith.constant 80 : i32
    %scan3A_52 = arith.addi %scan3A_50, %scan3A_51 : i32
    %scan3A_53 = arith.constant 1 : i32
    scf.for %scan3A_55 = %scan3A_50 to %scan3A_52 step %scan3A_53  : i32 {
      %mul3A_56 = arith.constant 4000 : i32
      %mul3A_57 = arith.muli %scan3A_55, %mul3A_56 : i32
      "tpu.region"() ({
        %run_scoped3A_64 = tpu.sem_alloc : memref<!tpu.dma_semaphore, #tpu.memory_space<semaphore_mem>>
        %dma_start3A = arith.constant 0 : i32
        %dma_start3A_65 = tpu.memref_slice %arg2[%dma_start3A, %mul3A_57] : memref<2x320000xi32, #tpu.memory_space<hbm>> -> memref<2x4000xi32, #tpu.memory_space<hbm>>
        %dma_start3A_66 = arith.constant 0 : i32
        %dma_start3A_67 = tpu.memref_slice %arg2[%dma_start3A_66, %mul3A_57] : memref<2x320000xi32, #tpu.memory_space<hbm>> -> memref<2x4000xi32, #tpu.memory_space<hbm>>
        tpu.enqueue_dma source(%dma_start3A_67 : memref<2x4000xi32, #tpu.memory_space<hbm>>) target(%arg6 : memref<2x4000xi32, #tpu.memory_space<vmem>>) target_semaphore(%run_scoped3A_64 : memref<!tpu.dma_semaphore, #tpu.memory_space<semaphore_mem>>)
        %dma_wait3A = arith.constant 0 : i32
        %dma_wait3A_68 = tpu.memref_slice %arg2[%dma_wait3A, %mul3A_57] : memref<2x320000xi32, #tpu.memory_space<hbm>> -> memref<2x4000xi32, #tpu.memory_space<hbm>>
        %dma_wait3A_69 = arith.constant 0 : i32
        %dma_wait3A_70 = tpu.memref_slice %arg2[%dma_wait3A_69, %mul3A_57] : memref<2x320000xi32, #tpu.memory_space<hbm>> -> memref<2x4000xi32, #tpu.memory_space<hbm>>
        tpu.wait_dma2 semaphore(%run_scoped3A_64 : memref<!tpu.dma_semaphore, #tpu.memory_space<semaphore_mem>>) src(%dma_wait3A_70 : memref<2x4000xi32, #tpu.memory_space<hbm>>) dst(%arg6 : memref<2x4000xi32, #tpu.memory_space<vmem>>)
        tpu.yield
      }) : () -> ()
      %run_scoped3A = arith.constant 0 : i32
      "tpu.region"() ({
        %run_scoped3A_64 = tpu.sem_alloc : memref<!tpu.dma_semaphore, #tpu.memory_space<semaphore_mem>>
        %dma_start3A = tpu.memref_slice %arg4[%select_n3A, %run_scoped3A, %mul3A_57] : memref<8x1x320000xf32, #tpu.memory_space<hbm>> -> memref<1x1x4000xf32, #tpu.memory_space<hbm>>
        %dma_start3A_65 = tpu.memref_squeeze %dma_start3A : memref<1x1x4000xf32, #tpu.memory_space<hbm>> -> memref<4000xf32, #tpu.memory_space<hbm>>
        %dma_start3A_66 = tpu.memref_slice %arg4[%select_n3A, %run_scoped3A, %mul3A_57] : memref<8x1x320000xf32, #tpu.memory_space<hbm>> -> memref<1x1x4000xf32, #tpu.memory_space<hbm>>
        %dma_start3A_67 = tpu.memref_squeeze %dma_start3A_66 : memref<1x1x4000xf32, #tpu.memory_space<hbm>> -> memref<4000xf32, #tpu.memory_space<hbm>>
        tpu.enqueue_dma source(%dma_start3A_67 : memref<4000xf32, #tpu.memory_space<hbm>>) target(%arg7 : memref<4000xf32, #tpu.memory_space<vmem>>) target_semaphore(%run_scoped3A_64 : memref<!tpu.dma_semaphore, #tpu.memory_space<semaphore_mem>>)
        %dma_wait3A = tpu.memref_slice %arg4[%select_n3A, %run_scoped3A, %mul3A_57] : memref<8x1x320000xf32, #tpu.memory_space<hbm>> -> memref<1x1x4000xf32, #tpu.memory_space<hbm>>
        %dma_wait3A_68 = tpu.memref_squeeze %dma_wait3A : memref<1x1x4000xf32, #tpu.memory_space<hbm>> -> memref<4000xf32, #tpu.memory_space<hbm>>
        %dma_wait3A_69 = tpu.memref_slice %arg4[%select_n3A, %run_scoped3A, %mul3A_57] : memref<8x1x320000xf32, #tpu.memory_space<hbm>> -> memref<1x1x4000xf32, #tpu.memory_space<hbm>>
        %dma_wait3A_70 = tpu.memref_squeeze %dma_wait3A_69 : memref<1x1x4000xf32, #tpu.memory_space<hbm>> -> memref<4000xf32, #tpu.memory_space<hbm>>
        tpu.wait_dma2 semaphore(%run_scoped3A_64 : memref<!tpu.dma_semaphore, #tpu.memory_space<semaphore_mem>>) src(%dma_wait3A_70 : memref<4000xf32, #tpu.memory_space<hbm>>) dst(%arg7 : memref<4000xf32, #tpu.memory_space<vmem>>)
        tpu.yield
      }) : () -> ()
      %scan3A_58 = arith.constant 0 : i32
      %scan3A_59 = arith.constant 0 : i32
      %scan3A_60 = arith.constant 250 : i32
      %scan3A_61 = arith.addi %scan3A_59, %scan3A_60 : i32
      %scan3A_62 = arith.constant 1 : i32
      scf.for %scan3A_64 = %scan3A_59 to %scan3A_61 step %scan3A_62  : i32 {
        %mul3A_65 = arith.constant 16 : i32
        %mul3A_66 = arith.muli %scan3A_64, %mul3A_65 : i32
        %get3A = arith.constant 0 : i32
        %get3A_67 = arith.index_cast %get3A : i32 to index
        %get3A_68 = arith.index_cast %mul3A_66 : i32 to index
        %get3A_69 = tpu.vector_load %arg6[%get3A_67, %get3A_68] {strides = array<i32>} : memref<2x4000xi32, #tpu.memory_space<vmem>>, vector<16xi32>,
        %mul3A_70 = arith.constant 16 : i32
        %mul3A_71 = arith.muli %scan3A_64, %mul3A_70 : i32
        %get3A_72 = arith.constant 1 : i32
        %get3A_73 = arith.index_cast %get3A_72 : i32 to index
        %get3A_74 = arith.index_cast %mul3A_71 : i32 to index
        %get3A_75 = tpu.vector_load %arg6[%get3A_73, %get3A_74] {strides = array<i32>} : memref<2x4000xi32, #tpu.memory_space<vmem>>, vector<16xi32>,
        %mul3A_76 = arith.constant 16 : i32
        %mul3A_77 = arith.muli %scan3A_64, %mul3A_76 : i32
        %get3A_78 = arith.index_cast %mul3A_77 : i32 to index
        %get3A_79 = tpu.vector_load %arg7[%get3A_78] {strides = array<i32>} : memref<4000xf32, #tpu.memory_space<vmem>>, vector<16xf32>,
        %broadcast_in_dim3A_80 = arith.constant 0 : i32
        %broadcast_in_dim3A_81 = vector.broadcast %broadcast_in_dim3A_80 : i32 to vector<16xi32>
        %gather3A = tpu.vector_load_idx %arg8[%broadcast_in_dim3A_81, %get3A_69] : memref<4x10000xf32, #tpu.memory_space<vmem>>[vector<16xi32>, vector<16xi32>], vector<16xf32>,
        %mul3A_82 = arith.mulf %gather3A, %get3A_79 : vector<16xf32>
        tpu.vector_store_idx %arg9[%broadcast_in_dim3A_81, %get3A_75], %mul3A_82 {add = true} : memref<4x10000xf32, #tpu.memory_space<vmem>>[vector<16xi32>, vector<16xi32>], vector<16xf32>,
        %broadcast_in_dim3A_83 = arith.constant 1 : i32
        %broadcast_in_dim3A_84 = vector.broadcast %broadcast_in_dim3A_83 : i32 to vector<16xi32>
        %gather3A_85 = tpu.vector_load_idx %arg8[%broadcast_in_dim3A_84, %get3A_69] : memref<4x10000xf32, #tpu.memory_space<vmem>>[vector<16xi32>, vector<16xi32>], vector<16xf32>,
        %mul3A_86 = arith.mulf %gather3A_85, %get3A_79 : vector<16xf32>
        tpu.vector_store_idx %arg9[%broadcast_in_dim3A_84, %get3A_75], %mul3A_86 {add = true} : memref<4x10000xf32, #tpu.memory_space<vmem>>[vector<16xi32>, vector<16xi32>], vector<16xf32>,
        %broadcast_in_dim3A_87 = arith.constant 2 : i32
        %broadcast_in_dim3A_88 = vector.broadcast %broadcast_in_dim3A_87 : i32 to vector<16xi32>
        %gather3A_89 = tpu.vector_load_idx %arg8[%broadcast_in_dim3A_88, %get3A_69] : memref<4x10000xf32, #tpu.memory_space<vmem>>[vector<16xi32>, vector<16xi32>], vector<16xf32>,
        %mul3A_90 = arith.mulf %gather3A_89, %get3A_79 : vector<16xf32>
        tpu.vector_store_idx %arg9[%broadcast_in_dim3A_88, %get3A_75], %mul3A_90 {add = true} : memref<4x10000xf32, #tpu.memory_space<vmem>>[vector<16xi32>, vector<16xi32>], vector<16xf32>,
        %broadcast_in_dim3A_91 = arith.constant 3 : i32
        %broadcast_in_dim3A_92 = vector.broadcast %broadcast_in_dim3A_91 : i32 to vector<16xi32>
        %gather3A_93 = tpu.vector_load_idx %arg8[%broadcast_in_dim3A_92, %get3A_69] : memref<4x10000xf32, #tpu.memory_space<vmem>>[vector<16xi32>, vector<16xi32>], vector<16xf32>,
        %mul3A_94 = arith.mulf %gather3A_93, %get3A_79 : vector<16xf32>
        tpu.vector_store_idx %arg9[%broadcast_in_dim3A_92, %get3A_75], %mul3A_94 {add = true} : memref<4x10000xf32, #tpu.memory_space<vmem>>[vector<16xi32>, vector<16xi32>], vector<16xf32>,
      }
      %scan3A_63 = arith.constant 250 : i32
    }
    %scan3A_54 = arith.constant 80 : i32
    "tpu.region"() ({
      %run_scoped3A = tpu.sem_alloc : memref<!tpu.dma_semaphore, #tpu.memory_space<semaphore_mem>>
      %dma_start3A = arith.constant 0 : i32
      %dma_start3A_55 = arith.constant 0 : i32
      %dma_start3A_56 = tpu.memref_slice %arg5[%add3A_38, %dma_start3A, %dma_start3A_55] : memref<64x4x10000xf32, #tpu.memory_space<hbm>> -> memref<1x4x10000xf32, #tpu.memory_space<hbm>>
      %dma_start3A_57 = tpu.memref_squeeze %dma_start3A_56 : memref<1x4x10000xf32, #tpu.memory_space<hbm>> -> memref<4x10000xf32, #tpu.memory_space<hbm>>
      %dma_start3A_58 = arith.constant 0 : i32
      %dma_start3A_59 = arith.constant 0 : i32
      %dma_start3A_60 = tpu.memref_slice %arg5[%add3A_38, %dma_start3A_58, %dma_start3A_59] : memref<64x4x10000xf32, #tpu.memory_space<hbm>> -> memref<1x4x10000xf32, #tpu.memory_space<hbm>>
      %dma_start3A_61 = tpu.memref_squeeze %dma_start3A_60 : memref<1x4x10000xf32, #tpu.memory_space<hbm>> -> memref<4x10000xf32, #tpu.memory_space<hbm>>
      tpu.enqueue_dma source(%arg9 : memref<4x10000xf32, #tpu.memory_space<vmem>>) target(%dma_start3A_61 : memref<4x10000xf32, #tpu.memory_space<hbm>>) target_semaphore(%run_scoped3A : memref<!tpu.dma_semaphore, #tpu.memory_space<semaphore_mem>>)
      %dma_wait3A = arith.constant 0 : i32
      %dma_wait3A_62 = arith.constant 0 : i32
      %dma_wait3A_63 = tpu.memref_slice %arg5[%add3A_38, %dma_wait3A, %dma_wait3A_62] : memref<64x4x10000xf32, #tpu.memory_space<hbm>> -> memref<1x4x10000xf32, #tpu.memory_space<hbm>>
      %dma_wait3A_64 = tpu.memref_squeeze %dma_wait3A_63 : memref<1x4x10000xf32, #tpu.memory_space<hbm>> -> memref<4x10000xf32, #tpu.memory_space<hbm>>
      %dma_wait3A_65 = arith.constant 0 : i32
      %dma_wait3A_66 = arith.constant 0 : i32
      %dma_wait3A_67 = tpu.memref_slice %arg5[%add3A_38, %dma_wait3A_65, %dma_wait3A_66] : memref<64x4x10000xf32, #tpu.memory_space<hbm>> -> memref<1x4x10000xf32, #tpu.memory_space<hbm>>
      %dma_wait3A_68 = tpu.memref_squeeze %dma_wait3A_67 : memref<1x4x10000xf32, #tpu.memory_space<hbm>> -> memref<4x10000xf32, #tpu.memory_space<hbm>>
      tpu.wait_dma2 semaphore(%run_scoped3A : memref<!tpu.dma_semaphore, #tpu.memory_space<semaphore_mem>>) src(%arg9 : memref<4x10000xf32, #tpu.memory_space<vmem>>) dst(%dma_wait3A_68 : memref<4x10000xf32, #tpu.memory_space<hbm>>)
      tpu.yield
    }) : () -> ()
    return
  }
}

#map = affine_map<(d0, d1) -> (0, 0)>
#map1 = affine_map<(d0, d1) -> (0, 0, 0)>
module attributes {stable_mosaic.version = 14 : i64} {
  func.func @_l1b_body(%arg0: i32, %arg1: i32, %arg2: memref<2x320000xi32, #tpu.memory_space<hbm>>, %arg3: memref<32x10000xf32, #tpu.memory_space<hbm>>, %arg4: memref<2x10000xf32, #tpu.memory_space<hbm>>, %arg5: memref<1x10000xf32, #tpu.memory_space<hbm>>, %arg6: memref<32x4x10000xf32, #tpu.memory_space<hbm>>, %arg7: memref<2x4000xi32, #tpu.memory_space<vmem>>, %arg8: memref<2x10000xf32, #tpu.memory_space<vmem>>, %arg9: memref<1x10000xf32, #tpu.memory_space<vmem>>, %arg10: memref<4x10000xf32, #tpu.memory_space<vmem>>, %arg11: memref<4x10000xf32, #tpu.memory_space<vmem>>) attributes {dimension_semantics = [#tpu.dimension_semantics<core_parallel>, #tpu.dimension_semantics<subcore_parallel>], iteration_bounds = array<i64: 2, 16>, scalar_prefetch = 0 : i64, scratch_operands = 5 : i64, tpu.core_type = #tpu.core_type<sc_vector_subcore>, window_params = [{transform_indices = #map}, {transform_indices = #map}, {transform_indices = #map}, {transform_indices = #map}, {transform_indices = #map1}]} {
    %mul3A = arith.constant 16 : i32
    %mul3A_0 = arith.muli %arg0, %mul3A : i32
    %add3A = arith.addi %mul3A_0, %arg1 : i32
    %broadcast_in_dim3A = arith.constant 0 : i32
    %broadcast_in_dim3A_1 = vector.broadcast %broadcast_in_dim3A : i32 to vector<16xi32>
    %broadcast_in_dim3A_2 = arith.constant 1 : i32
    %broadcast_in_dim3A_3 = vector.broadcast %broadcast_in_dim3A_2 : i32 to vector<16xi32>
    %jit3A = arith.constant 8 : i32
    %eq3A = arith.constant 0 : i32
    %eq3A_4 = arith.cmpi eq, %jit3A, %eq3A : i32
    %jit3A_5 = arith.constant 1 : i32
    %select_n3A = arith.select %eq3A_4, %jit3A_5, %jit3A : i32
    %rem3A = arith.remsi %add3A, %select_n3A : i32
    %ne3A = arith.constant 0 : i32
    %ne3A_6 = arith.cmpi ne, %rem3A, %ne3A : i32
    %lt3A = arith.constant 0 : i32
    %lt3A_7 = arith.cmpi slt, %rem3A, %lt3A : i32
    %lt3A_8 = arith.constant 0 : i32
    %lt3A_9 = arith.cmpi slt, %select_n3A, %lt3A_8 : i32
    %ne3A_10 = arith.xori %lt3A_7, %lt3A_9 : i1
    %and3A = arith.andi %ne3A_10, %ne3A_6 : i1
    %add3A_11 = arith.addi %rem3A, %select_n3A : i32
    %select_n3A_12 = arith.select %and3A, %add3A_11, %rem3A : i32
    %jit3A_13 = arith.constant 8 : i32
    %div3A = arith.divsi %add3A, %jit3A_13 : i32
    %sign3A = arith.constant 0 : i32
    %sign3A_14 = arith.cmpi sgt, %add3A, %sign3A : i32
    %sign3A_15 = arith.extui %sign3A_14 : i1 to i32
    %sign3A_16 = arith.constant 0 : i32
    %sign3A_17 = arith.cmpi slt, %add3A, %sign3A_16 : i32
    %sign3A_18 = arith.extui %sign3A_17 : i1 to i32
    %sign3A_19 = arith.subi %sign3A_15, %sign3A_18 : i32
    %sign3A_20 = arith.constant 0 : i32
    %sign3A_21 = arith.cmpi sgt, %jit3A_13, %sign3A_20 : i32
    %sign3A_22 = arith.extui %sign3A_21 : i1 to i32
    %sign3A_23 = arith.constant 0 : i32
    %sign3A_24 = arith.cmpi slt, %jit3A_13, %sign3A_23 : i32
    %sign3A_25 = arith.extui %sign3A_24 : i1 to i32
    %sign3A_26 = arith.subi %sign3A_22, %sign3A_25 : i32
    %ne3A_27 = arith.cmpi ne, %sign3A_19, %sign3A_26 : i32
    %rem3A_28 = arith.remsi %add3A, %jit3A_13 : i32
    %ne3A_29 = arith.constant 0 : i32
    %ne3A_30 = arith.cmpi ne, %rem3A_28, %ne3A_29 : i32
    %and3A_31 = arith.andi %ne3A_27, %ne3A_30 : i1
    %sub3A = arith.constant 1 : i32
    %sub3A_32 = arith.subi %div3A, %sub3A : i32
    %select_n3A_33 = arith.select %and3A_31, %sub3A_32, %div3A : i32
    "tpu.region"() ({
      %run_scoped3A = tpu.sem_alloc : memref<!tpu.dma_semaphore, #tpu.memory_space<semaphore_mem>>
      tpu.enqueue_dma source(%arg4 : memref<2x10000xf32, #tpu.memory_space<hbm>>) target(%arg8 : memref<2x10000xf32, #tpu.memory_space<vmem>>) target_semaphore(%run_scoped3A : memref<!tpu.dma_semaphore, #tpu.memory_space<semaphore_mem>>)
      tpu.wait_dma2 semaphore(%run_scoped3A : memref<!tpu.dma_semaphore, #tpu.memory_space<semaphore_mem>>) src(%arg4 : memref<2x10000xf32, #tpu.memory_space<hbm>>) dst(%arg8 : memref<2x10000xf32, #tpu.memory_space<vmem>>)
      tpu.yield
    }) : () -> ()
    "tpu.region"() ({
      %run_scoped3A = tpu.sem_alloc : memref<!tpu.dma_semaphore, #tpu.memory_space<semaphore_mem>>
      tpu.enqueue_dma source(%arg5 : memref<1x10000xf32, #tpu.memory_space<hbm>>) target(%arg9 : memref<1x10000xf32, #tpu.memory_space<vmem>>) target_semaphore(%run_scoped3A : memref<!tpu.dma_semaphore, #tpu.memory_space<semaphore_mem>>)
      tpu.wait_dma2 semaphore(%run_scoped3A : memref<!tpu.dma_semaphore, #tpu.memory_space<semaphore_mem>>) src(%arg5 : memref<1x10000xf32, #tpu.memory_space<hbm>>) dst(%arg9 : memref<1x10000xf32, #tpu.memory_space<vmem>>)
      tpu.yield
    }) : () -> ()
    %mul3A_34 = arith.constant 4 : i32
    %mul3A_35 = arith.muli %select_n3A_12, %mul3A_34 : i32
    "tpu.region"() ({
      %run_scoped3A = tpu.sem_alloc : memref<!tpu.dma_semaphore, #tpu.memory_space<semaphore_mem>>
      %dma_start3A = arith.constant 0 : i32
      %dma_start3A_49 = tpu.memref_slice %arg3[%mul3A_35, %dma_start3A] : memref<32x10000xf32, #tpu.memory_space<hbm>> -> memref<4x10000xf32, #tpu.memory_space<hbm>>
      %dma_start3A_50 = arith.constant 0 : i32
      %dma_start3A_51 = tpu.memref_slice %arg3[%mul3A_35, %dma_start3A_50] : memref<32x10000xf32, #tpu.memory_space<hbm>> -> memref<4x10000xf32, #tpu.memory_space<hbm>>
      tpu.enqueue_dma source(%dma_start3A_51 : memref<4x10000xf32, #tpu.memory_space<hbm>>) target(%arg10 : memref<4x10000xf32, #tpu.memory_space<vmem>>) target_semaphore(%run_scoped3A : memref<!tpu.dma_semaphore, #tpu.memory_space<semaphore_mem>>)
      %dma_wait3A = arith.constant 0 : i32
      %dma_wait3A_52 = tpu.memref_slice %arg3[%mul3A_35, %dma_wait3A] : memref<32x10000xf32, #tpu.memory_space<hbm>> -> memref<4x10000xf32, #tpu.memory_space<hbm>>
      %dma_wait3A_53 = arith.constant 0 : i32
      %dma_wait3A_54 = tpu.memref_slice %arg3[%mul3A_35, %dma_wait3A_53] : memref<32x10000xf32, #tpu.memory_space<hbm>> -> memref<4x10000xf32, #tpu.memory_space<hbm>>
      tpu.wait_dma2 semaphore(%run_scoped3A : memref<!tpu.dma_semaphore, #tpu.memory_space<semaphore_mem>>) src(%dma_wait3A_54 : memref<4x10000xf32, #tpu.memory_space<hbm>>) dst(%arg10 : memref<4x10000xf32, #tpu.memory_space<vmem>>)
      tpu.yield
    }) : () -> ()
    %broadcast_in_dim3A_36 = arith.constant 0.000000e+00 : f32
    %broadcast_in_dim3A_37 = vector.broadcast %broadcast_in_dim3A_36 : f32 to vector<16xf32>
    %scan3A = arith.constant 0 : i32
    %scan3A_38 = arith.constant 0 : i32
    %scan3A_39 = arith.constant 625 : i32
    %scan3A_40 = arith.addi %scan3A_38, %scan3A_39 : i32
    %scan3A_41 = arith.constant 1 : i32
    scf.for %scan3A_49 = %scan3A_38 to %scan3A_40 step %scan3A_41  : i32 {
      %mul3A_50 = arith.constant 16 : i32
      %mul3A_51 = arith.muli %scan3A_49, %mul3A_50 : i32
      %swap3A = arith.constant 0 : i32
      %swap3A_52 = arith.index_cast %swap3A : i32 to index
      %swap3A_53 = arith.index_cast %mul3A_51 : i32 to index
      %swap3A_54 = tpu.vector_load %arg11[%swap3A_52, %swap3A_53] {strides = array<i32>} : memref<4x10000xf32, #tpu.memory_space<vmem>>, vector<16xf32>,
      tpu.vector_store %arg11[%swap3A_52, %swap3A_53], %broadcast_in_dim3A_37 {strides = array<i32>} : memref<4x10000xf32, #tpu.memory_space<vmem>>, vector<16xf32>,
      %mul3A_55 = arith.constant 16 : i32
      %mul3A_56 = arith.muli %scan3A_49, %mul3A_55 : i32
      %swap3A_57 = arith.constant 1 : i32
      %swap3A_58 = arith.index_cast %swap3A_57 : i32 to index
      %swap3A_59 = arith.index_cast %mul3A_56 : i32 to index
      %swap3A_60 = tpu.vector_load %arg11[%swap3A_58, %swap3A_59] {strides = array<i32>} : memref<4x10000xf32, #tpu.memory_space<vmem>>, vector<16xf32>,
      tpu.vector_store %arg11[%swap3A_58, %swap3A_59], %broadcast_in_dim3A_37 {strides = array<i32>} : memref<4x10000xf32, #tpu.memory_space<vmem>>, vector<16xf32>,
      %mul3A_61 = arith.constant 16 : i32
      %mul3A_62 = arith.muli %scan3A_49, %mul3A_61 : i32
      %swap3A_63 = arith.constant 2 : i32
      %swap3A_64 = arith.index_cast %swap3A_63 : i32 to index
      %swap3A_65 = arith.index_cast %mul3A_62 : i32 to index
      %swap3A_66 = tpu.vector_load %arg11[%swap3A_64, %swap3A_65] {strides = array<i32>} : memref<4x10000xf32, #tpu.memory_space<vmem>>, vector<16xf32>,
      tpu.vector_store %arg11[%swap3A_64, %swap3A_65], %broadcast_in_dim3A_37 {strides = array<i32>} : memref<4x10000xf32, #tpu.memory_space<vmem>>, vector<16xf32>,
      %mul3A_67 = arith.constant 16 : i32
      %mul3A_68 = arith.muli %scan3A_49, %mul3A_67 : i32
      %swap3A_69 = arith.constant 3 : i32
      %swap3A_70 = arith.index_cast %swap3A_69 : i32 to index
      %swap3A_71 = arith.index_cast %mul3A_68 : i32 to index
      %swap3A_72 = tpu.vector_load %arg11[%swap3A_70, %swap3A_71] {strides = array<i32>} : memref<4x10000xf32, #tpu.memory_space<vmem>>, vector<16xf32>,
      tpu.vector_store %arg11[%swap3A_70, %swap3A_71], %broadcast_in_dim3A_37 {strides = array<i32>} : memref<4x10000xf32, #tpu.memory_space<vmem>>, vector<16xf32>,
    }
    %scan3A_42 = arith.constant 625 : i32
    %scan3A_43 = arith.constant 0 : i32
    %scan3A_44 = arith.constant 0 : i32
    %scan3A_45 = arith.constant 20 : i32
    %scan3A_46 = arith.addi %scan3A_44, %scan3A_45 : i32
    %scan3A_47 = arith.constant 1 : i32
    scf.for %scan3A_49 = %scan3A_44 to %scan3A_46 step %scan3A_47  : i32 {
      %mul3A_50 = arith.constant 80000 : i32
      %mul3A_51 = arith.muli %select_n3A_33, %mul3A_50 : i32
      %mul3A_52 = arith.constant 4000 : i32
      %mul3A_53 = arith.muli %scan3A_49, %mul3A_52 : i32
      %add3A_54 = arith.addi %mul3A_51, %mul3A_53 : i32
      "tpu.region"() ({
        %run_scoped3A = tpu.sem_alloc : memref<!tpu.dma_semaphore, #tpu.memory_space<semaphore_mem>>
        %dma_start3A = arith.constant 0 : i32
        %dma_start3A_61 = tpu.memref_slice %arg2[%dma_start3A, %add3A_54] : memref<2x320000xi32, #tpu.memory_space<hbm>> -> memref<2x4000xi32, #tpu.memory_space<hbm>>
        %dma_start3A_62 = arith.constant 0 : i32
        %dma_start3A_63 = tpu.memref_slice %arg2[%dma_start3A_62, %add3A_54] : memref<2x320000xi32, #tpu.memory_space<hbm>> -> memref<2x4000xi32, #tpu.memory_space<hbm>>
        tpu.enqueue_dma source(%dma_start3A_63 : memref<2x4000xi32, #tpu.memory_space<hbm>>) target(%arg7 : memref<2x4000xi32, #tpu.memory_space<vmem>>) target_semaphore(%run_scoped3A : memref<!tpu.dma_semaphore, #tpu.memory_space<semaphore_mem>>)
        %dma_wait3A = arith.constant 0 : i32
        %dma_wait3A_64 = tpu.memref_slice %arg2[%dma_wait3A, %add3A_54] : memref<2x320000xi32, #tpu.memory_space<hbm>> -> memref<2x4000xi32, #tpu.memory_space<hbm>>
        %dma_wait3A_65 = arith.constant 0 : i32
        %dma_wait3A_66 = tpu.memref_slice %arg2[%dma_wait3A_65, %add3A_54] : memref<2x320000xi32, #tpu.memory_space<hbm>> -> memref<2x4000xi32, #tpu.memory_space<hbm>>
        tpu.wait_dma2 semaphore(%run_scoped3A : memref<!tpu.dma_semaphore, #tpu.memory_space<semaphore_mem>>) src(%dma_wait3A_66 : memref<2x4000xi32, #tpu.memory_space<hbm>>) dst(%arg7 : memref<2x4000xi32, #tpu.memory_space<vmem>>)
        tpu.yield
      }) : () -> ()
      %scan3A_55 = arith.constant 0 : i32
      %scan3A_56 = arith.constant 0 : i32
      %scan3A_57 = arith.constant 250 : i32
      %scan3A_58 = arith.addi %scan3A_56, %scan3A_57 : i32
      %scan3A_59 = arith.constant 1 : i32
      scf.for %scan3A_61 = %scan3A_56 to %scan3A_58 step %scan3A_59  : i32 {
        %mul3A_62 = arith.constant 16 : i32
        %mul3A_63 = arith.muli %scan3A_61, %mul3A_62 : i32
        %get3A = arith.constant 0 : i32
        %get3A_64 = arith.index_cast %get3A : i32 to index
        %get3A_65 = arith.index_cast %mul3A_63 : i32 to index
        %get3A_66 = tpu.vector_load %arg7[%get3A_64, %get3A_65] {strides = array<i32>} : memref<2x4000xi32, #tpu.memory_space<vmem>>, vector<16xi32>,
        %mul3A_67 = arith.constant 16 : i32
        %mul3A_68 = arith.muli %scan3A_61, %mul3A_67 : i32
        %get3A_69 = arith.constant 1 : i32
        %get3A_70 = arith.index_cast %get3A_69 : i32 to index
        %get3A_71 = arith.index_cast %mul3A_68 : i32 to index
        %get3A_72 = tpu.vector_load %arg7[%get3A_70, %get3A_71] {strides = array<i32>} : memref<2x4000xi32, #tpu.memory_space<vmem>>, vector<16xi32>,
        %gather3A = tpu.vector_load_idx %arg8[%broadcast_in_dim3A_1, %get3A_66] : memref<2x10000xf32, #tpu.memory_space<vmem>>[vector<16xi32>, vector<16xi32>], vector<16xf32>,
        %gather3A_73 = tpu.vector_load_idx %arg8[%broadcast_in_dim3A_3, %get3A_72] : memref<2x10000xf32, #tpu.memory_space<vmem>>[vector<16xi32>, vector<16xi32>], vector<16xf32>,
        %add3A_74 = arith.addf %gather3A, %gather3A_73 : vector<16xf32>
        %ge3A = arith.constant 0.000000e+00 : f32
        %ge3A_75 = vector.broadcast %ge3A : f32 to vector<16xf32>
        %ge3A_76 = arith.cmpf oge, %add3A_74, %ge3A_75 : vector<16xf32>
        %mul3A_77 = arith.constant 2.000000e-01 : f32
        %mul3A_78 = vector.broadcast %mul3A_77 : f32 to vector<16xf32>
        %mul3A_79 = arith.mulf %mul3A_78, %add3A_74 : vector<16xf32>
        %select_n3A_80 = arith.select %ge3A_76, %add3A_74, %mul3A_79 : vector<16xi1>, vector<16xf32>
        %exp3A = math.exp %select_n3A_80 : vector<16xf32>
        %gather3A_81 = tpu.vector_load_idx %arg9[%broadcast_in_dim3A_1, %get3A_72] : memref<1x10000xf32, #tpu.memory_space<vmem>>[vector<16xi32>, vector<16xi32>], vector<16xf32>,
        %add3A_82 = arith.constant 1.000000e-16 : f32
        %add3A_83 = vector.broadcast %add3A_82 : f32 to vector<16xf32>
        %add3A_84 = arith.addf %gather3A_81, %add3A_83 : vector<16xf32>
        %div3A_85 = arith.divf %exp3A, %add3A_84 : vector<16xf32>
        %broadcast_in_dim3A_86 = arith.constant 0 : i32
        %broadcast_in_dim3A_87 = vector.broadcast %broadcast_in_dim3A_86 : i32 to vector<16xi32>
        %gather3A_88 = tpu.vector_load_idx %arg10[%broadcast_in_dim3A_87, %get3A_66] : memref<4x10000xf32, #tpu.memory_space<vmem>>[vector<16xi32>, vector<16xi32>], vector<16xf32>,
        %mul3A_89 = arith.mulf %gather3A_88, %div3A_85 : vector<16xf32>
        tpu.vector_store_idx %arg11[%broadcast_in_dim3A_87, %get3A_72], %mul3A_89 {add = true} : memref<4x10000xf32, #tpu.memory_space<vmem>>[vector<16xi32>, vector<16xi32>], vector<16xf32>,
        %broadcast_in_dim3A_90 = arith.constant 1 : i32
        %broadcast_in_dim3A_91 = vector.broadcast %broadcast_in_dim3A_90 : i32 to vector<16xi32>
        %gather3A_92 = tpu.vector_load_idx %arg10[%broadcast_in_dim3A_91, %get3A_66] : memref<4x10000xf32, #tpu.memory_space<vmem>>[vector<16xi32>, vector<16xi32>], vector<16xf32>,
        %mul3A_93 = arith.mulf %gather3A_92, %div3A_85 : vector<16xf32>
        tpu.vector_store_idx %arg11[%broadcast_in_dim3A_91, %get3A_72], %mul3A_93 {add = true} : memref<4x10000xf32, #tpu.memory_space<vmem>>[vector<16xi32>, vector<16xi32>], vector<16xf32>,
        %broadcast_in_dim3A_94 = arith.constant 2 : i32
        %broadcast_in_dim3A_95 = vector.broadcast %broadcast_in_dim3A_94 : i32 to vector<16xi32>
        %gather3A_96 = tpu.vector_load_idx %arg10[%broadcast_in_dim3A_95, %get3A_66] : memref<4x10000xf32, #tpu.memory_space<vmem>>[vector<16xi32>, vector<16xi32>], vector<16xf32>,
        %mul3A_97 = arith.mulf %gather3A_96, %div3A_85 : vector<16xf32>
        tpu.vector_store_idx %arg11[%broadcast_in_dim3A_95, %get3A_72], %mul3A_97 {add = true} : memref<4x10000xf32, #tpu.memory_space<vmem>>[vector<16xi32>, vector<16xi32>], vector<16xf32>,
        %broadcast_in_dim3A_98 = arith.constant 3 : i32
        %broadcast_in_dim3A_99 = vector.broadcast %broadcast_in_dim3A_98 : i32 to vector<16xi32>
        %gather3A_100 = tpu.vector_load_idx %arg10[%broadcast_in_dim3A_99, %get3A_66] : memref<4x10000xf32, #tpu.memory_space<vmem>>[vector<16xi32>, vector<16xi32>], vector<16xf32>,
        %mul3A_101 = arith.mulf %gather3A_100, %div3A_85 : vector<16xf32>
        tpu.vector_store_idx %arg11[%broadcast_in_dim3A_99, %get3A_72], %mul3A_101 {add = true} : memref<4x10000xf32, #tpu.memory_space<vmem>>[vector<16xi32>, vector<16xi32>], vector<16xf32>,
      }
      %scan3A_60 = arith.constant 250 : i32
    }
    %scan3A_48 = arith.constant 20 : i32
    "tpu.region"() ({
      %run_scoped3A = tpu.sem_alloc : memref<!tpu.dma_semaphore, #tpu.memory_space<semaphore_mem>>
      %dma_start3A = arith.constant 0 : i32
      %dma_start3A_49 = arith.constant 0 : i32
      %dma_start3A_50 = tpu.memref_slice %arg6[%add3A, %dma_start3A, %dma_start3A_49] : memref<32x4x10000xf32, #tpu.memory_space<hbm>> -> memref<1x4x10000xf32, #tpu.memory_space<hbm>>
      %dma_start3A_51 = tpu.memref_squeeze %dma_start3A_50 : memref<1x4x10000xf32, #tpu.memory_space<hbm>> -> memref<4x10000xf32, #tpu.memory_space<hbm>>
      %dma_start3A_52 = arith.constant 0 : i32
      %dma_start3A_53 = arith.constant 0 : i32
      %dma_start3A_54 = tpu.memref_slice %arg6[%add3A, %dma_start3A_52, %dma_start3A_53] : memref<32x4x10000xf32, #tpu.memory_space<hbm>> -> memref<1x4x10000xf32, #tpu.memory_space<hbm>>
      %dma_start3A_55 = tpu.memref_squeeze %dma_start3A_54 : memref<1x4x10000xf32, #tpu.memory_space<hbm>> -> memref<4x10000xf32, #tpu.memory_space<hbm>>
      tpu.enqueue_dma source(%arg11 : memref<4x10000xf32, #tpu.memory_space<vmem>>) target(%dma_start3A_55 : memref<4x10000xf32, #tpu.memory_space<hbm>>) target_semaphore(%run_scoped3A : memref<!tpu.dma_semaphore, #tpu.memory_space<semaphore_mem>>)
      %dma_wait3A = arith.constant 0 : i32
      %dma_wait3A_56 = arith.constant 0 : i32
      %dma_wait3A_57 = tpu.memref_slice %arg6[%add3A, %dma_wait3A, %dma_wait3A_56] : memref<32x4x10000xf32, #tpu.memory_space<hbm>> -> memref<1x4x10000xf32, #tpu.memory_space<hbm>>
      %dma_wait3A_58 = tpu.memref_squeeze %dma_wait3A_57 : memref<1x4x10000xf32, #tpu.memory_space<hbm>> -> memref<4x10000xf32, #tpu.memory_space<hbm>>
      %dma_wait3A_59 = arith.constant 0 : i32
      %dma_wait3A_60 = arith.constant 0 : i32
      %dma_wait3A_61 = tpu.memref_slice %arg6[%add3A, %dma_wait3A_59, %dma_wait3A_60] : memref<32x4x10000xf32, #tpu.memory_space<hbm>> -> memref<1x4x10000xf32, #tpu.memory_space<hbm>>
      %dma_wait3A_62 = tpu.memref_squeeze %dma_wait3A_61 : memref<1x4x10000xf32, #tpu.memory_space<hbm>> -> memref<4x10000xf32, #tpu.memory_space<hbm>>
      tpu.wait_dma2 semaphore(%run_scoped3A : memref<!tpu.dma_semaphore, #tpu.memory_space<semaphore_mem>>) src(%arg11 : memref<4x10000xf32, #tpu.memory_space<vmem>>) dst(%dma_wait3A_62 : memref<4x10000xf32, #tpu.memory_space<hbm>>)
      tpu.yield
    }) : () -> ()
    return
  }
}

module attributes {stable_mosaic.version = 14 : i64} {
  func.func @_tc_pre_body(%arg0: memref<128x10000xf32, #tpu.memory_space<vmem>>, %arg1: memref<128x256xf32, #tpu.memory_space<vmem>>, %arg2: memref<8x32xf32, #tpu.memory_space<vmem>>, %arg3: memref<8x32xf32, #tpu.memory_space<vmem>>, %arg4: memref<128x256xf32, #tpu.memory_space<vmem>>, %arg5: memref<256x10000xf32, #tpu.memory_space<vmem>>, %arg6: memref<8x10000xf32, #tpu.memory_space<vmem>>, %arg7: memref<8x10000xf32, #tpu.memory_space<vmem>>, %arg8: memref<256x10000xf32, #tpu.memory_space<vmem>>) attributes {dimension_semantics = [], scalar_prefetch = 0 : i64, scratch_operands = 0 : i64, tpu.core_type = #tpu.core_type<tc>} {
    %get3A = arith.constant 0 : index
    %get3A_0 = arith.constant 0 : index
    %get3A_1 = vector.load %arg0[%get3A, %get3A_0] : memref<128x10000xf32, #tpu.memory_space<vmem>>, vector<128x10000xf32>
    %get3A_2 = arith.constant 0 : index
    %get3A_3 = arith.constant 0 : index
    %get3A_4 = vector.load %arg1[%get3A_2, %get3A_3] : memref<128x256xf32, #tpu.memory_space<vmem>>, vector<128x256xf32>
    %dot_general3A = arith.constant dense<0.000000e+00> : vector<256x10000xf32>
    %dot_general3A_5 = tpu.matmul %get3A_4, %get3A_1, %dot_general3A {dimension_numbers = #tpu.dot_dimension_numbers<[0], [0], [1], [1], [0, 1, 1, 1], [], []>, transpose_lhs_hint = false} : vector<128x256xf32>, vector<128x10000xf32>, vector<256x10000xf32> -> vector<256x10000xf32>
    %reshape3A = vector.shape_cast %dot_general3A_5 : vector<256x10000xf32> to vector<8x32x10000xf32>
    %get3A_6 = arith.constant 0 : index
    %get3A_7 = arith.constant 0 : index
    %get3A_8 = vector.load %arg2[%get3A_6, %get3A_7] : memref<8x32xf32, #tpu.memory_space<vmem>>, vector<8x32xf32>
    %broadcast_in_dim3A = vector.shape_cast %get3A_8 : vector<8x32xf32> to vector<8x32x1xf32>
    %mul3A = vector.broadcast %broadcast_in_dim3A : vector<8x32x1xf32> to vector<8x32x10000xf32>
    %mul3A_9 = arith.mulf %reshape3A, %mul3A : vector<8x32x10000xf32>
    %reduce_sum3A = arith.constant dense<0.000000e+00> : vector<8x10000xf32>
    %reduce_sum3A_10 = vector.multi_reduction <add>, %mul3A_9, %reduce_sum3A [1] : vector<8x32x10000xf32> to vector<8x10000xf32>
    %swap3A = arith.constant 0 : index
    %swap3A_11 = arith.constant 0 : index
    %swap3A_12 = vector.load %arg6[%swap3A, %swap3A_11] : memref<8x10000xf32, #tpu.memory_space<vmem>>, vector<8x10000xf32>
    tpu.vector_store %arg6[%swap3A, %swap3A_11], %reduce_sum3A_10 {strides = array<i32>} : memref<8x10000xf32, #tpu.memory_space<vmem>>, vector<8x10000xf32>,
    %get3A_13 = arith.constant 0 : index
    %get3A_14 = arith.constant 0 : index
    %get3A_15 = vector.load %arg3[%get3A_13, %get3A_14] : memref<8x32xf32, #tpu.memory_space<vmem>>, vector<8x32xf32>
    %broadcast_in_dim3A_16 = vector.shape_cast %get3A_15 : vector<8x32xf32> to vector<8x32x1xf32>
    %mul3A_17 = vector.broadcast %broadcast_in_dim3A_16 : vector<8x32x1xf32> to vector<8x32x10000xf32>
    %mul3A_18 = arith.mulf %reshape3A, %mul3A_17 : vector<8x32x10000xf32>
    %reduce_sum3A_19 = arith.constant dense<0.000000e+00> : vector<8x10000xf32>
    %reduce_sum3A_20 = vector.multi_reduction <add>, %mul3A_18, %reduce_sum3A_19 [1] : vector<8x32x10000xf32> to vector<8x10000xf32>
    %swap3A_21 = arith.constant 0 : index
    %swap3A_22 = arith.constant 0 : index
    %swap3A_23 = vector.load %arg7[%swap3A_21, %swap3A_22] : memref<8x10000xf32, #tpu.memory_space<vmem>>, vector<8x10000xf32>
    tpu.vector_store %arg7[%swap3A_21, %swap3A_22], %reduce_sum3A_20 {strides = array<i32>} : memref<8x10000xf32, #tpu.memory_space<vmem>>, vector<8x10000xf32>,
    %swap3A_24 = arith.constant 0 : index
    %swap3A_25 = arith.constant 0 : index
    %swap3A_26 = vector.load %arg5[%swap3A_24, %swap3A_25] : memref<256x10000xf32, #tpu.memory_space<vmem>>, vector<256x10000xf32>
    tpu.vector_store %arg5[%swap3A_24, %swap3A_25], %dot_general3A_5 {strides = array<i32>} : memref<256x10000xf32, #tpu.memory_space<vmem>>, vector<256x10000xf32>,
    %get3A_27 = arith.constant 0 : index
    %get3A_28 = arith.constant 0 : index
    %get3A_29 = vector.load %arg4[%get3A_27, %get3A_28] : memref<128x256xf32, #tpu.memory_space<vmem>>, vector<128x256xf32>
    %dot_general3A_30 = arith.constant dense<0.000000e+00> : vector<256x10000xf32>
    %dot_general3A_31 = tpu.matmul %get3A_29, %get3A_1, %dot_general3A_30 {dimension_numbers = #tpu.dot_dimension_numbers<[0], [0], [1], [1], [0, 1, 1, 1], [], []>, transpose_lhs_hint = false} : vector<128x256xf32>, vector<128x10000xf32>, vector<256x10000xf32> -> vector<256x10000xf32>
    %swap3A_32 = arith.constant 0 : index
    %swap3A_33 = arith.constant 0 : index
    %swap3A_34 = vector.load %arg8[%swap3A_32, %swap3A_33] : memref<256x10000xf32, #tpu.memory_space<vmem>>, vector<256x10000xf32>
    tpu.vector_store %arg8[%swap3A_32, %swap3A_33], %dot_general3A_31 {strides = array<i32>} : memref<256x10000xf32, #tpu.memory_space<vmem>>, vector<256x10000xf32>,
    return
  }
}

module attributes {stable_mosaic.version = 14 : i64} {
  func.func @_tc_red0_body(%arg0: memref<32x4x10000xf32, #tpu.memory_space<vmem>>, %arg1: memref<8x10000xf32, #tpu.memory_space<vmem>>) attributes {dimension_semantics = [], scalar_prefetch = 0 : i64, scratch_operands = 0 : i64, tpu.core_type = #tpu.core_type<tc>} {
    %get3A = arith.constant 0 : index
    %get3A_0 = arith.constant 0 : index
    %get3A_1 = arith.constant 0 : index
    %get3A_2 = vector.load %arg0[%get3A, %get3A_0, %get3A_1] : memref<32x4x10000xf32, #tpu.memory_space<vmem>>, vector<32x4x10000xf32>
    %reshape3A = vector.shape_cast %get3A_2 : vector<32x4x10000xf32> to vector<16x8x10000xf32>
    %reduce_sum3A = arith.constant dense<0.000000e+00> : vector<8x10000xf32>
    %reduce_sum3A_3 = vector.multi_reduction <add>, %reshape3A, %reduce_sum3A [0] : vector<16x8x10000xf32> to vector<8x10000xf32>
    %swap3A = arith.constant 0 : index
    %swap3A_4 = arith.constant 0 : index
    %swap3A_5 = vector.load %arg1[%swap3A, %swap3A_4] : memref<8x10000xf32, #tpu.memory_space<vmem>>, vector<8x10000xf32>
    tpu.vector_store %arg1[%swap3A, %swap3A_4], %reduce_sum3A_3 {strides = array<i32>} : memref<8x10000xf32, #tpu.memory_space<vmem>>, vector<8x10000xf32>,
    return
  }
}

module attributes {stable_mosaic.version = 14 : i64} {
  func.func @_tc_mid_body(%arg0: memref<64x4x10000xf32, #tpu.memory_space<vmem>>, %arg1: memref<256x10000xf32, #tpu.memory_space<vmem>>, %arg2: memref<256x1xf32, #tpu.memory_space<vmem>>, %arg3: memref<256x1xf32, #tpu.memory_space<vmem>>, %arg4: memref<256x1xf32, #tpu.memory_space<vmem>>, %arg5: memref<256x1xf32, #tpu.memory_space<vmem>>, %arg6: memref<256x1xf32, #tpu.memory_space<vmem>>, %arg7: memref<256x32xf32, #tpu.memory_space<vmem>>, %arg8: memref<1x32xf32, #tpu.memory_space<vmem>>, %arg9: memref<1x32xf32, #tpu.memory_space<vmem>>, %arg10: memref<256x32xf32, #tpu.memory_space<vmem>>, %arg11: memref<32x10000xf32, #tpu.memory_space<vmem>>, %arg12: memref<2x10000xf32, #tpu.memory_space<vmem>>, %arg13: memref<32x10000xf32, #tpu.memory_space<vmem>>) attributes {dimension_semantics = [], scalar_prefetch = 0 : i64, scratch_operands = 0 : i64, tpu.core_type = #tpu.core_type<tc>} {
    %get3A = arith.constant 0 : index
    %get3A_0 = arith.constant 0 : index
    %get3A_1 = arith.constant 0 : index
    %get3A_2 = vector.load %arg0[%get3A, %get3A_0, %get3A_1] : memref<64x4x10000xf32, #tpu.memory_space<vmem>>, vector<64x4x10000xf32>
    %reshape3A = vector.shape_cast %get3A_2 : vector<64x4x10000xf32> to vector<256x10000xf32>
    %get3A_3 = arith.constant 0 : index
    %get3A_4 = arith.constant 0 : index
    %get3A_5 = vector.load %arg2[%get3A_3, %get3A_4] : memref<256x1xf32, #tpu.memory_space<vmem>>, vector<256x1xf32>
    %add3A = vector.broadcast %get3A_5 : vector<256x1xf32> to vector<256x10000xf32>
    %add3A_6 = arith.addf %reshape3A, %add3A : vector<256x10000xf32>
    %get3A_7 = arith.constant 0 : index
    %get3A_8 = arith.constant 0 : index
    %get3A_9 = vector.load %arg3[%get3A_7, %get3A_8] : memref<256x1xf32, #tpu.memory_space<vmem>>, vector<256x1xf32>
    %get3A_10 = arith.constant 0 : index
    %get3A_11 = arith.constant 0 : index
    %get3A_12 = vector.load %arg6[%get3A_10, %get3A_11] : memref<256x1xf32, #tpu.memory_space<vmem>>, vector<256x1xf32>
    %add3A_13 = arith.constant 9.99999974E-6 : f32
    %add3A_14 = vector.broadcast %add3A_13 : f32 to vector<256x1xf32>
    %add3A_15 = arith.addf %get3A_12, %add3A_14 : vector<256x1xf32>
    %rsqrt3A = math.rsqrt %add3A_15 : vector<256x1xf32>
    %mul3A = arith.mulf %get3A_9, %rsqrt3A : vector<256x1xf32>
    %get3A_16 = arith.constant 0 : index
    %get3A_17 = arith.constant 0 : index
    %get3A_18 = vector.load %arg5[%get3A_16, %get3A_17] : memref<256x1xf32, #tpu.memory_space<vmem>>, vector<256x1xf32>
    %sub3A = vector.broadcast %get3A_18 : vector<256x1xf32> to vector<256x10000xf32>
    %sub3A_19 = arith.subf %add3A_6, %sub3A : vector<256x10000xf32>
    %mul3A_20 = vector.broadcast %mul3A : vector<256x1xf32> to vector<256x10000xf32>
    %mul3A_21 = arith.mulf %sub3A_19, %mul3A_20 : vector<256x10000xf32>
    %get3A_22 = arith.constant 0 : index
    %get3A_23 = arith.constant 0 : index
    %get3A_24 = vector.load %arg4[%get3A_22, %get3A_23] : memref<256x1xf32, #tpu.memory_space<vmem>>, vector<256x1xf32>
    %add3A_25 = vector.broadcast %get3A_24 : vector<256x1xf32> to vector<256x10000xf32>
    %add3A_26 = arith.addf %mul3A_21, %add3A_25 : vector<256x10000xf32>
    %get3A_27 = arith.constant 0 : index
    %get3A_28 = arith.constant 0 : index
    %get3A_29 = vector.load %arg1[%get3A_27, %get3A_28] : memref<256x10000xf32, #tpu.memory_space<vmem>>, vector<256x10000xf32>
    %add3A_30 = arith.addf %add3A_26, %get3A_29 : vector<256x10000xf32>
    %gt3A = arith.constant 0.000000e+00 : f32
    %gt3A_31 = vector.broadcast %gt3A : f32 to vector<256x10000xf32>
    %gt3A_32 = arith.cmpf ogt, %add3A_30, %gt3A_31 : vector<256x10000xf32>
    %min3A = arith.constant 0.000000e+00 : f32
    %min3A_33 = vector.broadcast %min3A : f32 to vector<256x10000xf32>
    %min3A_34 = arith.minimumf %add3A_30, %min3A_33 : vector<256x10000xf32>
    %exp3A = math.exp %min3A_34 : vector<256x10000xf32>
    %sub3A_35 = arith.constant 1.000000e+00 : f32
    %sub3A_36 = vector.broadcast %sub3A_35 : f32 to vector<256x10000xf32>
    %sub3A_37 = arith.subf %exp3A, %sub3A_36 : vector<256x10000xf32>
    %select_n3A = arith.select %gt3A_32, %add3A_30, %sub3A_37 : vector<256x10000xi1>, vector<256x10000xf32>
    %get3A_38 = arith.constant 0 : index
    %get3A_39 = arith.constant 0 : index
    %get3A_40 = vector.load %arg7[%get3A_38, %get3A_39] : memref<256x32xf32, #tpu.memory_space<vmem>>, vector<256x32xf32>
    %dot_general3A = arith.constant dense<0.000000e+00> : vector<32x10000xf32>
    %dot_general3A_41 = tpu.matmul %get3A_40, %select_n3A, %dot_general3A {dimension_numbers = #tpu.dot_dimension_numbers<[0], [0], [1], [1], [0, 1, 1, 1], [], []>, transpose_lhs_hint = false} : vector<256x32xf32>, vector<256x10000xf32>, vector<32x10000xf32> -> vector<32x10000xf32>
    %swap3A = arith.constant 0 : index
    %swap3A_42 = arith.constant 0 : index
    %swap3A_43 = vector.load %arg11[%swap3A, %swap3A_42] : memref<32x10000xf32, #tpu.memory_space<vmem>>, vector<32x10000xf32>
    tpu.vector_store %arg11[%swap3A, %swap3A_42], %dot_general3A_41 {strides = array<i32>} : memref<32x10000xf32, #tpu.memory_space<vmem>>, vector<32x10000xf32>,
    %get3A_44 = arith.constant 0 : index
    %get3A_45 = arith.constant 0 : index
    %get3A_46 = vector.load %arg8[%get3A_44, %get3A_45] : memref<1x32xf32, #tpu.memory_space<vmem>>, vector<1x32xf32>
    %reshape3A_47 = vector.shape_cast %get3A_46 : vector<1x32xf32> to vector<32x1xf32>
    %mul3A_48 = vector.broadcast %reshape3A_47 : vector<32x1xf32> to vector<32x10000xf32>
    %mul3A_49 = arith.mulf %dot_general3A_41, %mul3A_48 : vector<32x10000xf32>
    %reduce_sum3A = arith.constant dense<0.000000e+00> : vector<10000xf32>
    %reduce_sum3A_50 = vector.multi_reduction <add>, %mul3A_49, %reduce_sum3A [0] : vector<32x10000xf32> to vector<10000xf32>
    %get3A_51 = arith.constant 0 : index
    %get3A_52 = arith.constant 0 : index
    %get3A_53 = vector.load %arg9[%get3A_51, %get3A_52] : memref<1x32xf32, #tpu.memory_space<vmem>>, vector<1x32xf32>
    %reshape3A_54 = vector.shape_cast %get3A_53 : vector<1x32xf32> to vector<32x1xf32>
    %mul3A_55 = vector.broadcast %reshape3A_54 : vector<32x1xf32> to vector<32x10000xf32>
    %mul3A_56 = arith.mulf %dot_general3A_41, %mul3A_55 : vector<32x10000xf32>
    %reduce_sum3A_57 = arith.constant dense<0.000000e+00> : vector<10000xf32>
    %reduce_sum3A_58 = vector.multi_reduction <add>, %mul3A_56, %reduce_sum3A_57 [0] : vector<32x10000xf32> to vector<10000xf32>
    %stack3A = vector.shape_cast %reduce_sum3A_50 : vector<10000xf32> to vector<1x10000xf32>
    %stack3A_59 = vector.shape_cast %reduce_sum3A_58 : vector<10000xf32> to vector<1x10000xf32>
    %stack3A_60 = tpu.concatenate %stack3A, %stack3A_59 in 0 : vector<1x10000xf32>, vector<1x10000xf32> -> vector<2x10000xf32>
    %swap3A_61 = arith.constant 0 : index
    %swap3A_62 = arith.constant 0 : index
    %swap3A_63 = vector.load %arg12[%swap3A_61, %swap3A_62] : memref<2x10000xf32, #tpu.memory_space<vmem>>, vector<2x10000xf32>
    tpu.vector_store %arg12[%swap3A_61, %swap3A_62], %stack3A_60 {strides = array<i32>} : memref<2x10000xf32, #tpu.memory_space<vmem>>, vector<2x10000xf32>,
    %get3A_64 = arith.constant 0 : index
    %get3A_65 = arith.constant 0 : index
    %get3A_66 = vector.load %arg10[%get3A_64, %get3A_65] : memref<256x32xf32, #tpu.memory_space<vmem>>, vector<256x32xf32>
    %dot_general3A_67 = arith.constant dense<0.000000e+00> : vector<32x10000xf32>
    %dot_general3A_68 = tpu.matmul %get3A_66, %select_n3A, %dot_general3A_67 {dimension_numbers = #tpu.dot_dimension_numbers<[0], [0], [1], [1], [0, 1, 1, 1], [], []>, transpose_lhs_hint = false} : vector<256x32xf32>, vector<256x10000xf32>, vector<32x10000xf32> -> vector<32x10000xf32>
    %swap3A_69 = arith.constant 0 : index
    %swap3A_70 = arith.constant 0 : index
    %swap3A_71 = vector.load %arg13[%swap3A_69, %swap3A_70] : memref<32x10000xf32, #tpu.memory_space<vmem>>, vector<32x10000xf32>
    tpu.vector_store %arg13[%swap3A_69, %swap3A_70], %dot_general3A_68 {strides = array<i32>} : memref<32x10000xf32, #tpu.memory_space<vmem>>, vector<32x10000xf32>,
    return
  }
}

module attributes {stable_mosaic.version = 14 : i64} {
  func.func @_tc_red1_body(%arg0: memref<32x1x10000xf32, #tpu.memory_space<vmem>>, %arg1: memref<1x10000xf32, #tpu.memory_space<vmem>>) attributes {dimension_semantics = [], scalar_prefetch = 0 : i64, scratch_operands = 0 : i64, tpu.core_type = #tpu.core_type<tc>} {
    %get3A = arith.constant 0 : index
    %get3A_0 = arith.constant 0 : index
    %get3A_1 = arith.constant 0 : index
    %get3A_2 = vector.load %arg0[%get3A, %get3A_0, %get3A_1] : memref<32x1x10000xf32, #tpu.memory_space<vmem>>, vector<32x1x10000xf32>
    %reduce_sum3A = arith.constant dense<0.000000e+00> : vector<1x10000xf32>
    %reduce_sum3A_3 = vector.multi_reduction <add>, %get3A_2, %reduce_sum3A [0] : vector<32x1x10000xf32> to vector<1x10000xf32>
    %swap3A = arith.constant 0 : index
    %swap3A_4 = arith.constant 0 : index
    %swap3A_5 = vector.load %arg1[%swap3A, %swap3A_4] : memref<1x10000xf32, #tpu.memory_space<vmem>>, vector<1x10000xf32>
    tpu.vector_store %arg1[%swap3A, %swap3A_4], %reduce_sum3A_3 {strides = array<i32>} : memref<1x10000xf32, #tpu.memory_space<vmem>>, vector<1x10000xf32>,
    return
  }
}

module attributes {stable_mosaic.version = 14 : i64} {
  func.func @_tc_fin_body(%arg0: memref<32x4x10000xf32, #tpu.memory_space<vmem>>, %arg1: memref<32x10000xf32, #tpu.memory_space<vmem>>, %arg2: memref<32x1xf32, #tpu.memory_space<vmem>>, %arg3: memref<32x1xf32, #tpu.memory_space<vmem>>, %arg4: memref<32x1xf32, #tpu.memory_space<vmem>>, %arg5: memref<32x1xf32, #tpu.memory_space<vmem>>, %arg6: memref<32x1xf32, #tpu.memory_space<vmem>>, %arg7: memref<32x10000xf32, #tpu.memory_space<vmem>>) attributes {dimension_semantics = [], scalar_prefetch = 0 : i64, scratch_operands = 0 : i64, tpu.core_type = #tpu.core_type<tc>} {
    %get3A = arith.constant 0 : index
    %get3A_0 = arith.constant 0 : index
    %get3A_1 = arith.constant 0 : index
    %get3A_2 = vector.load %arg0[%get3A, %get3A_0, %get3A_1] : memref<32x4x10000xf32, #tpu.memory_space<vmem>>, vector<32x4x10000xf32>
    %reshape3A = vector.shape_cast %get3A_2 : vector<32x4x10000xf32> to vector<4x8x4x10000xf32>
    %reduce_sum3A = arith.constant dense<0.000000e+00> : vector<8x4x10000xf32>
    %reduce_sum3A_3 = vector.multi_reduction <add>, %reshape3A, %reduce_sum3A [0] : vector<4x8x4x10000xf32> to vector<8x4x10000xf32>
    %reshape3A_4 = vector.shape_cast %reduce_sum3A_3 : vector<8x4x10000xf32> to vector<32x10000xf32>
    %get3A_5 = arith.constant 0 : index
    %get3A_6 = arith.constant 0 : index
    %get3A_7 = vector.load %arg2[%get3A_5, %get3A_6] : memref<32x1xf32, #tpu.memory_space<vmem>>, vector<32x1xf32>
    %add3A = vector.broadcast %get3A_7 : vector<32x1xf32> to vector<32x10000xf32>
    %add3A_8 = arith.addf %reshape3A_4, %add3A : vector<32x10000xf32>
    %get3A_9 = arith.constant 0 : index
    %get3A_10 = arith.constant 0 : index
    %get3A_11 = vector.load %arg3[%get3A_9, %get3A_10] : memref<32x1xf32, #tpu.memory_space<vmem>>, vector<32x1xf32>
    %get3A_12 = arith.constant 0 : index
    %get3A_13 = arith.constant 0 : index
    %get3A_14 = vector.load %arg6[%get3A_12, %get3A_13] : memref<32x1xf32, #tpu.memory_space<vmem>>, vector<32x1xf32>
    %add3A_15 = arith.constant 9.99999974E-6 : f32
    %add3A_16 = vector.broadcast %add3A_15 : f32 to vector<32x1xf32>
    %add3A_17 = arith.addf %get3A_14, %add3A_16 : vector<32x1xf32>
    %rsqrt3A = math.rsqrt %add3A_17 : vector<32x1xf32>
    %mul3A = arith.mulf %get3A_11, %rsqrt3A : vector<32x1xf32>
    %get3A_18 = arith.constant 0 : index
    %get3A_19 = arith.constant 0 : index
    %get3A_20 = vector.load %arg5[%get3A_18, %get3A_19] : memref<32x1xf32, #tpu.memory_space<vmem>>, vector<32x1xf32>
    %sub3A = vector.broadcast %get3A_20 : vector<32x1xf32> to vector<32x10000xf32>
    %sub3A_21 = arith.subf %add3A_8, %sub3A : vector<32x10000xf32>
    %mul3A_22 = vector.broadcast %mul3A : vector<32x1xf32> to vector<32x10000xf32>
    %mul3A_23 = arith.mulf %sub3A_21, %mul3A_22 : vector<32x10000xf32>
    %get3A_24 = arith.constant 0 : index
    %get3A_25 = arith.constant 0 : index
    %get3A_26 = vector.load %arg4[%get3A_24, %get3A_25] : memref<32x1xf32, #tpu.memory_space<vmem>>, vector<32x1xf32>
    %add3A_27 = vector.broadcast %get3A_26 : vector<32x1xf32> to vector<32x10000xf32>
    %add3A_28 = arith.addf %mul3A_23, %add3A_27 : vector<32x10000xf32>
    %get3A_29 = arith.constant 0 : index
    %get3A_30 = arith.constant 0 : index
    %get3A_31 = vector.load %arg1[%get3A_29, %get3A_30] : memref<32x10000xf32, #tpu.memory_space<vmem>>, vector<32x10000xf32>
    %add3A_32 = arith.addf %add3A_28, %get3A_31 : vector<32x10000xf32>
    %gt3A = arith.constant 0.000000e+00 : f32
    %gt3A_33 = vector.broadcast %gt3A : f32 to vector<32x10000xf32>
    %gt3A_34 = arith.cmpf ogt, %add3A_32, %gt3A_33 : vector<32x10000xf32>
    %min3A = arith.constant 0.000000e+00 : f32
    %min3A_35 = vector.broadcast %min3A : f32 to vector<32x10000xf32>
    %min3A_36 = arith.minimumf %add3A_32, %min3A_35 : vector<32x10000xf32>
    %exp3A = math.exp %min3A_36 : vector<32x10000xf32>
    %sub3A_37 = arith.constant 1.000000e+00 : f32
    %sub3A_38 = vector.broadcast %sub3A_37 : f32 to vector<32x10000xf32>
    %sub3A_39 = arith.subf %exp3A, %sub3A_38 : vector<32x10000xf32>
    %select_n3A = arith.select %gt3A_34, %add3A_32, %sub3A_39 : vector<32x10000xi1>, vector<32x10000xf32>
    %swap3A = arith.constant 0 : index
    %swap3A_40 = arith.constant 0 : index
    %swap3A_41 = vector.load %arg7[%swap3A, %swap3A_40] : memref<32x10000xf32, #tpu.memory_space<vmem>>, vector<32x10000xf32>
    tpu.vector_store %arg7[%swap3A, %swap3A_40], %select_n3A {strides = array<i32>} : memref<32x10000xf32, #tpu.memory_space<vmem>>, vector<32x10000xf32>,
    return
  }
}

</mosaic_0001>

<sc_bundles>
// kernel: kernel.12.cloned.1.call-start
scs
__scs_entry_jumppad:
0x0: {  	(pc) =	sbr.rel $0x88, $3  }
0x1: {  	(tag) =	ssettag $0x0;
	lr =	simm.s32 $0x1  }
0x2: {  	[smem:$0x3F8D] =	sst lr;
	_ =	strace $0xD0000000  }
0x3: {  	_ = 	snop  }
0x4: {  	_ = 	snop  }
0x5: {  	_ = 	snop  }
0x6: {  	_ = 	snop  }
0x7: {  	_ = 	snop  }
__scs_overlays_trampoline_lowered:
0x8: {  	[smem:$0x3F9C] =	sst s0  }
0x9: {  	[smem:$0x3F9D] =	sst s1  }
0xa: {  	[smem:$0x3F9E] =	sst s2  }
0xb: {  	[smem:$0x3F9F] =	sst s3  }
0xc: {  	[smem:$0x3FA0] =	sst s4  }
0xd: {  	[smem:$0x3FA1] =	sst s5  }
0xe: {  	[smem:$0x3FA2] =	sst s6  }
0xf: {  	[smem:$0x3FA3] =	sst s7  }
0x10: {  	[smem:$0x3FA4] =	sst s8  }
0x11: {  	[smem:$0x3FA5] =	sst s9;
	s0 =	simm.s32 @!p0 $0x0  }
0x12: {  	s1 =	sld [smem:$0x3F8B];
	s0 =	simm.s32 @p0 $0x1  }
0x13: {  	[smem:$0x3FA6] =	sst s0;
	s0 =	simm.s32 @!p1 $0x0  }
0x14: {  	s2 =	sld [smem:$0x3F8A];
	s0 =	simm.s32 @p1 $0x1  }
0x15: {  	[smem:$0x3FA7] =	sst s0;
	s0 =	simm.s32 @!p2 $0x0  }
0x16: {  	s3 =	sld [smem:$0x3FDB];
	s0 =	simm.s32 @p2 $0x1  }
0x17: {  	s4 =	simm.s32 $0x1BF5;
	[smem:$0x3FA9] =	sst s0  }
0x18: {  	s0 =	sld [smem:$0x3F8C];
	_ =	swait.ge [sflag:s4], $0x0  }
0x19: {  	s7 =	sld [smem:$0x3F8D]  }
0x1a: {  	s8 =	sadd.s32 $0xFFFFE003, lr  }
0x1b: {  	s9 =	sadd.s32 $0xFFFFFEF7, lr;
	s5 =	simm.s32 $0xFFFFFFFF;
	p2 =	slt.u32 s8, $0xFFFFF086  }
0x1c: {  	p1 =	slt.u32 s9, $0xF7A;
	s5 =	simm.s32 @!p2 $0x0  }
0x1d: {  	s5 =	simm.s32 @p1 $0x1;
	p0 =	seq.s32 s7, s2  }
0x1e: {  	s7 =	smul.u32 @!p0 $0xF7A, s2;
	p2 =	seq.s32 @!p0 s5, $0x0  }
0x1f: {  	s9 =	smul.u32 $0xF7A, s1;
	s8 =	simm.s32 @!p0 $0x1BF5;
	p2 =	por !p2, p0  }
0x20: {  	[sflag:s8] =	ssyncset.s32 @!p0 $0xFFFFF086;
	s6 =	sadd.s32 @!p0 s3, s7;
	s7 =	simm.s32 @!p0 $0x108  }
0x21: {  	s3 =	sadd.s32 s3, s9;
	s6 =	sadd.s32 @!p0 $0x88, s6;
	s7 =	simm.s32 @p2 $0x1082  }
0x22: {  	[simem:s7], [sflag:s8] =	dma.local @!p0 [hbm:s6], $0xF7A  }
0x23: {  	s9 =	sor.u32 $0xD0000000, s2;
	s6 =	simm.s32 $0x108;
	_ =	swait.ge @!p0 [sflag:s8], $0x0  }
0x24: {  	s3 =	sadd.s32 $0x88, s3;
	s6 =	simm.s32 @!p1 $0x1082;
	[sflag:s4] =	ssyncset.s32 $0xFFFFF086  }
0x25: {  	[simem:s6], [sflag:s4] =	dma.local [hbm:s3], $0xF7A  }
0x26: {  	[smem:$0x3F8D] =	sst s1;
	(tag) =	ssettag s2;
	_ =	strace s9  }
0x27: {  	s1 =	sld [smem:$0x3F9D]  }
0x28: {  	s2 =	sld [smem:$0x3F9E]  }
0x29: {  	s4 =	sld [smem:$0x3FA0]  }
0x2a: {  	p0 =	seq.s32 s5, $0x0;
	s5 =	sld [smem:$0x3FA1]  }
0x2b: {  	s6 =	sld [smem:$0x3FA2]  }
0x2c: {  	s7 =	sld [smem:$0x3FA3]  }
0x2d: {  	s3 =	simm.s32 $0x108;
	s8 =	sld [smem:$0x3FA4]  }
0x2e: {  	s3 =	simm.s32 @!p0 $0x1082;
	s9 =	sld [smem:$0x3FA5]  }
0x2f: {  	lr =	sadd.s32 s0, s3;
	s0 =	sld [smem:$0x3F9C]  }
0x30: {  	s3 =	sld [smem:$0x3F9F]  }
0x31: {  	[smem:$0x3FA8] =	sst s10  }
0x32: {  	s10 =	sld [smem:$0x3FA6];
	_ =	sdelay $0x3  }
0x33: {  	p0 =	seq.s32 s10, $0x1;
	s10 =	sld [smem:$0x3FA8];
	_ =	sdelay $0x3  }
0x34: {  	[smem:$0x3FA8] =	sst s10  }
0x35: {  	s10 =	sld [smem:$0x3FA7];
	_ =	sdelay $0x3  }
0x36: {  	p1 =	seq.s32 s10, $0x1;
	s10 =	sld [smem:$0x3FA8];
	_ =	sdelay $0x3  }
0x37: {  	[smem:$0x3FA8] =	sst s10  }
0x38: {  	s10 =	sld [smem:$0x3FA9]  }
0x39: {  	_ = 	snop;
	(pc) =	sbr.ind lr, $3  }
0x3a: {  	_ = 	snop  }
0x3b: {  	_ = 	snop  }
0x3c: {  	p2 =	seq.s32 s10, $0x1;
	s10 =	sld [smem:$0x3FA8]  }
0x3d: {  	_ =	shalt  }
0x3e: {  	_ =	shalt  }
0x3f: {  	_ =	shalt  }
0x40: {  	_ =	shalt  }
0x41: {  	_ =	shalt  }
0x42: {  	_ =	shalt  }
0x43: {  	_ =	shalt  }
0x44: {  	_ =	shalt  }
0x45: {  	_ =	shalt  }
0x46: {  	_ =	shalt  }
0x47: {  	_ =	shalt  }
0x48: {  	_ =	shalt  }
0x49: {  	_ =	shalt  }
0x4a: {  	_ =	shalt  }
0x4b: {  	_ =	shalt  }
0x4c: {  	_ =	shalt  }
0x4d: {  	_ =	shalt  }
0x4e: {  	_ =	shalt  }
0x4f: {  	_ =	shalt  }
0x50: {  	_ =	shalt  }
0x51: {  	_ =	shalt  }
0x52: {  	_ =	shalt  }
0x53: {  	_ =	shalt  }
0x54: {  	_ =	shalt  }
0x55: {  	_ =	shalt  }
0x56: {  	_ =	shalt  }
0x57: {  	_ =	shalt  }
0x58: {  	_ =	shalt  }
0x59: {  	_ =	shalt  }
0x5a: {  	_ =	shalt  }
0x5b: {  	_ =	shalt  }
0x5c: {  	_ =	shalt  }
0x5d: {  	_ =	shalt  }
0x5e: {  	_ =	shalt  }
0x5f: {  	_ =	shalt  }
0x60: {  	_ =	shalt  }
0x61: {  	_ =	shalt  }
0x62: {  	_ =	shalt  }
0x63: {  	_ =	shalt  }
0x64: {  	_ =	shalt  }
0x65: {  	_ =	shalt  }
0x66: {  	_ =	shalt  }
0x67: {  	_ =	shalt  }
0x68: {  	_ =	shalt  }
0x69: {  	_ =	shalt  }
0x6a: {  	_ =	shalt  }
0x6b: {  	_ =	shalt  }
0x6c: {  	_ =	shalt  }
0x6d: {  	_ =	shalt  }
0x6e: {  	_ =	shalt  }
0x6f: {  	_ =	shalt  }
0x70: {  	_ =	shalt  }
0x71: {  	_ =	shalt  }
0x72: {  	_ =	shalt  }
0x73: {  	_ =	shalt  }
0x74: {  	_ =	shalt  }
0x75: {  	_ =	shalt  }
0x76: {  	_ =	shalt  }
0x77: {  	_ =	shalt  }
0x78: {  	_ =	shalt  }
0x79: {  	_ =	shalt  }
0x7a: {  	_ =	shalt  }
0x7b: {  	_ =	shalt  }
0x7c: {  	_ =	shalt  }
0x7d: {  	_ =	shalt  }
0x7e: {  	_ =	shalt  }
0x7f: {  	_ =	shalt  }
0x80: {  	_ =	shalt  }
0x81: {  	_ =	shalt  }
0x82: {  	_ =	shalt  }
0x83: {  	_ =	shalt  }
0x84: {  	_ =	shalt  }
0x85: {  	_ =	shalt  }
0x86: {  	_ =	shalt  }
0x87: {  	_ =	shalt  }
.Lfunc_end0:
.L_simem_size_0:
called_computation_lowered:
.L_overlay_start_0:
0x88: {  	s2 =	sld [smem:$0x3FD9]  }
0x89: {  	s3 =	sld [smem:$0x3FFE];
	_ =	sdelay $0x1  }
0x8a: {  	s1 =	srdreg.scid  }
0x8b: {  	s0 =	sand.u32 $0x1, s1  }
0x8c: {  	s17 =	sshll.u32 s0, $0xA;
	s2 =	sadd.s32 s3, s2  }
0x8d: {  	s2 =	sadd.s32 s2, s17  }
0x8e: {  	[smem:$0x3FB4] =	sst s2  }
0x8f: {  	_ = 	snop  }
0x90: {  	s2 =	sld [smem:$0x3FD0];
	(tm) =	ssettm $0x1  }
0x91: {  	s18 =	sld [smem:$0x3FFB];
	_ =	sdelay $0x3  }
0x92: {  	_ =	strace s18  }
0x93: {  	s3 =	sld [smem:$0x3FFC];
	_ =	sdelay $0x3  }
0x94: {  	_ =	strace s3  }
0x95: {  	s3 =	sld [smem:$0x3FFD];
	_ =	sdelay $0x3  }
0x96: {  	_ =	strace s3  }
0x97: {  	_ =	strace $0x8FFFFFFF  }
0x98: {  	s19 =	sld [smem:$0x3FDB];
	_ =	sdelay $0x1  }
0x99: {  	s4 =	simm.s32 $_scs_section_size  }
0x9a: {  	s5 =	simm.s32 $_size__tile_overlayer_lowered;
	s6 =	simm.s32 $_tile_overlayer_lowered  }
0x9b: {  	s22 =	simm.s32 $0x1BFF;
	s21 =	sshll.u32 s6, $0x1;
	s3 =	sadd.s32 s4, s19  }
0x9c: {  	s7 =	simm.s32 $0x0;
	s20 =	sshll.u32 s5, $0x1;
	s5 =	sadd.s32 s21, s3  }
0x9d: {  	[timem:s7], [sflag:s22] =	dma.local [hbm:s5], s20  }
0x9e: {  	_ =	swait.ge [sflag:s22], s20  }
0x9f: {  	s4 =	ssub.s32 $0x0, s20;
	[sflag:s22] =	ssyncset.done $0x0  }
0xa0: {  	[sflag:s22] =	ssyncadd.s32 s4;
	_ =	sdelay $0x1  }
0xa1: {  	s23 =	simm.s32 $0x1B8B  }
0xa2: {  	_ =	swait.ge [sflag:s23], $0x1  }
0xa3: {  	[sflag:s23] =	ssyncset.done $0x0  }
0xa4: {  	s25 =	simm.s32 $0x1B8E;
	s24 =	sld [smem:$0x3FFE];
	[sflag:s23] =	ssyncadd.s32 $0xFFFFFFFF  }
0xa5: {  	s26 =	simm.s32 $execute0_lowered;
	[smem:$0x3FD2] =	sst s25  }
0xa6: {  	s5 =	sshll.u32 s26, $0x1;
	_ =	strace $0x80000046;
	[dreg:$0x1] =	wrdreg $0xFFFFFFFF  }
0xa7: {  	s28 =	simm.s32 $_size_execute0_lowered;
	s3 =	sadd.s32 s3, s5;
	[dreg:$0x0] =	wrdreg $0x0  }
0xa8: {  	s5 =	sshll.u32 s28, $0x1;
	[dreg:$0x2] =	wrdreg s3  }
0xa9: {  	[dreg:$0x3] =	wrdreg s5  }
0xaa: {  	[dreg:$0x4] =	wrdreg $0xC0  }
0xab: {  	_ =	task [dreg:s7], $0x5FFFF  }
0xac: {  	[dreg:$0x1] =	wrdreg $0xFFFFFFFF  }
0xad: {  	[dreg:$0x0] =	wrdreg $0x60  }
0xae: {  	[dreg:$0x2] =	wrdreg s24  }
0xaf: {  	[dreg:$0x3] =	wrdreg s2  }
0xb0: {  	[dreg:$0x4] =	wrdreg $0x9  }
0xb1: {  	_ =	task.clear_ibuf [dreg:s7], $0x5FFFF;
	_ =	strace $0x90000046  }
0xb2: {  	s29 =	simm.s32 $0x9;
	_ =	strace $0x80000048  }
0xb3: {  	_ =	swait.ge [sflag:s29], $0x1  }
0xb4: {  	[sflag:s29] =	ssyncadd.s32 $0xFFFFFFFF  }
0xb5: {  	_ =	strace $0x90000048  }
0xb6: {  	_ =	sfence  }
0xb7: {  	s30 =	sld [smem:$0x0];
	_ =	sdelay $0x2  }
0xb8: {  	s31 =	sshll.u32 s1, $0xD;
	s1 =	sshrl.u32 s1, $0x2  }
0xb9: {  	s3 =	sand.u32 $0x4000, s31;
	s1 =	sadd.s32 s1, s30  }
0xba: {  	s0 =	sor.u32 s3, s0;
	s1 =	sshll.u32 s1, $0x11  }
0xbb: {  	s0 =	sor.u32 s1, s0  }
0xbc: {  	s0 =	sadd.s32 $0x8F2B, s0  }
0xbd: {  	[sflag:s0] =	ssyncadd.remote.s32 $0x1  }
0xbe: {  	_ =	sfence.sel $0xFFFF  }
0xbf: {  	[dreg:$0x0] =	wrdreg $0xFFFFFFFF;
	(pc) =	sbr.abs _section_cstart, $3  }
0xc0: {  	[dreg:$0x1] =	wrdreg $0xFFFFFFFF  }
0xc1: {  	_ =	task.clear_ibuf [dreg:s7], $0x2FFFF;
	_ =	strace $0x9FFFFFFF  }
0xc2: {  	(tm) =	ssettm $0x7FFFFFFF  }
0xc3: {  	_ =	shalt  }
tec
execute0_lowered:
.L_overlay_start_1:
0x0: {  	(tag) =	ssettag $0x1  }
0x1: {  	s4 =	rddreg [dreg:$0x0]  }
0x2: {  	s5 =	rddreg [dreg:$0x1];
	s1 =	stileid.u32  }
0x3: {  	s0 =	rddreg [dreg:$0x2];
	s6 =	srdreg.scid;
	s2 =	simm.s32 $0x0  }
0x4: {  	s12 =	simm.s32 $0xFA0;
	s13 =	simm.s32 $0x4E200;
	s14 =	simm.s32 $0x157C0  }
0x5: {  	s15 =	simm.s32 $0x0;
	s3 =	sshll.u32 s1, $0x2;
	s6 =	sand.u32 $0x1, s6  }
0x6: {  	[smem:$0x7FF] =	sst s2;
	s11 =	sand.u32 $0x1, s1;
	s3 =	sand.u32 $0x4, s3  }
0x7: {  	s8 =	sshll.u32 s6, $0x4;
	_ =	strace $0x80000047;
	s6 =	ssub.s32 $0x2, s6  }
0x8: {  	p1 =	seq.s32 s11, $0x1;
	s11 =	simm.s32 $0xBB80;
	s7 =	smul.u32 $0x4E2, s3  }
0x9: {  	s3 =	sadd.s32 $0x3A00, s4;
	s8 =	sor.u32 s1, s8;
	s30 =	sshrl.u32 s6, $0x1  }
0xa: {  	s10 =	smul.u32 $0x1388, s8;
	p0 =	seq.s32 s8, $0x0;
	s31 =	ssub.s32 s6, s30  }
0xb: {  	s6 =	simm.s32 $0x1;
	s8 =	sshrl.u32 s8, $0x1;
	p0 =	por !p0, !p1  }
0xc: {  	s9 =	sadd.s32 s7, s4;
	s5 =	sadd.s32 s5, s7;
	p0 =	por !p0, !p0  }
0xd: {  	s10 =	sadd.s32 s10, s4;
	s4 =	simm.s32 $0x1;
	s6 =	simm.s32 @!p0 $0x0  }
0xe: {  	s8 =	ssub.s32 s8, s6;
	s6 =	sadd.s32 $0x66400, s9;
	s9 =	smax.u32 s31, $0x1  }
0xf: {  	v0 =	vimm.f32 $0.0e+00;
	s7 =	smul.u32 $0x4E20, s8;
	s8 =	sadd.s32 $0x68C00, s10;
	s10 =	simm.s32 $0x1F40  }
.LBB2_1:
0x10: {  	[tilespmem:s10], [sflag:$0x1] =	stream.linear.gather [hbm4b:s5+s2], $0x9C40, $0x38;
	[tilespmem:$0x1F400] =	vst v63  }
0x11: {  	_ =	swait.ge [sflag:s4], $0x9C40  }
0x12: {  	[sflag:s4] =	ssyncset.done $0x0  }
0x13: {  	[sflag:s4] =	ssyncadd.s32 $0xFFFF63C0  }
0x14: {  	[tilespmem:s11], [sflag:$0x1] =	stream.linear.gather [hbm4b:s6+s2], $0x9C40, $0x38;
	[tilespmem:$0x1F400] =	vst v63  }
0x15: {  	_ =	swait.ge [sflag:s4], $0x9C40  }
0x16: {  	[sflag:s4] =	ssyncset.done $0x0  }
0x17: {  	s16 =	simm.s32 $0x40;
	s17 =	simm.s32 $0x0;
	[sflag:s4] =	ssyncadd.s32 $0xFFFF63C0  }
.LBB2_2:
0x18: {  	p0 =	sne.s32 s16, $0x9C00;
	[tilespmem:s17+$0x1CCF0] =	vst v0;
	s18 =	smov.u32 s16;
	s16 =	sadd.s32 $0x40, s16  }
.Ltmp0:
0x19: {  	[tilespmem:s17+$0x1A5E0] =	vst v0;
	(pc) =	sbr.rel @p0 .LBB2_2-.Ltmp0, $3  }
0x1a: {  	[tilespmem:s17+$0x157C0] =	vst v0  }
0x1b: {  	[tilespmem:s17+$0x17ED0] =	vst v0;
	_ =	sdelay $0x1  }
0x1c: {  	s17 =	sshra.s32 s18, $0x2  }
0x1d: {  	[tilespmem:s17+$0x1CCF0] =	vst v0  }
0x1e: {  	[tilespmem:s17+$0x1A5E0] =	vst v0  }
0x1f: {  	[tilespmem:s17+$0x157C0] =	vst v0  }
0x20: {  	s16 =	simm.s32 $0x0;
	[tilespmem:s17+$0x17ED0] =	vst v0;
	s17 =	simm.s32 $0x0  }
.LBB2_4:
0x21: {  	s18 =	smul.u32 $0xFA0, s17;
	_ =	sdelay $0x1  }
0x22: {  	s18 =	sadd.s32 s7, s18  }
0x23: {  	s18 =	sshrl.u32 s18, $0x3  }
0x24: {  	s18 =	sadd.s32 s3, s18  }
0x25: {  	[tilespmem:s16], [sflag:$0x1] =	stream.strided.gather [hbm4b:s18+s12], $0x1F40, s13, s12, $0x38;
	[tilespmem:$0x1F400] =	vst v63  }
0x26: {  	_ =	swait.ge [sflag:s4], $0x1F40  }
0x27: {  	[sflag:s4] =	ssyncset.done $0x0  }
0x28: {  	s31 =	simm.s32 $0x0;
	[sflag:s4] =	ssyncadd.s32 $0xFFFFE0C0  }
0x29: {  	v1 =	vld [tilespmem:s31+$0x0]  }
0x2a: {  	v2 =	vld [tilespmem:s31+$0xFA0];
	_ =	sdelay $0x6  }
0x2b: {  	v3 =	vld.idx.msk [tilespmem:v1+s10+$0x0], $0xffff  }
0x2c: {  	v4 =	vld.idx.msk [tilespmem:v2+s11+$0x0], $0xffff;
	_ =	sdelay $0x4  }
0x2d: {  	v3 =	vadd.f32 v4, v3;
	_ =	sdelay $0x1  }
0x2e: {  	v4 =	vmul.f32 $2.000000030e-01, v3  }
0x2f: {  	vm0 =	vge.f32 v3, $0.0e+00  }
0x30: {  	v3 =	vsel vm0, v3, v4  }
0x31: {  	v3 =	vmul.f32 $1.442695020e+00, v3;
	_ =	sdelay $0x1  }
0x32: {  	(erf) = vpow2.f32 v3;
	_ =	sdelay $0x5  }
0x33: {  	v3 =	vadd.s32 $0x2710, v1  }
0x34: {  	v62 =	vadd.s32 $0x2710, v2;
	_ =	sdelay $0x1  }
0x35: {  	v5 =	vpop (erf)  }
0x36: {  	[tilespmem:v2+s14+$0x0] =	vst.idx.add.f32.msk $0xffff, v5  }
0x37: {  	v3 =	vld.idx.msk [tilespmem:v3+s10+$0x0], $0xffff  }
0x38: {  	v5 =	vld.idx.msk [tilespmem:v62+s11+$0x0], $0xffff;
	_ =	sdelay $0x4  }
0x39: {  	v3 =	vadd.f32 v5, v3;
	_ =	sdelay $0x1  }
0x3a: {  	v5 =	vmul.f32 $2.000000030e-01, v3  }
0x3b: {  	vm13 =	vge.f32 v3, $0.0e+00  }
0x3c: {  	v3 =	vsel vm13, v3, v5  }
0x3d: {  	v3 =	vmul.f32 $1.442695020e+00, v3;
	_ =	sdelay $0x1  }
0x3e: {  	(erf) = vpow2.f32 v3;
	_ =	sdelay $0x5  }
0x3f: {  	v3 =	vadd.s32 $0x4E20, v1  }
0x40: {  	v63 =	vadd.s32 $0x4E20, v2;
	_ =	sdelay $0x1  }
0x41: {  	v6 =	vpop (erf)  }
0x42: {  	[tilespmem:v62+s14+$0x0] =	vst.idx.add.f32.msk $0xffff, v6  }
0x43: {  	v3 =	vld.idx.msk [tilespmem:v3+s10+$0x0], $0xffff  }
0x44: {  	v4 =	vld.idx.msk [tilespmem:v63+s11+$0x0], $0xffff;
	_ =	sdelay $0x4  }
0x45: {  	v3 =	vadd.f32 v4, v3;
	_ =	sdelay $0x1  }
0x46: {  	v4 =	vmul.f32 $2.000000030e-01, v3  }
0x47: {  	vm14 =	vge.f32 v3, $0.0e+00  }
0x48: {  	v3 =	vsel vm14, v3, v4  }
0x49: {  	v3 =	vmul.f32 $1.442695020e+00, v3;
	_ =	sdelay $0x1  }
0x4a: {  	(erf) = vpow2.f32 v3;
	_ =	sdelay $0x5  }
0x4b: {  	v3 =	vadd.s32 $0x7530, v1  }
0x4c: {  	v1 =	vadd.s32 $0x7530, v2;
	_ =	sdelay $0x1  }
0x4d: {  	v2 =	vpop (erf)  }
0x4e: {  	[tilespmem:v63+s14+$0x0] =	vst.idx.add.f32.msk $0xffff, v2  }
0x4f: {  	v2 =	vld.idx.msk [tilespmem:v3+s10+$0x0], $0xffff  }
0x50: {  	v3 =	vld.idx.msk [tilespmem:v1+s11+$0x0], $0xffff;
	_ =	sdelay $0x4  }
0x51: {  	v2 =	vadd.f32 v3, v2;
	_ =	sdelay $0x1  }
0x52: {  	v3 =	vmul.f32 $2.000000030e-01, v2  }
0x53: {  	vm15 =	vge.f32 v2, $0.0e+00  }
0x54: {  	v2 =	vsel vm15, v2, v3  }
0x55: {  	v2 =	vmul.f32 $1.442695020e+00, v2;
	_ =	sdelay $0x1  }
0x56: {  	s18 =	simm.s32 $0x40;
	(erf) = vpow2.f32 v2  }
.LBB2_5:
0x57: {  	_ =	sdelay $0x4  }
0x58: {  	p0 =	sne.s32 s18, $0x3E40;
	s19 =	smov.u32 s18;
	s18 =	sadd.s32 $0x40, s18  }
0x59: {  	_ =	sdelay $0x1  }
0x5a: {  	v2 =	vpop (erf)  }
0x5b: {  	s19 =	sshra.s32 s19, $0x2;
	[tilespmem:v1+s14+$0x0] =	vst.idx.add.f32.msk $0xffff, v2  }
0x5c: {  	v1 =	vld [tilespmem:s19+$0x0]  }
0x5d: {  	v2 =	vld [tilespmem:s19+$0xFA0];
	_ =	sdelay $0x6  }
0x5e: {  	v3 =	vld.idx.msk [tilespmem:v1+s10+$0x0], $0xffff  }
0x5f: {  	v4 =	vld.idx.msk [tilespmem:v2+s11+$0x0], $0xffff;
	_ =	sdelay $0x5  }
0x60: {  	v3 =	vadd.f32 v4, v3;
	_ =	sdelay $0x1  }
0x61: {  	vm0 =	vge.f32 v3, $0.0e+00;
	v4 =	vmul.f32 $2.000000030e-01, v3;
	_ =	sdelay $0x1  }
0x62: {  	v3 =	vsel vm0, v3, v4  }
0x63: {  	v3 =	vmul.f32 $1.442695020e+00, v3;
	_ =	sdelay $0x1  }
0x64: {  	(erf) = vpow2.f32 v3;
	_ =	sdelay $0x5  }
0x65: {  	v4 =	vadd.s32 $0x2710, v2;
	v3 =	vadd.s32 $0x2710, v1;
	_ =	sdelay $0x2  }
0x66: {  	v5 =	vpop (erf)  }
0x67: {  	[tilespmem:v2+s14+$0x0] =	vst.idx.add.f32.msk $0xffff, v5  }
0x68: {  	v3 =	vld.idx.msk [tilespmem:v3+s10+$0x0], $0xffff  }
0x69: {  	v5 =	vld.idx.msk [tilespmem:v4+s11+$0x0], $0xffff;
	_ =	sdelay $0x5  }
0x6a: {  	v3 =	vadd.f32 v5, v3;
	_ =	sdelay $0x1  }
0x6b: {  	vm0 =	vge.f32 v3, $0.0e+00;
	v5 =	vmul.f32 $2.000000030e-01, v3;
	_ =	sdelay $0x1  }
0x6c: {  	v3 =	vsel vm0, v3, v5  }
0x6d: {  	v3 =	vmul.f32 $1.442695020e+00, v3;
	_ =	sdelay $0x1  }
0x6e: {  	(erf) = vpow2.f32 v3;
	_ =	sdelay $0x5  }
0x6f: {  	v5 =	vadd.s32 $0x4E20, v2;
	v3 =	vadd.s32 $0x4E20, v1;
	_ =	sdelay $0x2  }
0x70: {  	v6 =	vpop (erf)  }
0x71: {  	[tilespmem:v4+s14+$0x0] =	vst.idx.add.f32.msk $0xffff, v6  }
0x72: {  	v3 =	vld.idx.msk [tilespmem:v3+s10+$0x0], $0xffff  }
0x73: {  	v4 =	vld.idx.msk [tilespmem:v5+s11+$0x0], $0xffff;
	_ =	sdelay $0x5  }
0x74: {  	v3 =	vadd.f32 v4, v3;
	_ =	sdelay $0x1  }
0x75: {  	vm0 =	vge.f32 v3, $0.0e+00;
	v4 =	vmul.f32 $2.000000030e-01, v3;
	_ =	sdelay $0x1  }
0x76: {  	v3 =	vsel vm0, v3, v4  }
0x77: {  	v3 =	vmul.f32 $1.442695020e+00, v3;
	_ =	sdelay $0x1  }
0x78: {  	(erf) = vpow2.f32 v3;
	_ =	sdelay $0x5  }
0x79: {  	v3 =	vadd.s32 $0x7530, v1;
	v1 =	vadd.s32 $0x7530, v2;
	_ =	sdelay $0x2  }
0x7a: {  	v2 =	vpop (erf)  }
0x7b: {  	[tilespmem:v5+s14+$0x0] =	vst.idx.add.f32.msk $0xffff, v2  }
0x7c: {  	v2 =	vld.idx.msk [tilespmem:v3+s10+$0x0], $0xffff  }
0x7d: {  	v3 =	vld.idx.msk [tilespmem:v1+s11+$0x0], $0xffff;
	_ =	sdelay $0x5  }
0x7e: {  	v2 =	vadd.f32 v3, v2;
	_ =	sdelay $0x1  }
0x7f: {  	vm0 =	vge.f32 v2, $0.0e+00;
	v3 =	vmul.f32 $2.000000030e-01, v2  }
.Ltmp1:
0x80: {  	(pc) =	sbr.rel @p0 .LBB2_5-.Ltmp1, $3  }
0x81: {  	v2 =	vsel vm0, v2, v3  }
0x82: {  	v2 =	vmul.f32 $1.442695020e+00, v2;
	_ =	sdelay $0x1  }
0x83: {  	(erf) = vpow2.f32 v2  }
0x84: {  	_ =	sdelay $0x2  }
0x85: {  	s17 =	sadd.s32 $0x1, s17  }
0x86: {  	p0 =	sne.s32 s17, $0x5  }
.Ltmp2:
0x87: {  	_ = 	snop;
	(pc) =	sbr.rel @p0 .LBB2_4-.Ltmp2, $3  }
0x88: {  	_ =	sdelay $0x1  }
0x89: {  	v2 =	vpop (erf)  }
0x8a: {  	[tilespmem:v1+s14+$0x0] =	vst.idx.add.f32.msk $0xffff, v2  }
0x8b: {  	s15 =	sadd.s32 $0x1, s15  }
0x8c: {  	p0 =	sne.s32 s15, s9  }
.Ltmp3:
0x8d: {  	_ = 	snop;
	(pc) =	sbr.rel @p0 .LBB2_1-.Ltmp3, $4  }
0x8e: {  	[hbm4b:s8+s2] =	stream.linear.scatter [tilespmem:s14], [sflag:$0x1], $0x9C40, $0x38;
	[tilespmem:$0x1F400] =	vst v63  }
0x8f: {  	_ =	swait.ge [sflag:s4], $0x9C40  }
0x90: {  	[sflag:s4] =	ssyncset.done $0x0  }
0x91: {  	[sflag:s4] =	ssyncadd.s32 $0xFFFF63C0  }
0x92: {  	_ =	sfence.sel $0x180000  }
0x93: {  	[bflag:$0x0] =	sbarrier.arrive $0xFFFF  }
0x94: {  	p0 =	sne.s32 s1, $0x0;
	_ =	strace $0x90000047  }
0x95: {  	s0 =	sadd.s32 @!p0 $0x100000, s0;
	[bflag:$0x2] =	sbarrier.arrive $0xFFFF  }
0x96: {  	[sflag:s0] =	ssyncadd.tile.s32 @!p0 $0x1;
	_ =	shalt  }
.Lfunc_end2:
_tile_overlayer_lowered:
.L_overlay_start_2:
0x97: {  	(tag) =	ssettag $0x2  }
0x98: {  	s0 =	rddreg [dreg:$0x0];
	s2 =	stileid.u32  }
0x99: {  	s1 =	rddreg [dreg:$0x1];
	p0 =	sne.s32 s2, $0x0  }
0x9a: {  	s3 =	rddreg [dreg:$0x2];
	[bflag:$0x3] =	sbarrier.arrive $0xFFFF;
	s2 =	simm.s32 @!p0 $0x1C01  }
0x9b: {  	[timem:s3], [sflag:s2] =	dma.local @!p0 [hbm:s0], s1  }
0x9c: {  	s0 =	simm.s32 @!p0 $0x1  }
0x9d: {  	_ =	swait.ge @!p0 [sflag:s0], s1  }
0x9e: {  	s1 =	ssub.s32 @!p0 $0x0, s1;
	[sflag:s0] =	ssyncset.done @!p0 $0x0  }
0x9f: {  	[sflag:s0] =	ssyncadd.s32 @!p0 s1  }
0xa0: {  	[bflag:$0x3] =	sbarrier.arrive $0xFFFF  }
0xa1: {  	_ =	shalt  }

// kernel: kernel.15.cloned.1.call-start
scs
__scs_entry_jumppad:
0x0: {  	(pc) =	sbr.rel $0x88, $3  }
0x1: {  	(tag) =	ssettag $0x0;
	lr =	simm.s32 $0x1  }
0x2: {  	[smem:$0x3F8D] =	sst lr;
	_ =	strace $0xD0000000  }
0x3: {  	_ = 	snop  }
0x4: {  	_ = 	snop  }
0x5: {  	_ = 	snop  }
0x6: {  	_ = 	snop  }
0x7: {  	_ = 	snop  }
__scs_overlays_trampoline_lowered:
0x8: {  	[smem:$0x3F9C] =	sst s0  }
0x9: {  	[smem:$0x3F9D] =	sst s1  }
0xa: {  	[smem:$0x3F9E] =	sst s2  }
0xb: {  	[smem:$0x3F9F] =	sst s3  }
0xc: {  	[smem:$0x3FA0] =	sst s4  }
0xd: {  	[smem:$0x3FA1] =	sst s5  }
0xe: {  	[smem:$0x3FA2] =	sst s6  }
0xf: {  	[smem:$0x3FA3] =	sst s7  }
0x10: {  	[smem:$0x3FA4] =	sst s8  }
0x11: {  	[smem:$0x3FA5] =	sst s9;
	s0 =	simm.s32 @!p0 $0x0  }
0x12: {  	s1 =	sld [smem:$0x3F8B];
	s0 =	simm.s32 @p0 $0x1  }
0x13: {  	[smem:$0x3FA6] =	sst s0;
	s0 =	simm.s32 @!p1 $0x0  }
0x14: {  	s2 =	sld [smem:$0x3F8A];
	s0 =	simm.s32 @p1 $0x1  }
0x15: {  	[smem:$0x3FA7] =	sst s0;
	s0 =	simm.s32 @!p2 $0x0  }
0x16: {  	s3 =	sld [smem:$0x3FDB];
	s0 =	simm.s32 @p2 $0x1  }
0x17: {  	s4 =	simm.s32 $0x1BF5;
	[smem:$0x3FA9] =	sst s0  }
0x18: {  	s0 =	sld [smem:$0x3F8C];
	_ =	swait.ge [sflag:s4], $0x0  }
0x19: {  	s7 =	sld [smem:$0x3F8D]  }
0x1a: {  	s8 =	sadd.s32 $0xFFFFE003, lr  }
0x1b: {  	s9 =	sadd.s32 $0xFFFFFEF7, lr;
	s5 =	simm.s32 $0xFFFFFFFF;
	p2 =	slt.u32 s8, $0xFFFFF086  }
0x1c: {  	p1 =	slt.u32 s9, $0xF7A;
	s5 =	simm.s32 @!p2 $0x0  }
0x1d: {  	s5 =	simm.s32 @p1 $0x1;
	p0 =	seq.s32 s7, s2  }
0x1e: {  	s7 =	smul.u32 @!p0 $0xF7A, s2;
	p2 =	seq.s32 @!p0 s5, $0x0  }
0x1f: {  	s9 =	smul.u32 $0xF7A, s1;
	s8 =	simm.s32 @!p0 $0x1BF5;
	p2 =	por !p2, p0  }
0x20: {  	[sflag:s8] =	ssyncset.s32 @!p0 $0xFFFFF086;
	s6 =	sadd.s32 @!p0 s3, s7;
	s7 =	simm.s32 @!p0 $0x108  }
0x21: {  	s3 =	sadd.s32 s3, s9;
	s6 =	sadd.s32 @!p0 $0x88, s6;
	s7 =	simm.s32 @p2 $0x1082  }
0x22: {  	[simem:s7], [sflag:s8] =	dma.local @!p0 [hbm:s6], $0xF7A  }
0x23: {  	s9 =	sor.u32 $0xD0000000, s2;
	s6 =	simm.s32 $0x108;
	_ =	swait.ge @!p0 [sflag:s8], $0x0  }
0x24: {  	s3 =	sadd.s32 $0x88, s3;
	s6 =	simm.s32 @!p1 $0x1082;
	[sflag:s4] =	ssyncset.s32 $0xFFFFF086  }
0x25: {  	[simem:s6], [sflag:s4] =	dma.local [hbm:s3], $0xF7A  }
0x26: {  	[smem:$0x3F8D] =	sst s1;
	(tag) =	ssettag s2;
	_ =	strace s9  }
0x27: {  	s1 =	sld [smem:$0x3F9D]  }
0x28: {  	s2 =	sld [smem:$0x3F9E]  }
0x29: {  	s4 =	sld [smem:$0x3FA0]  }
0x2a: {  	p0 =	seq.s32 s5, $0x0;
	s5 =	sld [smem:$0x3FA1]  }
0x2b: {  	s6 =	sld [smem:$0x3FA2]  }
0x2c: {  	s7 =	sld [smem:$0x3FA3]  }
0x2d: {  	s3 =	simm.s32 $0x108;
	s8 =	sld [smem:$0x3FA4]  }
0x2e: {  	s3 =	simm.s32 @!p0 $0x1082;
	s9 =	sld [smem:$0x3FA5]  }
0x2f: {  	lr =	sadd.s32 s0, s3;
	s0 =	sld [smem:$0x3F9C]  }
0x30: {  	s3 =	sld [smem:$0x3F9F]  }
0x31: {  	[smem:$0x3FA8] =	sst s10  }
0x32: {  	s10 =	sld [smem:$0x3FA6];
	_ =	sdelay $0x3  }
0x33: {  	p0 =	seq.s32 s10, $0x1;
	s10 =	sld [smem:$0x3FA8];
	_ =	sdelay $0x3  }
0x34: {  	[smem:$0x3FA8] =	sst s10  }
0x35: {  	s10 =	sld [smem:$0x3FA7];
	_ =	sdelay $0x3  }
0x36: {  	p1 =	seq.s32 s10, $0x1;
	s10 =	sld [smem:$0x3FA8];
	_ =	sdelay $0x3  }
0x37: {  	[smem:$0x3FA8] =	sst s10  }
0x38: {  	s10 =	sld [smem:$0x3FA9]  }
0x39: {  	_ = 	snop;
	(pc) =	sbr.ind lr, $3  }
0x3a: {  	_ = 	snop  }
0x3b: {  	_ = 	snop  }
0x3c: {  	p2 =	seq.s32 s10, $0x1;
	s10 =	sld [smem:$0x3FA8]  }
0x3d: {  	_ =	shalt  }
0x3e: {  	_ =	shalt  }
0x3f: {  	_ =	shalt  }
0x40: {  	_ =	shalt  }
0x41: {  	_ =	shalt  }
0x42: {  	_ =	shalt  }
0x43: {  	_ =	shalt  }
0x44: {  	_ =	shalt  }
0x45: {  	_ =	shalt  }
0x46: {  	_ =	shalt  }
0x47: {  	_ =	shalt  }
0x48: {  	_ =	shalt  }
0x49: {  	_ =	shalt  }
0x4a: {  	_ =	shalt  }
0x4b: {  	_ =	shalt  }
0x4c: {  	_ =	shalt  }
0x4d: {  	_ =	shalt  }
0x4e: {  	_ =	shalt  }
0x4f: {  	_ =	shalt  }
0x50: {  	_ =	shalt  }
0x51: {  	_ =	shalt  }
0x52: {  	_ =	shalt  }
0x53: {  	_ =	shalt  }
0x54: {  	_ =	shalt  }
0x55: {  	_ =	shalt  }
0x56: {  	_ =	shalt  }
0x57: {  	_ =	shalt  }
0x58: {  	_ =	shalt  }
0x59: {  	_ =	shalt  }
0x5a: {  	_ =	shalt  }
0x5b: {  	_ =	shalt  }
0x5c: {  	_ =	shalt  }
0x5d: {  	_ =	shalt  }
0x5e: {  	_ =	shalt  }
0x5f: {  	_ =	shalt  }
0x60: {  	_ =	shalt  }
0x61: {  	_ =	shalt  }
0x62: {  	_ =	shalt  }
0x63: {  	_ =	shalt  }
0x64: {  	_ =	shalt  }
0x65: {  	_ =	shalt  }
0x66: {  	_ =	shalt  }
0x67: {  	_ =	shalt  }
0x68: {  	_ =	shalt  }
0x69: {  	_ =	shalt  }
0x6a: {  	_ =	shalt  }
0x6b: {  	_ =	shalt  }
0x6c: {  	_ =	shalt  }
0x6d: {  	_ =	shalt  }
0x6e: {  	_ =	shalt  }
0x6f: {  	_ =	shalt  }
0x70: {  	_ =	shalt  }
0x71: {  	_ =	shalt  }
0x72: {  	_ =	shalt  }
0x73: {  	_ =	shalt  }
0x74: {  	_ =	shalt  }
0x75: {  	_ =	shalt  }
0x76: {  	_ =	shalt  }
0x77: {  	_ =	shalt  }
0x78: {  	_ =	shalt  }
0x79: {  	_ =	shalt  }
0x7a: {  	_ =	shalt  }
0x7b: {  	_ =	shalt  }
0x7c: {  	_ =	shalt  }
0x7d: {  	_ =	shalt  }
0x7e: {  	_ =	shalt  }
0x7f: {  	_ =	shalt  }
0x80: {  	_ =	shalt  }
0x81: {  	_ =	shalt  }
0x82: {  	_ =	shalt  }
0x83: {  	_ =	shalt  }
0x84: {  	_ =	shalt  }
0x85: {  	_ =	shalt  }
0x86: {  	_ =	shalt  }
0x87: {  	_ =	shalt  }
.Lfunc_end0:
.L_simem_size_0:
called_computation.1_lowered:
.L_overlay_start_0:
0x88: {  	s2 =	sld [smem:$0x3FD9]  }
0x89: {  	s3 =	sld [smem:$0x3FFE];
	_ =	sdelay $0x1  }
0x8a: {  	s1 =	srdreg.scid  }
0x8b: {  	s0 =	sand.u32 $0x1, s1  }
0x8c: {  	s17 =	sshll.u32 s0, $0xA;
	s2 =	sadd.s32 s3, s2  }
0x8d: {  	s2 =	sadd.s32 s2, s17  }
0x8e: {  	[smem:$0x3FB4] =	sst s2  }
0x8f: {  	_ = 	snop  }
0x90: {  	s2 =	sld [smem:$0x3FD0];
	(tm) =	ssettm $0x1  }
0x91: {  	s18 =	sld [smem:$0x3FFB];
	_ =	sdelay $0x3  }
0x92: {  	_ =	strace s18  }
0x93: {  	s3 =	sld [smem:$0x3FFC];
	_ =	sdelay $0x3  }
0x94: {  	_ =	strace s3  }
0x95: {  	s3 =	sld [smem:$0x3FFD];
	_ =	sdelay $0x3  }
0x96: {  	_ =	strace s3  }
0x97: {  	_ =	strace $0x8FFFFFFF  }
0x98: {  	s19 =	sld [smem:$0x3FDB];
	_ =	sdelay $0x1  }
0x99: {  	s4 =	simm.s32 $_scs_section_size  }
0x9a: {  	s5 =	simm.s32 $_size__tile_overlayer_lowered;
	s6 =	simm.s32 $_tile_overlayer_lowered  }
0x9b: {  	s22 =	simm.s32 $0x1BFF;
	s21 =	sshll.u32 s6, $0x1;
	s3 =	sadd.s32 s4, s19  }
0x9c: {  	s7 =	simm.s32 $0x0;
	s20 =	sshll.u32 s5, $0x1;
	s5 =	sadd.s32 s21, s3  }
0x9d: {  	[timem:s7], [sflag:s22] =	dma.local [hbm:s5], s20  }
0x9e: {  	_ =	swait.ge [sflag:s22], s20  }
0x9f: {  	s4 =	ssub.s32 $0x0, s20;
	[sflag:s22] =	ssyncset.done $0x0  }
0xa0: {  	[sflag:s22] =	ssyncadd.s32 s4;
	_ =	sdelay $0x1  }
0xa1: {  	s23 =	simm.s32 $0x1B8B  }
0xa2: {  	_ =	swait.ge [sflag:s23], $0x1  }
0xa3: {  	[sflag:s23] =	ssyncset.done $0x0  }
0xa4: {  	s25 =	simm.s32 $0x1B8E;
	s24 =	sld [smem:$0x3FFE];
	[sflag:s23] =	ssyncadd.s32 $0xFFFFFFFF  }
0xa5: {  	s26 =	simm.s32 $execute0_lowered;
	[smem:$0x3FD2] =	sst s25  }
0xa6: {  	s5 =	sshll.u32 s26, $0x1;
	_ =	strace $0x80000049;
	[dreg:$0x1] =	wrdreg $0xFFFFFFFF  }
0xa7: {  	s28 =	simm.s32 $_size_execute0_lowered;
	s3 =	sadd.s32 s3, s5;
	[dreg:$0x0] =	wrdreg $0x0  }
0xa8: {  	s5 =	sshll.u32 s28, $0x1;
	[dreg:$0x2] =	wrdreg s3  }
0xa9: {  	[dreg:$0x3] =	wrdreg s5  }
0xaa: {  	[dreg:$0x4] =	wrdreg $0xC0  }
0xab: {  	_ =	task [dreg:s7], $0x5FFFF  }
0xac: {  	[dreg:$0x1] =	wrdreg $0xFFFFFFFF  }
0xad: {  	[dreg:$0x0] =	wrdreg $0x60  }
0xae: {  	[dreg:$0x2] =	wrdreg s24  }
0xaf: {  	[dreg:$0x3] =	wrdreg s2  }
0xb0: {  	[dreg:$0x4] =	wrdreg $0x9  }
0xb1: {  	_ =	task.clear_ibuf [dreg:s7], $0x5FFFF;
	_ =	strace $0x90000049  }
0xb2: {  	s29 =	simm.s32 $0x9;
	_ =	strace $0x8000004B  }
0xb3: {  	_ =	swait.ge [sflag:s29], $0x1  }
0xb4: {  	[sflag:s29] =	ssyncadd.s32 $0xFFFFFFFF  }
0xb5: {  	_ =	strace $0x9000004B  }
0xb6: {  	_ =	sfence  }
0xb7: {  	s30 =	sld [smem:$0x0];
	_ =	sdelay $0x2  }
0xb8: {  	s31 =	sshll.u32 s1, $0xD;
	s1 =	sshrl.u32 s1, $0x2  }
0xb9: {  	s3 =	sand.u32 $0x4000, s31;
	s1 =	sadd.s32 s1, s30  }
0xba: {  	s0 =	sor.u32 s3, s0;
	s1 =	sshll.u32 s1, $0x11  }
0xbb: {  	s0 =	sor.u32 s1, s0  }
0xbc: {  	s0 =	sadd.s32 $0x8F2B, s0  }
0xbd: {  	[sflag:s0] =	ssyncadd.remote.s32 $0x1  }
0xbe: {  	_ =	sfence.sel $0xFFFF  }
0xbf: {  	[dreg:$0x0] =	wrdreg $0xFFFFFFFF;
	(pc) =	sbr.abs _section_cstart, $3  }
0xc0: {  	[dreg:$0x1] =	wrdreg $0xFFFFFFFF  }
0xc1: {  	_ =	task.clear_ibuf [dreg:s7], $0x2FFFF;
	_ =	strace $0x9FFFFFFF  }
0xc2: {  	(tm) =	ssettm $0x7FFFFFFF  }
0xc3: {  	_ =	shalt  }
tec
execute0_lowered:
.L_overlay_start_1:
0x0: {  	(tag) =	ssettag $0x1  }
0x1: {  	s4 =	rddreg [dreg:$0x0]  }
0x2: {  	s7 =	rddreg [dreg:$0x1]  }
0x3: {  	s0 =	rddreg [dreg:$0x2]  }
0x4: {  	s2 =	simm.s32 $0x0;
	s1 =	stileid.u32;
	s3 =	srdreg.scid  }
0x5: {  	s14 =	simm.s32 $0xA140;
	s15 =	simm.s32 $0x13D80;
	s16 =	simm.s32 $0x4E200  }
0x6: {  	s17 =	simm.s32 $0x1D9C0;
	s18 =	simm.s32 $0x280;
	s19 =	simm.s32 $0x0  }
0x7: {  	[smem:$0x7FF] =	sst s2;
	s5 =	sshll.u32 s1, $0x2;
	s6 =	sand.u32 $0x1, s3  }
0x8: {  	s9 =	sand.u32 $0x1, s1;
	_ =	strace $0x8000004A;
	s11 =	sand.u32 $0x4, s5  }
0x9: {  	s3 =	sshll.u32 s6, $0x4;
	p1 =	seq.s32 s9, $0x1;
	s6 =	ssub.s32 $0x2, s6  }
0xa: {  	s9 =	simm.s32 $0x1;
	s5 =	simm.s32 $0x1;
	s31 =	sor.u32 s1, s3  }
0xb: {  	s8 =	smul.u32 $0x4E2, s11;
	s3 =	sadd.s32 $0x3A00, s4;
	p0 =	seq.s32 s31, $0x0  }
0xc: {  	s12 =	sshrl.u32 s6, $0x1;
	s11 =	smul.u32 $0x4E200, s11;
	p0 =	por !p0, !p1  }
0xd: {  	s13 =	sshrl.u32 s31, $0x1;
	s12 =	ssub.s32 s6, s12;
	p0 =	por !p0, !p0  }
0xe: {  	s10 =	sadd.s32 s8, s4;
	s4 =	sadd.s32 $0x6B400, s4;
	s9 =	simm.s32 @!p0 $0x0  }
0xf: {  	s7 =	sadd.s32 s7, s8;
	s8 =	simm.s32 $0x20;
	s6 =	ssub.s32 s13, s9  }
0x10: {  	v0 =	vlaneseq.u32;
	s12 =	smax.u32 s12, $0x1;
	s9 =	sadd.s32 $0x66400, s10;
	p0 =	slt.s32 s6, $0x4  }
0x11: {  	v1 =	vor.u32 $0x280, v0;
	v2 =	vor.u32 $0x500, v0;
	v3 =	vor.u32 $0x780, v0;
	s10 =	sadd.s32 $0x68C00, s10;
	s13 =	simm.s32 $0x500;
	s8 =	simm.s32 @!p0 $0x1F  }
.LBB2_1:
0x12: {  	[tilespmem:s13], [sflag:$0x1] =	stream.linear.gather [hbm4b:s7+s2], $0x9C40, $0x38;
	[tilespmem:$0x1E3C0] =	vst v63  }
0x13: {  	_ =	swait.ge [sflag:s5], $0x9C40  }
0x14: {  	[sflag:s5] =	ssyncset.done $0x0  }
0x15: {  	[sflag:s5] =	ssyncadd.s32 $0xFFFF63C0  }
0x16: {  	[tilespmem:s14], [sflag:$0x1] =	stream.linear.gather [hbm4b:s9+s2], $0x9C40, $0x38;
	[tilespmem:$0x1E3C0] =	vst v63  }
0x17: {  	_ =	swait.ge [sflag:s5], $0x9C40  }
0x18: {  	[sflag:s5] =	ssyncset.done $0x0  }
0x19: {  	[sflag:s5] =	ssyncadd.s32 $0xFFFF63C0  }
0x1a: {  	[tilespmem:s15], [sflag:$0x1] =	stream.linear.gather [hbm4b:s10+s2], $0x9C40, $0x38;
	[tilespmem:$0x1E3C0] =	vst v63  }
0x1b: {  	_ =	swait.ge [sflag:s5], $0x9C40  }
0x1c: {  	[sflag:s5] =	ssyncset.done $0x0  }
0x1d: {  	s20 =	simm.s32 $0x0;
	[sflag:s5] =	ssyncadd.s32 $0xFFFF63C0  }
.LBB2_2:
0x1e: {  	s21 =	sshll.u32 s20, $0x4  }
0x1f: {  	s21 =	sadd.s32 s6, s21  }
0x20: {  	s21 =	smul.u32 $0x280, s21;
	_ =	sdelay $0x1  }
0x21: {  	s22 =	sshrl.u32 s21, $0x3  }
0x22: {  	s23 =	simm.s32 $0x280;
	s24 =	sadd.s32 s3, s22;
	s22 =	simm.s32 $0x0  }
0x23: {  	[tilespmem:s22], [sflag:$0x1] =	stream.strided.gather [hbm4b:s24+s23], $0x500, s16, s23, $0x38;
	[tilespmem:$0x1E3C0] =	vst v63  }
0x24: {  	_ =	swait.ge [sflag:s5], $0x500  }
0x25: {  	[sflag:s5] =	ssyncset.done $0x0  }
0x26: {  	[sflag:s5] =	ssyncadd.s32 $0xFFFFFB00  }
0x27: {  	v5 =	vld [tilespmem:s23+$0xFFFFFD80]  }
0x28: {  	v4 =	vld [tilespmem:s23+$0x0];
	_ =	sdelay $0x6  }
0x29: {  	v6 =	vld.idx.msk [tilespmem:v5+s13+$0x0], $0xffff  }
0x2a: {  	v8 =	vld.idx.msk [tilespmem:v4+s14+$0x0], $0xffff  }
0x2b: {  	s24 =	simm.s32 $0x10;
	v7 =	vld.idx.msk [tilespmem:v4+s15+$0x0], $0xffff  }
.LBB2_3:
0x2c: {  	p0 =	sne.s32 s24, $0x270  }
0x2d: {  	s23 =	sadd.s32 $0x10, s23;
	s25 =	smov.u32 s24;
	s24 =	sadd.s32 $0x10, s24  }
0x2e: {  	_ =	sdelay $0x2  }
0x2f: {  	v6 =	vadd.f32 v8, v6  }
0x30: {  	v7 =	vadd.f32 $1.000000020e-16, v7  }
0x31: {  	v8 =	vmul.f32 $2.000000030e-01, v6  }
0x32: {  	vm0 =	vge.f32 v6, $0.0e+00  }
0x33: {  	v6 =	vsel vm0, v6, v8  }
0x34: {  	v6 =	vmul.f32 $1.442695020e+00, v6  }
0x35: {  	(erf) = vrcp.f32 v7  }
0x36: {  	(erf) = vpow2.f32 v6;
	_ =	sdelay $0x6  }
0x37: {  	v6 =	vor.u32 s22, v0  }
0x38: {  	v7 =	vadd.s32 $0x2710, v4;
	v8 =	vpop (erf)  }
0x39: {  	v9 =	vadd.s32 $0x2710, v5;
	v10 =	vpop (erf)  }
0x3a: {  	v8 =	vmul.f32 v10, v8;
	_ =	sdelay $0x1  }
0x3b: {  	[tilespmem:v6+s17+$0x0] =	vst.idx.msk $0xffff, v8  }
0x3c: {  	v6 =	vld.idx.msk [tilespmem:v7+s15+$0x0], $0xffff  }
0x3d: {  	v8 =	vld.idx.msk [tilespmem:v9+s13+$0x0], $0xffff  }
0x3e: {  	v7 =	vld.idx.msk [tilespmem:v7+s14+$0x0], $0xffff;
	_ =	sdelay $0x3  }
0x3f: {  	v6 =	vadd.f32 $1.000000020e-16, v6;
	_ =	sdelay $0x1  }
0x40: {  	v7 =	vadd.f32 v7, v8;
	_ =	sdelay $0x1  }
0x41: {  	v8 =	vmul.f32 $2.000000030e-01, v7  }
0x42: {  	vm0 =	vge.f32 v7, $0.0e+00  }
0x43: {  	v7 =	vsel vm0, v7, v8  }
0x44: {  	v7 =	vmul.f32 $1.442695020e+00, v7  }
0x45: {  	(erf) = vrcp.f32 v6  }
0x46: {  	(erf) = vpow2.f32 v7;
	_ =	sdelay $0x6  }
0x47: {  	v6 =	vadd.s32 s22, v1  }
0x48: {  	v7 =	vadd.s32 $0x4E20, v5;
	v8 =	vpop (erf)  }
0x49: {  	v9 =	vadd.s32 $0x4E20, v4;
	v10 =	vpop (erf)  }
0x4a: {  	v8 =	vmul.f32 v10, v8;
	_ =	sdelay $0x1  }
0x4b: {  	[tilespmem:v6+s17+$0x0] =	vst.idx.msk $0xffff, v8  }
0x4c: {  	v6 =	vld.idx.msk [tilespmem:v7+s13+$0x0], $0xffff  }
0x4d: {  	v7 =	vld.idx.msk [tilespmem:v9+s14+$0x0], $0xffff;
	_ =	sdelay $0x3  }
0x4e: {  	v8 =	vld.idx.msk [tilespmem:v9+s15+$0x0], $0xffff;
	_ =	sdelay $0x1  }
0x4f: {  	v6 =	vadd.f32 v7, v6;
	_ =	sdelay $0x1  }
0x50: {  	v7 =	vmul.f32 $2.000000030e-01, v6  }
0x51: {  	vm0 =	vge.f32 v6, $0.0e+00  }
0x52: {  	v6 =	vsel vm0, v6, v7;
	v7 =	vadd.f32 $1.000000020e-16, v8  }
0x53: {  	v6 =	vmul.f32 $1.442695020e+00, v6  }
0x54: {  	(erf) = vrcp.f32 v7  }
0x55: {  	(erf) = vpow2.f32 v6;
	_ =	sdelay $0x6  }
0x56: {  	v6 =	vadd.s32 s22, v2  }
0x57: {  	v5 =	vadd.s32 $0x7530, v5;
	v7 =	vpop (erf)  }
0x58: {  	v4 =	vadd.s32 $0x7530, v4;
	v8 =	vpop (erf)  }
0x59: {  	v7 =	vmul.f32 v8, v7;
	_ =	sdelay $0x1  }
0x5a: {  	[tilespmem:v6+s17+$0x0] =	vst.idx.msk $0xffff, v7  }
0x5b: {  	v5 =	vld.idx.msk [tilespmem:v5+s13+$0x0], $0xffff  }
0x5c: {  	v6 =	vld.idx.msk [tilespmem:v4+s14+$0x0], $0xffff  }
0x5d: {  	v4 =	vld.idx.msk [tilespmem:v4+s15+$0x0], $0xffff;
	_ =	sdelay $0x4  }
0x5e: {  	v5 =	vadd.f32 v6, v5  }
0x5f: {  	v4 =	vadd.f32 $1.000000020e-16, v4  }
0x60: {  	v6 =	vmul.f32 $2.000000030e-01, v5  }
0x61: {  	vm0 =	vge.f32 v5, $0.0e+00  }
0x62: {  	v5 =	vsel vm0, v5, v6  }
0x63: {  	v5 =	vmul.f32 $1.442695020e+00, v5  }
0x64: {  	(erf) = vrcp.f32 v4  }
0x65: {  	(erf) = vpow2.f32 v5;
	_ =	sdelay $0x6  }
0x66: {  	v4 =	vadd.s32 s22, v3;
	s22 =	smov.u32 s25  }
0x67: {  	v5 =	vpop (erf)  }
0x68: {  	v6 =	vpop (erf)  }
0x69: {  	v5 =	vmul.f32 v6, v5;
	_ =	sdelay $0x1  }
0x6a: {  	[tilespmem:v4+s17+$0x0] =	vst.idx.msk $0xffff, v5  }
0x6b: {  	v5 =	vld [tilespmem:s23+$0xFFFFFD80]  }
0x6c: {  	v4 =	vld [tilespmem:s23+$0x0];
	_ =	sdelay $0x4  }
.Ltmp0:
0x6d: {  	(pc) =	sbr.rel @p0 .LBB2_3-.Ltmp0, $4  }
0x6e: {  	_ = 	snop  }
0x6f: {  	v6 =	vld.idx.msk [tilespmem:v5+s13+$0x0], $0xffff  }
0x70: {  	v8 =	vld.idx.msk [tilespmem:v4+s14+$0x0], $0xffff  }
0x71: {  	v7 =	vld.idx.msk [tilespmem:v4+s15+$0x0], $0xffff  }
0x72: {  	_ =	sdelay $0x2  }
0x73: {  	v6 =	vadd.f32 v8, v6;
	_ =	sdelay $0x1  }
0x74: {  	v8 =	vmul.f32 $2.000000030e-01, v6  }
0x75: {  	vm0 =	vge.f32 v6, $0.0e+00  }
0x76: {  	v7 =	vadd.f32 $1.000000020e-16, v7;
	v6 =	vsel vm0, v6, v8  }
0x77: {  	v6 =	vmul.f32 $1.442695020e+00, v6  }
0x78: {  	(erf) = vrcp.f32 v7  }
0x79: {  	(erf) = vpow2.f32 v6;
	_ =	sdelay $0x6  }
0x7a: {  	v52 =	vor.u32 s22, v0  }
0x7b: {  	v53 =	vadd.s32 $0x2710, v5;
	v7 =	vpop (erf)  }
0x7c: {  	v9 =	vadd.s32 $0x2710, v4;
	v10 =	vpop (erf)  }
0x7d: {  	v7 =	vmul.f32 v10, v7;
	_ =	sdelay $0x1  }
0x7e: {  	[tilespmem:v52+s17+$0x0] =	vst.idx.msk $0xffff, v7  }
0x7f: {  	v6 =	vld.idx.msk [tilespmem:v53+s13+$0x0], $0xffff  }
0x80: {  	v7 =	vld.idx.msk [tilespmem:v9+s14+$0x0], $0xffff;
	_ =	sdelay $0x3  }
0x81: {  	v54 =	vld.idx.msk [tilespmem:v9+s15+$0x0], $0xffff  }
0x82: {  	v6 =	vadd.f32 v7, v6;
	_ =	sdelay $0x1  }
0x83: {  	v7 =	vmul.f32 $2.000000030e-01, v6  }
0x84: {  	vm13 =	vge.f32 v6, $0.0e+00  }
0x85: {  	v8 =	vadd.f32 $1.000000020e-16, v54;
	v6 =	vsel vm13, v6, v7  }
0x86: {  	v6 =	vmul.f32 $1.442695020e+00, v6  }
0x87: {  	(erf) = vrcp.f32 v8  }
0x88: {  	(erf) = vpow2.f32 v6;
	_ =	sdelay $0x6  }
0x89: {  	v55 =	vadd.s32 s22, v1  }
0x8a: {  	v56 =	vadd.s32 $0x4E20, v5;
	v8 =	vpop (erf)  }
0x8b: {  	v57 =	vadd.s32 $0x4E20, v4;
	v58 =	vpop (erf)  }
0x8c: {  	v8 =	vmul.f32 v58, v8;
	_ =	sdelay $0x1  }
0x8d: {  	[tilespmem:v55+s17+$0x0] =	vst.idx.msk $0xffff, v8  }
0x8e: {  	v6 =	vld.idx.msk [tilespmem:v56+s13+$0x0], $0xffff  }
0x8f: {  	v59 =	vld.idx.msk [tilespmem:v57+s14+$0x0], $0xffff;
	_ =	sdelay $0x3  }
0x90: {  	v8 =	vld.idx.msk [tilespmem:v57+s15+$0x0], $0xffff  }
0x91: {  	v6 =	vadd.f32 v59, v6;
	_ =	sdelay $0x1  }
0x92: {  	v7 =	vmul.f32 $2.000000030e-01, v6  }
0x93: {  	vm14 =	vge.f32 v6, $0.0e+00  }
0x94: {  	v60 =	vadd.f32 $1.000000020e-16, v8;
	v6 =	vsel vm14, v6, v7  }
0x95: {  	v6 =	vmul.f32 $1.442695020e+00, v6  }
0x96: {  	(erf) = vrcp.f32 v60  }
0x97: {  	(erf) = vpow2.f32 v6;
	_ =	sdelay $0x6  }
0x98: {  	v61 =	vadd.s32 s22, v2  }
0x99: {  	v5 =	vadd.s32 $0x7530, v5;
	v7 =	vpop (erf)  }
0x9a: {  	v4 =	vadd.s32 $0x7530, v4;
	v62 =	vpop (erf)  }
0x9b: {  	v7 =	vmul.f32 v62, v7;
	_ =	sdelay $0x1  }
0x9c: {  	[tilespmem:v61+s17+$0x0] =	vst.idx.msk $0xffff, v7  }
0x9d: {  	v5 =	vld.idx.msk [tilespmem:v5+s13+$0x0], $0xffff  }
0x9e: {  	v6 =	vld.idx.msk [tilespmem:v4+s14+$0x0], $0xffff;
	_ =	sdelay $0x3  }
0x9f: {  	v4 =	vld.idx.msk [tilespmem:v4+s15+$0x0], $0xffff  }
0xa0: {  	v5 =	vadd.f32 v6, v5;
	_ =	sdelay $0x1  }
0xa1: {  	v6 =	vmul.f32 $2.000000030e-01, v5  }
0xa2: {  	vm15 =	vge.f32 v5, $0.0e+00  }
0xa3: {  	v4 =	vadd.f32 $1.000000020e-16, v4;
	v5 =	vsel vm15, v5, v6  }
0xa4: {  	v5 =	vmul.f32 $1.442695020e+00, v5  }
0xa5: {  	(erf) = vrcp.f32 v4  }
0xa6: {  	(erf) = vpow2.f32 v5;
	_ =	sdelay $0x6  }
0xa7: {  	v4 =	vadd.s32 s22, v3  }
0xa8: {  	v5 =	vpop (erf)  }
0xa9: {  	v63 =	vpop (erf)  }
0xaa: {  	s21 =	sadd.s32 s11, s21;
	s20 =	sadd.s32 $0x1, s20;
	v5 =	vmul.f32 v63, v5  }
0xab: {  	s21 =	sshrl.u32 s21, $0x3;
	p0 =	sne.s32 s20, s8  }
.Ltmp1:
0xac: {  	s21 =	sadd.s32 s4, s21;
	[tilespmem:v4+s17+$0x0] =	vst.idx.msk $0xffff, v5;
	(pc) =	sbr.rel @p0 .LBB2_2-.Ltmp1, $4  }
0xad: {  	[hbm4b:s21+s18] =	stream.strided.scatter [tilespmem:s17], [sflag:$0x1], $0xA00, s16, s18, $0x38;
	[tilespmem:$0x1E3C0] =	vst v63  }
0xae: {  	_ =	swait.ge [sflag:s5], $0xA00  }
0xaf: {  	[sflag:s5] =	ssyncset.done $0x0  }
0xb0: {  	[sflag:s5] =	ssyncadd.s32 $0xFFFFF600  }
0xb1: {  	s19 =	sadd.s32 $0x1, s19  }
0xb2: {  	p0 =	sne.s32 s19, s12  }
.Ltmp2:
0xb3: {  	_ = 	snop;
	(pc) =	sbr.rel @p0 .LBB2_1-.Ltmp2, $1  }
0xb4: {  	_ =	sdelay $0x3  }
0xb5: {  	_ =	sfence.sel $0x180000  }
0xb6: {  	[bflag:$0x0] =	sbarrier.arrive $0xFFFF  }
0xb7: {  	p0 =	sne.s32 s1, $0x0;
	_ =	strace $0x9000004A  }
0xb8: {  	s0 =	sadd.s32 @!p0 $0x100000, s0;
	[bflag:$0x2] =	sbarrier.arrive $0xFFFF  }
0xb9: {  	[sflag:s0] =	ssyncadd.tile.s32 @!p0 $0x1;
	_ =	shalt  }
.Lfunc_end2:
_tile_overlayer_lowered:
.L_overlay_start_2:
0xba: {  	(tag) =	ssettag $0x2  }
0xbb: {  	s0 =	rddreg [dreg:$0x0];
	s2 =	stileid.u32  }
0xbc: {  	s1 =	rddreg [dreg:$0x1];
	p0 =	sne.s32 s2, $0x0  }
0xbd: {  	s3 =	rddreg [dreg:$0x2];
	[bflag:$0x3] =	sbarrier.arrive $0xFFFF;
	s2 =	simm.s32 @!p0 $0x1C01  }
0xbe: {  	[timem:s3], [sflag:s2] =	dma.local @!p0 [hbm:s0], s1  }
0xbf: {  	s0 =	simm.s32 @!p0 $0x1  }
0xc0: {  	_ =	swait.ge @!p0 [sflag:s0], s1  }
0xc1: {  	s1 =	ssub.s32 @!p0 $0x0, s1;
	[sflag:s0] =	ssyncset.done @!p0 $0x0  }
0xc2: {  	[sflag:s0] =	ssyncadd.s32 @!p0 s1  }
0xc3: {  	[bflag:$0x3] =	sbarrier.arrive $0xFFFF  }
0xc4: {  	_ =	shalt  }

// kernel: kernel.18.cloned.1.call-start
scs
__scs_entry_jumppad:
0x0: {  	(pc) =	sbr.rel $0x88, $3  }
0x1: {  	(tag) =	ssettag $0x0;
	lr =	simm.s32 $0x1  }
0x2: {  	[smem:$0x3F8D] =	sst lr;
	_ =	strace $0xD0000000  }
0x3: {  	_ = 	snop  }
0x4: {  	_ = 	snop  }
0x5: {  	_ = 	snop  }
0x6: {  	_ = 	snop  }
0x7: {  	_ = 	snop  }
__scs_overlays_trampoline_lowered:
0x8: {  	[smem:$0x3F9C] =	sst s0  }
0x9: {  	[smem:$0x3F9D] =	sst s1  }
0xa: {  	[smem:$0x3F9E] =	sst s2  }
0xb: {  	[smem:$0x3F9F] =	sst s3  }
0xc: {  	[smem:$0x3FA0] =	sst s4  }
0xd: {  	[smem:$0x3FA1] =	sst s5  }
0xe: {  	[smem:$0x3FA2] =	sst s6  }
0xf: {  	[smem:$0x3FA3] =	sst s7  }
0x10: {  	[smem:$0x3FA4] =	sst s8  }
0x11: {  	[smem:$0x3FA5] =	sst s9;
	s0 =	simm.s32 @!p0 $0x0  }
0x12: {  	s1 =	sld [smem:$0x3F8B];
	s0 =	simm.s32 @p0 $0x1  }
0x13: {  	[smem:$0x3FA6] =	sst s0;
	s0 =	simm.s32 @!p1 $0x0  }
0x14: {  	s2 =	sld [smem:$0x3F8A];
	s0 =	simm.s32 @p1 $0x1  }
0x15: {  	[smem:$0x3FA7] =	sst s0;
	s0 =	simm.s32 @!p2 $0x0  }
0x16: {  	s3 =	sld [smem:$0x3FDB];
	s0 =	simm.s32 @p2 $0x1  }
0x17: {  	s4 =	simm.s32 $0x1BF5;
	[smem:$0x3FA9] =	sst s0  }
0x18: {  	s0 =	sld [smem:$0x3F8C];
	_ =	swait.ge [sflag:s4], $0x0  }
0x19: {  	s7 =	sld [smem:$0x3F8D]  }
0x1a: {  	s8 =	sadd.s32 $0xFFFFE003, lr  }
0x1b: {  	s9 =	sadd.s32 $0xFFFFFEF7, lr;
	s5 =	simm.s32 $0xFFFFFFFF;
	p2 =	slt.u32 s8, $0xFFFFF086  }
0x1c: {  	p1 =	slt.u32 s9, $0xF7A;
	s5 =	simm.s32 @!p2 $0x0  }
0x1d: {  	s5 =	simm.s32 @p1 $0x1;
	p0 =	seq.s32 s7, s2  }
0x1e: {  	s7 =	smul.u32 @!p0 $0xF7A, s2;
	p2 =	seq.s32 @!p0 s5, $0x0  }
0x1f: {  	s9 =	smul.u32 $0xF7A, s1;
	s8 =	simm.s32 @!p0 $0x1BF5;
	p2 =	por !p2, p0  }
0x20: {  	[sflag:s8] =	ssyncset.s32 @!p0 $0xFFFFF086;
	s6 =	sadd.s32 @!p0 s3, s7;
	s7 =	simm.s32 @!p0 $0x108  }
0x21: {  	s3 =	sadd.s32 s3, s9;
	s6 =	sadd.s32 @!p0 $0x88, s6;
	s7 =	simm.s32 @p2 $0x1082  }
0x22: {  	[simem:s7], [sflag:s8] =	dma.local @!p0 [hbm:s6], $0xF7A  }
0x23: {  	s9 =	sor.u32 $0xD0000000, s2;
	s6 =	simm.s32 $0x108;
	_ =	swait.ge @!p0 [sflag:s8], $0x0  }
0x24: {  	s3 =	sadd.s32 $0x88, s3;
	s6 =	simm.s32 @!p1 $0x1082;
	[sflag:s4] =	ssyncset.s32 $0xFFFFF086  }
0x25: {  	[simem:s6], [sflag:s4] =	dma.local [hbm:s3], $0xF7A  }
0x26: {  	[smem:$0x3F8D] =	sst s1;
	(tag) =	ssettag s2;
	_ =	strace s9  }
0x27: {  	s1 =	sld [smem:$0x3F9D]  }
0x28: {  	s2 =	sld [smem:$0x3F9E]  }
0x29: {  	s4 =	sld [smem:$0x3FA0]  }
0x2a: {  	p0 =	seq.s32 s5, $0x0;
	s5 =	sld [smem:$0x3FA1]  }
0x2b: {  	s6 =	sld [smem:$0x3FA2]  }
0x2c: {  	s7 =	sld [smem:$0x3FA3]  }
0x2d: {  	s3 =	simm.s32 $0x108;
	s8 =	sld [smem:$0x3FA4]  }
0x2e: {  	s3 =	simm.s32 @!p0 $0x1082;
	s9 =	sld [smem:$0x3FA5]  }
0x2f: {  	lr =	sadd.s32 s0, s3;
	s0 =	sld [smem:$0x3F9C]  }
0x30: {  	s3 =	sld [smem:$0x3F9F]  }
0x31: {  	[smem:$0x3FA8] =	sst s10  }
0x32: {  	s10 =	sld [smem:$0x3FA6];
	_ =	sdelay $0x3  }
0x33: {  	p0 =	seq.s32 s10, $0x1;
	s10 =	sld [smem:$0x3FA8];
	_ =	sdelay $0x3  }
0x34: {  	[smem:$0x3FA8] =	sst s10  }
0x35: {  	s10 =	sld [smem:$0x3FA7];
	_ =	sdelay $0x3  }
0x36: {  	p1 =	seq.s32 s10, $0x1;
	s10 =	sld [smem:$0x3FA8];
	_ =	sdelay $0x3  }
0x37: {  	[smem:$0x3FA8] =	sst s10  }
0x38: {  	s10 =	sld [smem:$0x3FA9]  }
0x39: {  	_ = 	snop;
	(pc) =	sbr.ind lr, $3  }
0x3a: {  	_ = 	snop  }
0x3b: {  	_ = 	snop  }
0x3c: {  	p2 =	seq.s32 s10, $0x1;
	s10 =	sld [smem:$0x3FA8]  }
0x3d: {  	_ =	shalt  }
0x3e: {  	_ =	shalt  }
0x3f: {  	_ =	shalt  }
0x40: {  	_ =	shalt  }
0x41: {  	_ =	shalt  }
0x42: {  	_ =	shalt  }
0x43: {  	_ =	shalt  }
0x44: {  	_ =	shalt  }
0x45: {  	_ =	shalt  }
0x46: {  	_ =	shalt  }
0x47: {  	_ =	shalt  }
0x48: {  	_ =	shalt  }
0x49: {  	_ =	shalt  }
0x4a: {  	_ =	shalt  }
0x4b: {  	_ =	shalt  }
0x4c: {  	_ =	shalt  }
0x4d: {  	_ =	shalt  }
0x4e: {  	_ =	shalt  }
0x4f: {  	_ =	shalt  }
0x50: {  	_ =	shalt  }
0x51: {  	_ =	shalt  }
0x52: {  	_ =	shalt  }
0x53: {  	_ =	shalt  }
0x54: {  	_ =	shalt  }
0x55: {  	_ =	shalt  }
0x56: {  	_ =	shalt  }
0x57: {  	_ =	shalt  }
0x58: {  	_ =	shalt  }
0x59: {  	_ =	shalt  }
0x5a: {  	_ =	shalt  }
0x5b: {  	_ =	shalt  }
0x5c: {  	_ =	shalt  }
0x5d: {  	_ =	shalt  }
0x5e: {  	_ =	shalt  }
0x5f: {  	_ =	shalt  }
0x60: {  	_ =	shalt  }
0x61: {  	_ =	shalt  }
0x62: {  	_ =	shalt  }
0x63: {  	_ =	shalt  }
0x64: {  	_ =	shalt  }
0x65: {  	_ =	shalt  }
0x66: {  	_ =	shalt  }
0x67: {  	_ =	shalt  }
0x68: {  	_ =	shalt  }
0x69: {  	_ =	shalt  }
0x6a: {  	_ =	shalt  }
0x6b: {  	_ =	shalt  }
0x6c: {  	_ =	shalt  }
0x6d: {  	_ =	shalt  }
0x6e: {  	_ =	shalt  }
0x6f: {  	_ =	shalt  }
0x70: {  	_ =	shalt  }
0x71: {  	_ =	shalt  }
0x72: {  	_ =	shalt  }
0x73: {  	_ =	shalt  }
0x74: {  	_ =	shalt  }
0x75: {  	_ =	shalt  }
0x76: {  	_ =	shalt  }
0x77: {  	_ =	shalt  }
0x78: {  	_ =	shalt  }
0x79: {  	_ =	shalt  }
0x7a: {  	_ =	shalt  }
0x7b: {  	_ =	shalt  }
0x7c: {  	_ =	shalt  }
0x7d: {  	_ =	shalt  }
0x7e: {  	_ =	shalt  }
0x7f: {  	_ =	shalt  }
0x80: {  	_ =	shalt  }
0x81: {  	_ =	shalt  }
0x82: {  	_ =	shalt  }
0x83: {  	_ =	shalt  }
0x84: {  	_ =	shalt  }
0x85: {  	_ =	shalt  }
0x86: {  	_ =	shalt  }
0x87: {  	_ =	shalt  }
.Lfunc_end0:
.L_simem_size_0:
called_computation.2_lowered:
.L_overlay_start_0:
0x88: {  	s2 =	sld [smem:$0x3FD9]  }
0x89: {  	s3 =	sld [smem:$0x3FFE];
	_ =	sdelay $0x1  }
0x8a: {  	s1 =	srdreg.scid  }
0x8b: {  	s0 =	sand.u32 $0x1, s1  }
0x8c: {  	s16 =	sshll.u32 s0, $0xA;
	s2 =	sadd.s32 s3, s2  }
0x8d: {  	s2 =	sadd.s32 s2, s16  }
0x8e: {  	[smem:$0x3FB4] =	sst s2  }
0x8f: {  	_ = 	snop  }
0x90: {  	(tm) =	ssettm $0x1  }
0x91: {  	s17 =	sld [smem:$0x3FFB];
	_ =	sdelay $0x3  }
0x92: {  	_ =	strace s17  }
0x93: {  	s2 =	sld [smem:$0x3FFC];
	_ =	sdelay $0x3  }
0x94: {  	_ =	strace s2  }
0x95: {  	s2 =	sld [smem:$0x3FFD];
	_ =	sdelay $0x3  }
0x96: {  	_ =	strace s2  }
0x97: {  	_ =	strace $0x8FFFFFFF  }
0x98: {  	s18 =	sld [smem:$0x3FDB];
	_ =	sdelay $0x1  }
0x99: {  	s19 =	simm.s32 $_scs_section_size  }
0x9a: {  	s4 =	simm.s32 $_size__tile_overlayer_lowered;
	s5 =	simm.s32 $_tile_overlayer_lowered  }
0x9b: {  	s22 =	simm.s32 $0x1BFF;
	s21 =	sshll.u32 s5, $0x1;
	s2 =	sadd.s32 s19, s18  }
0x9c: {  	s6 =	simm.s32 $0x0;
	s20 =	sshll.u32 s4, $0x1;
	s4 =	sadd.s32 s21, s2  }
0x9d: {  	[timem:s6], [sflag:s22] =	dma.local [hbm:s4], s20  }
0x9e: {  	_ =	swait.ge [sflag:s22], s20  }
0x9f: {  	s3 =	ssub.s32 $0x0, s20;
	[sflag:s22] =	ssyncset.done $0x0  }
0xa0: {  	[sflag:s22] =	ssyncadd.s32 s3;
	_ =	sdelay $0x1  }
0xa1: {  	s23 =	simm.s32 $0x1B8B  }
0xa2: {  	_ =	swait.ge [sflag:s23], $0x1  }
0xa3: {  	[sflag:s23] =	ssyncset.done $0x0  }
0xa4: {  	s25 =	simm.s32 $0x1B8E;
	s24 =	sld [smem:$0x3FFE];
	[sflag:s23] =	ssyncadd.s32 $0xFFFFFFFF  }
0xa5: {  	s26 =	simm.s32 $execute0_lowered;
	[smem:$0x3FD2] =	sst s25  }
0xa6: {  	s4 =	sshll.u32 s26, $0x1;
	_ =	strace $0x8000004C;
	[dreg:$0x1] =	wrdreg $0xFFFFFFFF  }
0xa7: {  	s28 =	simm.s32 $_size_execute0_lowered;
	s2 =	sadd.s32 s2, s4;
	[dreg:$0x0] =	wrdreg $0x0  }
0xa8: {  	s4 =	sshll.u32 s28, $0x1;
	[dreg:$0x2] =	wrdreg s2  }
0xa9: {  	[dreg:$0x3] =	wrdreg s4  }
0xaa: {  	[dreg:$0x4] =	wrdreg $0xC0  }
0xab: {  	_ =	task [dreg:s6], $0x5FFFF  }
0xac: {  	[dreg:$0x1] =	wrdreg $0xFFFFFFFF  }
0xad: {  	[dreg:$0x0] =	wrdreg $0x60  }
0xae: {  	[dreg:$0x2] =	wrdreg s24  }
0xaf: {  	[dreg:$0x3] =	wrdreg $0x9  }
0xb0: {  	_ =	task.clear_ibuf [dreg:s6], $0x4FFFF;
	_ =	strace $0x9000004C  }
0xb1: {  	s29 =	simm.s32 $0x9;
	_ =	strace $0x8000004E  }
0xb2: {  	_ =	swait.ge [sflag:s29], $0x1  }
0xb3: {  	[sflag:s29] =	ssyncadd.s32 $0xFFFFFFFF  }
0xb4: {  	_ =	strace $0x9000004E  }
0xb5: {  	_ =	sfence  }
0xb6: {  	s30 =	sld [smem:$0x0];
	_ =	sdelay $0x2  }
0xb7: {  	s31 =	sshll.u32 s1, $0xD;
	s1 =	sshrl.u32 s1, $0x2  }
0xb8: {  	s3 =	sand.u32 $0x4000, s31;
	s1 =	sadd.s32 s1, s30  }
0xb9: {  	s0 =	sor.u32 s3, s0;
	s1 =	sshll.u32 s1, $0x11  }
0xba: {  	s0 =	sor.u32 s1, s0  }
0xbb: {  	s0 =	sadd.s32 $0x8F2B, s0  }
0xbc: {  	[sflag:s0] =	ssyncadd.remote.s32 $0x1  }
0xbd: {  	_ =	sfence.sel $0xFFFF  }
0xbe: {  	[dreg:$0x0] =	wrdreg $0xFFFFFFFF;
	(pc) =	sbr.abs _section_cstart, $3  }
0xbf: {  	[dreg:$0x1] =	wrdreg $0xFFFFFFFF  }
0xc0: {  	_ =	task.clear_ibuf [dreg:s6], $0x2FFFF;
	_ =	strace $0x9FFFFFFF  }
0xc1: {  	(tm) =	ssettm $0x7FFFFFFF  }
tec
execute0_lowered:
.L_overlay_start_1:
0x0: {  	(tag) =	ssettag $0x1  }
0x1: {  	s5 =	rddreg [dreg:$0x0]  }
0x2: {  	s0 =	rddreg [dreg:$0x1]  }
0x3: {  	s1 =	simm.s32 $0x0;
	s2 =	srdreg.scid;
	s13 =	simm.s32 $0xFA0  }
0x4: {  	s14 =	simm.s32 $0x4E200;
	s15 =	simm.s32 $0x1F40;
	s16 =	simm.s32 $0xCB20  }
0x5: {  	s17 =	simm.s32 $0x0;
	[smem:$0x7FF] =	sst s1;
	s3 =	sadd.s32 $0x3A00, s5  }
0x6: {  	s6 =	sand.u32 $0x1, s2;
	s9 =	sadd.s32 $0xB9600, s5;
	s2 =	stileid.u32  }
0x7: {  	s4 =	sadd.s32 $0x6B400, s5;
	s10 =	sadd.s32 $0x107800, s5;
	s7 =	sshll.u32 s6, $0x4  }
0x8: {  	s5 =	simm.s32 $0x1;
	s8 =	sand.u32 $0x3, s2;
	s7 =	sor.u32 s2, s7  }
0x9: {  	s6 =	ssub.s32 $0x2, s6;
	p1 =	sne.s32 s8, $0x0;
	p0 =	seq.s32 s7, $0x0  }
0xa: {  	s30 =	sshrl.u32 s6, $0x1;
	s11 =	smul.u32 $0x2710, s7;
	p0 =	por !p1, !p0  }
0xb: {  	s8 =	simm.s32 $0x1;
	s12 =	ssub.s32 s6, s30;
	p0 =	por !p0, !p0  }
0xc: {  	s31 =	sshrl.u32 s7, $0x2;
	s6 =	sadd.s32 s9, s11;
	s8 =	simm.s32 @!p0 $0x0  }
0xd: {  	s7 =	ssub.s32 s31, s8;
	s8 =	sadd.s32 s10, s11;
	s11 =	sadd.s32 $0x1388, s11  }
0xe: {  	_ =	strace $0x8000004D;
	s7 =	smul.u32 $0x4E200, s7;
	s9 =	sadd.s32 s9, s11  }
0xf: {  	v0 =	vimm.f32 $0.0e+00;
	s10 =	sadd.s32 s10, s11;
	s11 =	smax.u32 s12, $0x1;
	s12 =	simm.s32 $0x2EE0  }
.LBB2_1:
0x10: {  	[tilespmem:s12], [sflag:$0x1] =	stream.linear.gather [hbm4b:s6+s1], $0x9C40, $0x38;
	[tilespmem:$0x16760] =	vst v63  }
0x11: {  	_ =	swait.ge [sflag:s5], $0x9C40  }
0x12: {  	[sflag:s5] =	ssyncset.done $0x0  }
0x13: {  	s18 =	simm.s32 $0x40;
	s19 =	simm.s32 $0x0;
	[sflag:s5] =	ssyncadd.s32 $0xFFFF63C0  }
.LBB2_2:
0x14: {  	p0 =	sne.s32 s18, $0x9C00;
	[tilespmem:s19+$0x14050] =	vst v0;
	s20 =	smov.u32 s18;
	s18 =	sadd.s32 $0x40, s18  }
.Ltmp0:
0x15: {  	[tilespmem:s19+$0x11940] =	vst v0;
	(pc) =	sbr.rel @p0 .LBB2_2-.Ltmp0, $3  }
0x16: {  	[tilespmem:s19+$0xCB20] =	vst v0  }
0x17: {  	[tilespmem:s19+$0xF230] =	vst v0;
	_ =	sdelay $0x1  }
0x18: {  	s19 =	sshra.s32 s20, $0x2  }
0x19: {  	[tilespmem:s19+$0x14050] =	vst v0  }
0x1a: {  	[tilespmem:s19+$0x11940] =	vst v0  }
0x1b: {  	[tilespmem:s19+$0xCB20] =	vst v0  }
0x1c: {  	s18 =	simm.s32 $0x0;
	[tilespmem:s19+$0xF230] =	vst v0;
	s19 =	simm.s32 $0x0  }
.LBB2_4:
0x1d: {  	s20 =	smul.u32 $0xFA0, s19;
	_ =	sdelay $0x1  }
0x1e: {  	s21 =	sshrl.u32 s20, $0x3  }
0x1f: {  	s21 =	sadd.s32 s3, s21  }
0x20: {  	[tilespmem:s18], [sflag:$0x1] =	stream.strided.gather [hbm4b:s21+s13], $0x1F40, s14, s13, $0x38;
	[tilespmem:$0x16760] =	vst v63  }
0x21: {  	s20 =	sadd.s32 s7, s20;
	_ =	swait.ge [sflag:s5], $0x1F40  }
0x22: {  	s20 =	sshrl.u32 s20, $0x3;
	[sflag:s5] =	ssyncset.done $0x0  }
0x23: {  	s20 =	sadd.s32 s4, s20;
	[sflag:s5] =	ssyncadd.s32 $0xFFFFE0C0  }
0x24: {  	[tilespmem:s15], [sflag:$0x1] =	stream.linear.gather [hbm4b:s20+s18], $0xFA0, $0x38;
	[tilespmem:$0x16760] =	vst v63  }
0x25: {  	_ =	swait.ge [sflag:s5], $0xFA0  }
0x26: {  	[sflag:s5] =	ssyncset.done $0x0  }
0x27: {  	s21 =	simm.s32 $0x0;
	s20 =	simm.s32 $0x40;
	[sflag:s5] =	ssyncadd.s32 $0xFFFFF060  }
.LBB2_5:
0x28: {  	p0 =	sne.s32 s20, $0x3E40;
	v1 =	vld [tilespmem:s21+$0x0]  }
0x29: {  	v2 =	vld [tilespmem:s21+$0xFA0]  }
0x2a: {  	v3 =	vld [tilespmem:s21+$0x1F40];
	_ =	sdelay $0x5  }
0x2b: {  	v4 =	vld.idx.msk [tilespmem:v1+s12+$0x0], $0xffff;
	_ =	sdelay $0x3  }
0x2c: {  	v5 =	vadd.s32 $0x2710, v1;
	_ =	sdelay $0x1  }
0x2d: {  	v4 =	vmul.f32 v4, v3;
	_ =	sdelay $0x1  }
0x2e: {  	[tilespmem:v2+s16+$0x0] =	vst.idx.add.f32.msk $0xffff, v4  }
0x2f: {  	v4 =	vld.idx.msk [tilespmem:v5+s12+$0x0], $0xffff;
	_ =	sdelay $0x2  }
0x30: {  	v5 =	vadd.s32 $0x2710, v2  }
0x31: {  	v6 =	vadd.s32 $0x4E20, v1;
	_ =	sdelay $0x1  }
0x32: {  	v4 =	vmul.f32 v4, v3;
	_ =	sdelay $0x1  }
0x33: {  	[tilespmem:v5+s16+$0x0] =	vst.idx.add.f32.msk $0xffff, v4  }
0x34: {  	v4 =	vld.idx.msk [tilespmem:v6+s12+$0x0], $0xffff;
	_ =	sdelay $0x2  }
0x35: {  	v5 =	vadd.s32 $0x4E20, v2  }
0x36: {  	v1 =	vadd.s32 $0x7530, v1;
	_ =	sdelay $0x1  }
0x37: {  	v4 =	vmul.f32 v4, v3;
	_ =	sdelay $0x1  }
0x38: {  	[tilespmem:v5+s16+$0x0] =	vst.idx.add.f32.msk $0xffff, v4  }
0x39: {  	v1 =	vld.idx.msk [tilespmem:v1+s12+$0x0], $0xffff;
	_ =	sdelay $0x2  }
0x3a: {  	v2 =	vadd.s32 $0x7530, v2  }
.Ltmp1:
0x3b: {  	(pc) =	sbr.rel @p0 .LBB2_5-.Ltmp1, $3  }
0x3c: {  	_ = 	snop  }
0x3d: {  	v1 =	vmul.f32 v1, v3;
	_ =	sdelay $0x1  }
0x3e: {  	s21 =	sshra.s32 s20, $0x2;
	s20 =	sadd.s32 $0x40, s20;
	[tilespmem:v2+s16+$0x0] =	vst.idx.add.f32.msk $0xffff, v1  }
0x3f: {  	v1 =	vld [tilespmem:s21+$0x0];
	_ =	sdelay $0x5  }
0x40: {  	v2 =	vld [tilespmem:s21+$0xFA0]  }
0x41: {  	v3 =	vld [tilespmem:s21+$0x1F40]  }
0x42: {  	v4 =	vld.idx.msk [tilespmem:v1+s12+$0x0], $0xffff;
	_ =	sdelay $0x2  }
0x43: {  	v5 =	vadd.s32 $0x2710, v1;
	_ =	sdelay $0x1  }
0x44: {  	v4 =	vmul.f32 v4, v3;
	_ =	sdelay $0x1  }
0x45: {  	[tilespmem:v2+s16+$0x0] =	vst.idx.add.f32.msk $0xffff, v4  }
0x46: {  	v4 =	vld.idx.msk [tilespmem:v5+s12+$0x0], $0xffff;
	_ =	sdelay $0x1  }
0x47: {  	v62 =	vadd.s32 $0x2710, v2  }
0x48: {  	v6 =	vadd.s32 $0x4E20, v1;
	_ =	sdelay $0x1  }
0x49: {  	v4 =	vmul.f32 v4, v3;
	_ =	sdelay $0x1  }
0x4a: {  	[tilespmem:v62+s16+$0x0] =	vst.idx.add.f32.msk $0xffff, v4  }
0x4b: {  	v4 =	vld.idx.msk [tilespmem:v6+s12+$0x0], $0xffff;
	_ =	sdelay $0x1  }
0x4c: {  	v63 =	vadd.s32 $0x4E20, v2  }
0x4d: {  	v1 =	vadd.s32 $0x7530, v1;
	_ =	sdelay $0x1  }
0x4e: {  	v4 =	vmul.f32 v4, v3;
	_ =	sdelay $0x1  }
0x4f: {  	[tilespmem:v63+s16+$0x0] =	vst.idx.add.f32.msk $0xffff, v4  }
0x50: {  	v1 =	vld.idx.msk [tilespmem:v1+s12+$0x0], $0xffff  }
0x51: {  	s19 =	sadd.s32 $0x1, s19  }
0x52: {  	p0 =	sne.s32 s19, $0x50;
	v2 =	vadd.s32 $0x7530, v2  }
.Ltmp2:
0x53: {  	_ = 	snop;
	(pc) =	sbr.rel @p0 .LBB2_4-.Ltmp2, $3  }
0x54: {  	_ = 	snop  }
0x55: {  	v1 =	vmul.f32 v1, v3;
	_ =	sdelay $0x1  }
0x56: {  	[tilespmem:v2+s16+$0x0] =	vst.idx.add.f32.msk $0xffff, v1  }
0x57: {  	s18 =	simm.s32 $0x0  }
0x58: {  	[hbm4b:s8+s18] =	stream.linear.scatter [tilespmem:s16], [sflag:$0x1], $0x9C40, $0x38;
	[tilespmem:$0x16760] =	vst v63  }
0x59: {  	_ =	swait.ge [sflag:s5], $0x9C40  }
0x5a: {  	[sflag:s5] =	ssyncset.done $0x0  }
0x5b: {  	[sflag:s5] =	ssyncadd.s32 $0xFFFF63C0  }
0x5c: {  	[tilespmem:s12], [sflag:$0x1] =	stream.linear.gather [hbm4b:s9+s18], $0x9C40, $0x38;
	[tilespmem:$0x16760] =	vst v63  }
0x5d: {  	_ =	swait.ge [sflag:s5], $0x9C40  }
0x5e: {  	[sflag:s5] =	ssyncset.done $0x0  }
0x5f: {  	s20 =	simm.s32 $0x40;
	s19 =	simm.s32 $0x0;
	[sflag:s5] =	ssyncadd.s32 $0xFFFF63C0  }
.LBB2_8:
0x60: {  	p0 =	sne.s32 s20, $0x9C00;
	[tilespmem:s19+$0x14050] =	vst v0;
	s21 =	smov.u32 s20;
	s20 =	sadd.s32 $0x40, s20  }
.Ltmp3:
0x61: {  	[tilespmem:s19+$0x11940] =	vst v0;
	(pc) =	sbr.rel @p0 .LBB2_8-.Ltmp3, $3  }
0x62: {  	[tilespmem:s19+$0xCB20] =	vst v0  }
0x63: {  	[tilespmem:s19+$0xF230] =	vst v0;
	_ =	sdelay $0x1  }
0x64: {  	s19 =	sshra.s32 s21, $0x2  }
0x65: {  	[tilespmem:s19+$0x14050] =	vst v0  }
0x66: {  	[tilespmem:s19+$0x11940] =	vst v0  }
0x67: {  	[tilespmem:s19+$0xCB20] =	vst v0  }
0x68: {  	[tilespmem:s19+$0xF230] =	vst v0  }
.LBB2_10:
0x69: {  	s19 =	smul.u32 $0xFA0, s18;
	_ =	sdelay $0x1  }
0x6a: {  	s20 =	sshrl.u32 s19, $0x3  }
0x6b: {  	s21 =	simm.s32 $0x0;
	s20 =	sadd.s32 s3, s20  }
0x6c: {  	[tilespmem:s21], [sflag:$0x1] =	stream.strided.gather [hbm4b:s20+s13], $0x1F40, s14, s13, $0x38;
	[tilespmem:$0x16760] =	vst v63  }
0x6d: {  	s19 =	sadd.s32 s7, s19;
	_ =	swait.ge [sflag:s5], $0x1F40  }
0x6e: {  	s19 =	sshrl.u32 s19, $0x3;
	[sflag:s5] =	ssyncset.done $0x0  }
0x6f: {  	s19 =	sadd.s32 s4, s19;
	[sflag:s5] =	ssyncadd.s32 $0xFFFFE0C0  }
0x70: {  	[tilespmem:s15], [sflag:$0x1] =	stream.linear.gather [hbm4b:s19+s21], $0xFA0, $0x38;
	[tilespmem:$0x16760] =	vst v63  }
0x71: {  	_ =	swait.ge [sflag:s5], $0xFA0  }
0x72: {  	[sflag:s5] =	ssyncset.done $0x0  }
0x73: {  	s20 =	simm.s32 $0x0;
	s19 =	simm.s32 $0x40;
	[sflag:s5] =	ssyncadd.s32 $0xFFFFF060  }
.LBB2_11:
0x74: {  	p0 =	sne.s32 s19, $0x3E40;
	v1 =	vld [tilespmem:s20+$0x0]  }
0x75: {  	v2 =	vld [tilespmem:s20+$0xFA0]  }
0x76: {  	v3 =	vld [tilespmem:s20+$0x1F40];
	_ =	sdelay $0x5  }
0x77: {  	v4 =	vld.idx.msk [tilespmem:v1+s12+$0x0], $0xffff;
	_ =	sdelay $0x3  }
0x78: {  	v5 =	vadd.s32 $0x2710, v1;
	_ =	sdelay $0x1  }
0x79: {  	v4 =	vmul.f32 v4, v3;
	_ =	sdelay $0x1  }
0x7a: {  	[tilespmem:v2+s16+$0x0] =	vst.idx.add.f32.msk $0xffff, v4  }
0x7b: {  	v4 =	vld.idx.msk [tilespmem:v5+s12+$0x0], $0xffff;
	_ =	sdelay $0x2  }
0x7c: {  	v5 =	vadd.s32 $0x2710, v2  }
0x7d: {  	v6 =	vadd.s32 $0x4E20, v1;
	_ =	sdelay $0x1  }
0x7e: {  	v4 =	vmul.f32 v4, v3;
	_ =	sdelay $0x1  }
0x7f: {  	[tilespmem:v5+s16+$0x0] =	vst.idx.add.f32.msk $0xffff, v4  }
0x80: {  	v4 =	vld.idx.msk [tilespmem:v6+s12+$0x0], $0xffff;
	_ =	sdelay $0x2  }
0x81: {  	v5 =	vadd.s32 $0x4E20, v2  }
0x82: {  	v1 =	vadd.s32 $0x7530, v1;
	_ =	sdelay $0x1  }
0x83: {  	v4 =	vmul.f32 v4, v3;
	_ =	sdelay $0x1  }
0x84: {  	[tilespmem:v5+s16+$0x0] =	vst.idx.add.f32.msk $0xffff, v4  }
0x85: {  	v1 =	vld.idx.msk [tilespmem:v1+s12+$0x0], $0xffff;
	_ =	sdelay $0x2  }
0x86: {  	v2 =	vadd.s32 $0x7530, v2  }
.Ltmp4:
0x87: {  	(pc) =	sbr.rel @p0 .LBB2_11-.Ltmp4, $3  }
0x88: {  	_ = 	snop  }
0x89: {  	v1 =	vmul.f32 v1, v3;
	_ =	sdelay $0x1  }
0x8a: {  	s20 =	sshra.s32 s19, $0x2;
	s19 =	sadd.s32 $0x40, s19;
	[tilespmem:v2+s16+$0x0] =	vst.idx.add.f32.msk $0xffff, v1  }
0x8b: {  	v1 =	vld [tilespmem:s20+$0x0];
	_ =	sdelay $0x5  }
0x8c: {  	v2 =	vld [tilespmem:s20+$0xFA0]  }
0x8d: {  	v3 =	vld [tilespmem:s20+$0x1F40]  }
0x8e: {  	v4 =	vld.idx.msk [tilespmem:v1+s12+$0x0], $0xffff;
	_ =	sdelay $0x2  }
0x8f: {  	v5 =	vadd.s32 $0x2710, v1;
	_ =	sdelay $0x1  }
0x90: {  	v4 =	vmul.f32 v4, v3;
	_ =	sdelay $0x1  }
0x91: {  	[tilespmem:v2+s16+$0x0] =	vst.idx.add.f32.msk $0xffff, v4  }
0x92: {  	v4 =	vld.idx.msk [tilespmem:v5+s12+$0x0], $0xffff;
	_ =	sdelay $0x1  }
0x93: {  	v62 =	vadd.s32 $0x2710, v2  }
0x94: {  	v6 =	vadd.s32 $0x4E20, v1;
	_ =	sdelay $0x1  }
0x95: {  	v4 =	vmul.f32 v4, v3;
	_ =	sdelay $0x1  }
0x96: {  	[tilespmem:v62+s16+$0x0] =	vst.idx.add.f32.msk $0xffff, v4  }
0x97: {  	v4 =	vld.idx.msk [tilespmem:v6+s12+$0x0], $0xffff;
	_ =	sdelay $0x1  }
0x98: {  	v63 =	vadd.s32 $0x4E20, v2  }
0x99: {  	v1 =	vadd.s32 $0x7530, v1;
	_ =	sdelay $0x1  }
0x9a: {  	v4 =	vmul.f32 v4, v3;
	_ =	sdelay $0x1  }
0x9b: {  	[tilespmem:v63+s16+$0x0] =	vst.idx.add.f32.msk $0xffff, v4  }
0x9c: {  	v1 =	vld.idx.msk [tilespmem:v1+s12+$0x0], $0xffff  }
0x9d: {  	s18 =	sadd.s32 $0x1, s18  }
0x9e: {  	p0 =	sne.s32 s18, $0x50;
	v2 =	vadd.s32 $0x7530, v2  }
.Ltmp5:
0x9f: {  	_ = 	snop;
	(pc) =	sbr.rel @p0 .LBB2_10-.Ltmp5, $3  }
0xa0: {  	_ = 	snop  }
0xa1: {  	v1 =	vmul.f32 v1, v3;
	_ =	sdelay $0x1  }
0xa2: {  	[tilespmem:v2+s16+$0x0] =	vst.idx.add.f32.msk $0xffff, v1  }
0xa3: {  	s17 =	sadd.s32 $0x1, s17  }
0xa4: {  	p0 =	sne.s32 s17, s11  }
.Ltmp6:
0xa5: {  	_ = 	snop;
	(pc) =	sbr.rel @p0 .LBB2_1-.Ltmp6, $4  }
0xa6: {  	[hbm4b:s10+s1] =	stream.linear.scatter [tilespmem:s16], [sflag:$0x1], $0x9C40, $0x38;
	[tilespmem:$0x16760] =	vst v63  }
0xa7: {  	_ =	swait.ge [sflag:s5], $0x9C40  }
0xa8: {  	[sflag:s5] =	ssyncset.done $0x0  }
0xa9: {  	[sflag:s5] =	ssyncadd.s32 $0xFFFF63C0  }
0xaa: {  	_ =	sfence.sel $0x180000  }
0xab: {  	[bflag:$0x0] =	sbarrier.arrive $0xFFFF  }
0xac: {  	p0 =	sne.s32 s2, $0x0;
	_ =	strace $0x9000004D  }
0xad: {  	s0 =	sadd.s32 @!p0 $0x100000, s0;
	[bflag:$0x2] =	sbarrier.arrive $0xFFFF  }
0xae: {  	[sflag:s0] =	ssyncadd.tile.s32 @!p0 $0x1;
	_ =	shalt  }
.Lfunc_end2:
_tile_overlayer_lowered:
.L_overlay_start_2:
0xaf: {  	(tag) =	ssettag $0x2  }
0xb0: {  	s0 =	rddreg [dreg:$0x0];
	s2 =	stileid.u32  }
0xb1: {  	s1 =	rddreg [dreg:$0x1];
	p0 =	sne.s32 s2, $0x0  }
0xb2: {  	s3 =	rddreg [dreg:$0x2];
	[bflag:$0x3] =	sbarrier.arrive $0xFFFF;
	s2 =	simm.s32 @!p0 $0x1C01  }
0xb3: {  	[timem:s3], [sflag:s2] =	dma.local @!p0 [hbm:s0], s1  }
0xb4: {  	s0 =	simm.s32 @!p0 $0x1  }
0xb5: {  	_ =	swait.ge @!p0 [sflag:s0], s1  }
0xb6: {  	s1 =	ssub.s32 @!p0 $0x0, s1;
	[sflag:s0] =	ssyncset.done @!p0 $0x0  }
0xb7: {  	[sflag:s0] =	ssyncadd.s32 @!p0 s1  }
0xb8: {  	[bflag:$0x3] =	sbarrier.arrive $0xFFFF  }
0xb9: {  	_ =	shalt  }

// kernel: kernel.21.cloned.1.call-start
scs
__scs_entry_jumppad:
0x0: {  	(pc) =	sbr.rel $0x88, $3  }
0x1: {  	(tag) =	ssettag $0x0;
	lr =	simm.s32 $0x1  }
0x2: {  	[smem:$0x3F8D] =	sst lr;
	_ =	strace $0xD0000000  }
0x3: {  	_ = 	snop  }
0x4: {  	_ = 	snop  }
0x5: {  	_ = 	snop  }
0x6: {  	_ = 	snop  }
0x7: {  	_ = 	snop  }
__scs_overlays_trampoline_lowered:
0x8: {  	[smem:$0x3F9C] =	sst s0  }
0x9: {  	[smem:$0x3F9D] =	sst s1  }
0xa: {  	[smem:$0x3F9E] =	sst s2  }
0xb: {  	[smem:$0x3F9F] =	sst s3  }
0xc: {  	[smem:$0x3FA0] =	sst s4  }
0xd: {  	[smem:$0x3FA1] =	sst s5  }
0xe: {  	[smem:$0x3FA2] =	sst s6  }
0xf: {  	[smem:$0x3FA3] =	sst s7  }
0x10: {  	[smem:$0x3FA4] =	sst s8  }
0x11: {  	[smem:$0x3FA5] =	sst s9;
	s0 =	simm.s32 @!p0 $0x0  }
0x12: {  	s1 =	sld [smem:$0x3F8B];
	s0 =	simm.s32 @p0 $0x1  }
0x13: {  	[smem:$0x3FA6] =	sst s0;
	s0 =	simm.s32 @!p1 $0x0  }
0x14: {  	s2 =	sld [smem:$0x3F8A];
	s0 =	simm.s32 @p1 $0x1  }
0x15: {  	[smem:$0x3FA7] =	sst s0;
	s0 =	simm.s32 @!p2 $0x0  }
0x16: {  	s3 =	sld [smem:$0x3FDB];
	s0 =	simm.s32 @p2 $0x1  }
0x17: {  	s4 =	simm.s32 $0x1BF5;
	[smem:$0x3FA9] =	sst s0  }
0x18: {  	s0 =	sld [smem:$0x3F8C];
	_ =	swait.ge [sflag:s4], $0x0  }
0x19: {  	s7 =	sld [smem:$0x3F8D]  }
0x1a: {  	s8 =	sadd.s32 $0xFFFFE003, lr  }
0x1b: {  	s9 =	sadd.s32 $0xFFFFFEF7, lr;
	s5 =	simm.s32 $0xFFFFFFFF;
	p2 =	slt.u32 s8, $0xFFFFF086  }
0x1c: {  	p1 =	slt.u32 s9, $0xF7A;
	s5 =	simm.s32 @!p2 $0x0  }
0x1d: {  	s5 =	simm.s32 @p1 $0x1;
	p0 =	seq.s32 s7, s2  }
0x1e: {  	s7 =	smul.u32 @!p0 $0xF7A, s2;
	p2 =	seq.s32 @!p0 s5, $0x0  }
0x1f: {  	s9 =	smul.u32 $0xF7A, s1;
	s8 =	simm.s32 @!p0 $0x1BF5;
	p2 =	por !p2, p0  }
0x20: {  	[sflag:s8] =	ssyncset.s32 @!p0 $0xFFFFF086;
	s6 =	sadd.s32 @!p0 s3, s7;
	s7 =	simm.s32 @!p0 $0x108  }
0x21: {  	s3 =	sadd.s32 s3, s9;
	s6 =	sadd.s32 @!p0 $0x88, s6;
	s7 =	simm.s32 @p2 $0x1082  }
0x22: {  	[simem:s7], [sflag:s8] =	dma.local @!p0 [hbm:s6], $0xF7A  }
0x23: {  	s9 =	sor.u32 $0xD0000000, s2;
	s6 =	simm.s32 $0x108;
	_ =	swait.ge @!p0 [sflag:s8], $0x0  }
0x24: {  	s3 =	sadd.s32 $0x88, s3;
	s6 =	simm.s32 @!p1 $0x1082;
	[sflag:s4] =	ssyncset.s32 $0xFFFFF086  }
0x25: {  	[simem:s6], [sflag:s4] =	dma.local [hbm:s3], $0xF7A  }
0x26: {  	[smem:$0x3F8D] =	sst s1;
	(tag) =	ssettag s2;
	_ =	strace s9  }
0x27: {  	s1 =	sld [smem:$0x3F9D]  }
0x28: {  	s2 =	sld [smem:$0x3F9E]  }
0x29: {  	s4 =	sld [smem:$0x3FA0]  }
0x2a: {  	p0 =	seq.s32 s5, $0x0;
	s5 =	sld [smem:$0x3FA1]  }
0x2b: {  	s6 =	sld [smem:$0x3FA2]  }
0x2c: {  	s7 =	sld [smem:$0x3FA3]  }
0x2d: {  	s3 =	simm.s32 $0x108;
	s8 =	sld [smem:$0x3FA4]  }
0x2e: {  	s3 =	simm.s32 @!p0 $0x1082;
	s9 =	sld [smem:$0x3FA5]  }
0x2f: {  	lr =	sadd.s32 s0, s3;
	s0 =	sld [smem:$0x3F9C]  }
0x30: {  	s3 =	sld [smem:$0x3F9F]  }
0x31: {  	[smem:$0x3FA8] =	sst s10  }
0x32: {  	s10 =	sld [smem:$0x3FA6];
	_ =	sdelay $0x3  }
0x33: {  	p0 =	seq.s32 s10, $0x1;
	s10 =	sld [smem:$0x3FA8];
	_ =	sdelay $0x3  }
0x34: {  	[smem:$0x3FA8] =	sst s10  }
0x35: {  	s10 =	sld [smem:$0x3FA7];
	_ =	sdelay $0x3  }
0x36: {  	p1 =	seq.s32 s10, $0x1;
	s10 =	sld [smem:$0x3FA8];
	_ =	sdelay $0x3  }
0x37: {  	[smem:$0x3FA8] =	sst s10  }
0x38: {  	s10 =	sld [smem:$0x3FA9]  }
0x39: {  	_ = 	snop;
	(pc) =	sbr.ind lr, $3  }
0x3a: {  	_ = 	snop  }
0x3b: {  	_ = 	snop  }
0x3c: {  	p2 =	seq.s32 s10, $0x1;
	s10 =	sld [smem:$0x3FA8]  }
0x3d: {  	_ =	shalt  }
0x3e: {  	_ =	shalt  }
0x3f: {  	_ =	shalt  }
0x40: {  	_ =	shalt  }
0x41: {  	_ =	shalt  }
0x42: {  	_ =	shalt  }
0x43: {  	_ =	shalt  }
0x44: {  	_ =	shalt  }
0x45: {  	_ =	shalt  }
0x46: {  	_ =	shalt  }
0x47: {  	_ =	shalt  }
0x48: {  	_ =	shalt  }
0x49: {  	_ =	shalt  }
0x4a: {  	_ =	shalt  }
0x4b: {  	_ =	shalt  }
0x4c: {  	_ =	shalt  }
0x4d: {  	_ =	shalt  }
0x4e: {  	_ =	shalt  }
0x4f: {  	_ =	shalt  }
0x50: {  	_ =	shalt  }
0x51: {  	_ =	shalt  }
0x52: {  	_ =	shalt  }
0x53: {  	_ =	shalt  }
0x54: {  	_ =	shalt  }
0x55: {  	_ =	shalt  }
0x56: {  	_ =	shalt  }
0x57: {  	_ =	shalt  }
0x58: {  	_ =	shalt  }
0x59: {  	_ =	shalt  }
0x5a: {  	_ =	shalt  }
0x5b: {  	_ =	shalt  }
0x5c: {  	_ =	shalt  }
0x5d: {  	_ =	shalt  }
0x5e: {  	_ =	shalt  }
0x5f: {  	_ =	shalt  }
0x60: {  	_ =	shalt  }
0x61: {  	_ =	shalt  }
0x62: {  	_ =	shalt  }
0x63: {  	_ =	shalt  }
0x64: {  	_ =	shalt  }
0x65: {  	_ =	shalt  }
0x66: {  	_ =	shalt  }
0x67: {  	_ =	shalt  }
0x68: {  	_ =	shalt  }
0x69: {  	_ =	shalt  }
0x6a: {  	_ =	shalt  }
0x6b: {  	_ =	shalt  }
0x6c: {  	_ =	shalt  }
0x6d: {  	_ =	shalt  }
0x6e: {  	_ =	shalt  }
0x6f: {  	_ =	shalt  }
0x70: {  	_ =	shalt  }
0x71: {  	_ =	shalt  }
0x72: {  	_ =	shalt  }
0x73: {  	_ =	shalt  }
0x74: {  	_ =	shalt  }
0x75: {  	_ =	shalt  }
0x76: {  	_ =	shalt  }
0x77: {  	_ =	shalt  }
0x78: {  	_ =	shalt  }
0x79: {  	_ =	shalt  }
0x7a: {  	_ =	shalt  }
0x7b: {  	_ =	shalt  }
0x7c: {  	_ =	shalt  }
0x7d: {  	_ =	shalt  }
0x7e: {  	_ =	shalt  }
0x7f: {  	_ =	shalt  }
0x80: {  	_ =	shalt  }
0x81: {  	_ =	shalt  }
0x82: {  	_ =	shalt  }
0x83: {  	_ =	shalt  }
0x84: {  	_ =	shalt  }
0x85: {  	_ =	shalt  }
0x86: {  	_ =	shalt  }
0x87: {  	_ =	shalt  }
.Lfunc_end0:
.L_simem_size_0:
called_computation.3_lowered:
.L_overlay_start_0:
0x88: {  	s2 =	sld [smem:$0x3FD9]  }
0x89: {  	s3 =	sld [smem:$0x3FFE];
	_ =	sdelay $0x1  }
0x8a: {  	s1 =	srdreg.scid  }
0x8b: {  	s0 =	sand.u32 $0x1, s1  }
0x8c: {  	s16 =	sshll.u32 s0, $0xA;
	s2 =	sadd.s32 s3, s2  }
0x8d: {  	s2 =	sadd.s32 s2, s16  }
0x8e: {  	[smem:$0x3FB4] =	sst s2  }
0x8f: {  	_ = 	snop  }
0x90: {  	(tm) =	ssettm $0x1  }
0x91: {  	s17 =	sld [smem:$0x3FFB];
	_ =	sdelay $0x3  }
0x92: {  	_ =	strace s17  }
0x93: {  	s2 =	sld [smem:$0x3FFC];
	_ =	sdelay $0x3  }
0x94: {  	_ =	strace s2  }
0x95: {  	s2 =	sld [smem:$0x3FFD];
	_ =	sdelay $0x3  }
0x96: {  	_ =	strace s2  }
0x97: {  	_ =	strace $0x8FFFFFFF  }
0x98: {  	s18 =	sld [smem:$0x3FDB];
	_ =	sdelay $0x1  }
0x99: {  	s19 =	simm.s32 $_scs_section_size  }
0x9a: {  	s4 =	simm.s32 $_size__tile_overlayer_lowered;
	s5 =	simm.s32 $_tile_overlayer_lowered  }
0x9b: {  	s22 =	simm.s32 $0x1BFF;
	s21 =	sshll.u32 s5, $0x1;
	s2 =	sadd.s32 s19, s18  }
0x9c: {  	s6 =	simm.s32 $0x0;
	s20 =	sshll.u32 s4, $0x1;
	s4 =	sadd.s32 s21, s2  }
0x9d: {  	[timem:s6], [sflag:s22] =	dma.local [hbm:s4], s20  }
0x9e: {  	_ =	swait.ge [sflag:s22], s20  }
0x9f: {  	s3 =	ssub.s32 $0x0, s20;
	[sflag:s22] =	ssyncset.done $0x0  }
0xa0: {  	[sflag:s22] =	ssyncadd.s32 s3;
	_ =	sdelay $0x1  }
0xa1: {  	s23 =	simm.s32 $0x1B8B  }
0xa2: {  	_ =	swait.ge [sflag:s23], $0x1  }
0xa3: {  	[sflag:s23] =	ssyncset.done $0x0  }
0xa4: {  	s25 =	simm.s32 $0x1B8E;
	s24 =	sld [smem:$0x3FFE];
	[sflag:s23] =	ssyncadd.s32 $0xFFFFFFFF  }
0xa5: {  	s26 =	simm.s32 $execute0_lowered;
	[smem:$0x3FD2] =	sst s25  }
0xa6: {  	s4 =	sshll.u32 s26, $0x1;
	_ =	strace $0x8000004F;
	[dreg:$0x1] =	wrdreg $0xFFFFFFFF  }
0xa7: {  	s28 =	simm.s32 $_size_execute0_lowered;
	s2 =	sadd.s32 s2, s4;
	[dreg:$0x0] =	wrdreg $0x0  }
0xa8: {  	s4 =	sshll.u32 s28, $0x1;
	[dreg:$0x2] =	wrdreg s2  }
0xa9: {  	[dreg:$0x3] =	wrdreg s4  }
0xaa: {  	[dreg:$0x4] =	wrdreg $0xC0  }
0xab: {  	_ =	task [dreg:s6], $0x5FFFF  }
0xac: {  	[dreg:$0x1] =	wrdreg $0xFFFFFFFF  }
0xad: {  	[dreg:$0x0] =	wrdreg $0x60  }
0xae: {  	[dreg:$0x2] =	wrdreg s24  }
0xaf: {  	[dreg:$0x3] =	wrdreg $0x9  }
0xb0: {  	_ =	task.clear_ibuf [dreg:s6], $0x4FFFF;
	_ =	strace $0x9000004F  }
0xb1: {  	s29 =	simm.s32 $0x9;
	_ =	strace $0x80000051  }
0xb2: {  	_ =	swait.ge [sflag:s29], $0x1  }
0xb3: {  	[sflag:s29] =	ssyncadd.s32 $0xFFFFFFFF  }
0xb4: {  	_ =	strace $0x90000051  }
0xb5: {  	_ =	sfence  }
0xb6: {  	s30 =	sld [smem:$0x0];
	_ =	sdelay $0x2  }
0xb7: {  	s31 =	sshll.u32 s1, $0xD;
	s1 =	sshrl.u32 s1, $0x2  }
0xb8: {  	s3 =	sand.u32 $0x4000, s31;
	s1 =	sadd.s32 s1, s30  }
0xb9: {  	s0 =	sor.u32 s3, s0;
	s1 =	sshll.u32 s1, $0x11  }
0xba: {  	s0 =	sor.u32 s1, s0  }
0xbb: {  	s0 =	sadd.s32 $0x8F2B, s0  }
0xbc: {  	[sflag:s0] =	ssyncadd.remote.s32 $0x1  }
0xbd: {  	_ =	sfence.sel $0xFFFF  }
0xbe: {  	[dreg:$0x0] =	wrdreg $0xFFFFFFFF;
	(pc) =	sbr.abs _section_cstart, $3  }
0xbf: {  	[dreg:$0x1] =	wrdreg $0xFFFFFFFF  }
0xc0: {  	_ =	task.clear_ibuf [dreg:s6], $0x2FFFF;
	_ =	strace $0x9FFFFFFF  }
0xc1: {  	(tm) =	ssettm $0x7FFFFFFF  }
tec
execute0_lowered:
.L_overlay_start_1:
0x0: {  	(tag) =	ssettag $0x1  }
0x1: {  	s0 =	srdreg.scid  }
0x2: {  	s4 =	rddreg [dreg:$0x0];
	s1 =	stileid.u32;
	s2 =	simm.s32 $0x0  }
0x3: {  	s8 =	simm.s32 $0x1;
	s9 =	simm.s32 $0x2710;
	s3 =	sand.u32 $0x1, s0  }
0x4: {  	s10 =	simm.s32 $0x4E200;
	s11 =	simm.s32 $0x9C40;
	s5 =	sshll.u32 s3, $0x4  }
0x5: {  	s12 =	simm.s32 $0x0;
	s0 =	rddreg [dreg:$0x1];
	s5 =	sor.u32 s1, s5  }
0x6: {  	[smem:$0x7FF] =	sst s2;
	s6 =	ssub.s32 $0x2, s3;
	s5 =	smul.u32 $0x4E2, s5  }
0x7: {  	_ =	strace $0x80000050;
	s3 =	sadd.s32 $0x17400, s4;
	s7 =	sshrl.u32 s6, $0x1  }
0x8: {  	s6 =	ssub.s32 s6, s7;
	s7 =	simm.s32 $0x4E20;
	s5 =	sadd.s32 s5, s4  }
0x9: {  	v0 =	vimm.f32 $0.0e+00;
	s6 =	smax.u32 s6, $0x1;
	s4 =	sadd.s32 $0x3A00, s5;
	s5 =	sadd.s32 $0x17E00, s5  }
.LBB2_1:
0xa: {  	[tilespmem:s7], [sflag:$0x1] =	stream.linear.gather [hbm4b:s3+s2], $0x4E20, $0x38;
	[tilespmem:$0xC350] =	vst v63  }
0xb: {  	_ =	swait.ge [sflag:s8], $0x4E20  }
0xc: {  	[sflag:s8] =	ssyncset.done $0x0  }
0xd: {  	s13 =	simm.s32 $0x40;
	s14 =	simm.s32 $0x0;
	[sflag:s8] =	ssyncadd.s32 $0xFFFFB1E0  }
.LBB2_2:
0xe: {  	p0 =	sne.s32 s13, $0x9C00;
	[tilespmem:s14+$0x9C40] =	vst v0;
	s14 =	smov.u32 s13;
	s13 =	sadd.s32 $0x40, s13  }
.Ltmp0:
0xf: {  	(pc) =	sbr.rel @p0 .LBB2_2-.Ltmp0, $2  }
0x10: {  	_ =	sdelay $0x2  }
0x11: {  	s14 =	sshra.s32 s14, $0x2  }
0x12: {  	[tilespmem:s14+$0x9C40] =	vst v0;
	s13 =	simm.s32 $0x0  }
0x13: {  	[tilespmem:s13], [sflag:$0x1] =	stream.strided.gather [hbm4b:s4+s9], $0x4E20, s10, s9, $0x38;
	[tilespmem:$0xC350] =	vst v63  }
0x14: {  	_ =	swait.ge [sflag:s8], $0x4E20  }
0x15: {  	[sflag:s8] =	ssyncset.done $0x0  }
0x16: {  	s14 =	simm.s32 $0x0;
	s13 =	simm.s32 $0x40;
	[sflag:s8] =	ssyncadd.s32 $0xFFFFB1E0  }
.LBB2_4:
0x17: {  	p0 =	sne.s32 s13, $0x9C00;
	v1 =	vld [tilespmem:s14+$0x2710]  }
0x18: {  	v2 =	vld [tilespmem:s14+$0x0];
	_ =	sdelay $0x3  }
0x19: {  	v3 =	vadd.s32 $0x2710, v1;
	_ =	sdelay $0x3  }
0x1a: {  	v2 =	vld.idx.msk [tilespmem:v2+s7+$0x0], $0xffff  }
0x1b: {  	v3 =	vld.idx.msk [tilespmem:v3+s7+$0x0], $0xffff;
	_ =	sdelay $0x5  }
0x1c: {  	v2 =	vadd.f32 v3, v2;
	_ =	sdelay $0x1  }
0x1d: {  	v3 =	vmul.f32 $2.000000030e-01, v2  }
0x1e: {  	vm0 =	vge.f32 v2, $0.0e+00  }
0x1f: {  	v2 =	vsel vm0, v2, v3  }
0x20: {  	v2 =	vmul.f32 $1.442695020e+00, v2;
	_ =	sdelay $0x1  }
0x21: {  	(erf) = vpow2.f32 v2;
	_ =	sdelay $0x5  }
.Ltmp1:
0x22: {  	(pc) =	sbr.rel @p0 .LBB2_4-.Ltmp1, $3  }
0x23: {  	_ =	sdelay $0x1  }
0x24: {  	v2 =	vpop (erf)  }
0x25: {  	s14 =	sshra.s32 s13, $0x2;
	s13 =	sadd.s32 $0x40, s13;
	[tilespmem:v1+s11+$0x0] =	vst.idx.add.f32.msk $0xffff, v2  }
0x26: {  	v1 =	vld [tilespmem:s14+$0x2710]  }
0x27: {  	v2 =	vld [tilespmem:s14+$0x0];
	_ =	sdelay $0x3  }
0x28: {  	v3 =	vadd.s32 $0x2710, v1;
	_ =	sdelay $0x3  }
0x29: {  	v2 =	vld.idx.msk [tilespmem:v2+s7+$0x0], $0xffff  }
0x2a: {  	v3 =	vld.idx.msk [tilespmem:v3+s7+$0x0], $0xffff;
	_ =	sdelay $0x4  }
0x2b: {  	v2 =	vadd.f32 v3, v2;
	_ =	sdelay $0x1  }
0x2c: {  	v3 =	vmul.f32 $2.000000030e-01, v2  }
0x2d: {  	vm0 =	vge.f32 v2, $0.0e+00  }
0x2e: {  	v2 =	vsel vm0, v2, v3  }
0x2f: {  	v2 =	vmul.f32 $1.442695020e+00, v2;
	_ =	sdelay $0x1  }
0x30: {  	(erf) = vpow2.f32 v2;
	_ =	sdelay $0x7  }
0x31: {  	s12 =	sadd.s32 $0x1, s12  }
0x32: {  	p0 =	sne.s32 s12, s6;
	v2 =	vpop (erf)  }
.Ltmp2:
0x33: {  	[tilespmem:v1+s11+$0x0] =	vst.idx.add.f32.msk $0xffff, v2;
	(pc) =	sbr.rel @p0 .LBB2_1-.Ltmp2, $4  }
0x34: {  	[hbm4b:s5+s2] =	stream.linear.scatter [tilespmem:s11], [sflag:$0x1], $0x2710, $0x38;
	[tilespmem:$0xC350] =	vst v63  }
0x35: {  	_ =	swait.ge [sflag:s8], $0x2710  }
0x36: {  	[sflag:s8] =	ssyncset.done $0x0  }
0x37: {  	[sflag:s8] =	ssyncadd.s32 $0xFFFFD8F0  }
0x38: {  	_ =	sfence.sel $0x180000  }
0x39: {  	[bflag:$0x0] =	sbarrier.arrive $0xFFFF  }
0x3a: {  	p0 =	sne.s32 s1, $0x0;
	_ =	strace $0x90000050  }
0x3b: {  	s0 =	sadd.s32 @!p0 $0x100000, s0;
	[bflag:$0x2] =	sbarrier.arrive $0xFFFF  }
0x3c: {  	[sflag:s0] =	ssyncadd.tile.s32 @!p0 $0x1;
	_ =	shalt  }
.Lfunc_end2:
_tile_overlayer_lowered:
.L_overlay_start_2:
0x3d: {  	(tag) =	ssettag $0x2  }
0x3e: {  	s0 =	rddreg [dreg:$0x0];
	s2 =	stileid.u32  }
0x3f: {  	s1 =	rddreg [dreg:$0x1];
	p0 =	sne.s32 s2, $0x0  }
0x40: {  	s3 =	rddreg [dreg:$0x2];
	[bflag:$0x3] =	sbarrier.arrive $0xFFFF;
	s2 =	simm.s32 @!p0 $0x1C01  }
0x41: {  	[timem:s3], [sflag:s2] =	dma.local @!p0 [hbm:s0], s1  }
0x42: {  	s0 =	simm.s32 @!p0 $0x1  }
0x43: {  	_ =	swait.ge @!p0 [sflag:s0], s1  }
0x44: {  	s1 =	ssub.s32 @!p0 $0x0, s1;
	[sflag:s0] =	ssyncset.done @!p0 $0x0  }
0x45: {  	[sflag:s0] =	ssyncadd.s32 @!p0 s1  }
0x46: {  	[bflag:$0x3] =	sbarrier.arrive $0xFFFF  }
0x47: {  	_ =	shalt  }

// kernel: kernel.24.cloned.1.call-start
scs
__scs_entry_jumppad:
0x0: {  	(pc) =	sbr.rel $0x88, $3  }
0x1: {  	(tag) =	ssettag $0x0;
	lr =	simm.s32 $0x1  }
0x2: {  	[smem:$0x3F8D] =	sst lr;
	_ =	strace $0xD0000000  }
0x3: {  	_ = 	snop  }
0x4: {  	_ = 	snop  }
0x5: {  	_ = 	snop  }
0x6: {  	_ = 	snop  }
0x7: {  	_ = 	snop  }
__scs_overlays_trampoline_lowered:
0x8: {  	[smem:$0x3F9C] =	sst s0  }
0x9: {  	[smem:$0x3F9D] =	sst s1  }
0xa: {  	[smem:$0x3F9E] =	sst s2  }
0xb: {  	[smem:$0x3F9F] =	sst s3  }
0xc: {  	[smem:$0x3FA0] =	sst s4  }
0xd: {  	[smem:$0x3FA1] =	sst s5  }
0xe: {  	[smem:$0x3FA2] =	sst s6  }
0xf: {  	[smem:$0x3FA3] =	sst s7  }
0x10: {  	[smem:$0x3FA4] =	sst s8  }
0x11: {  	[smem:$0x3FA5] =	sst s9;
	s0 =	simm.s32 @!p0 $0x0  }
0x12: {  	s1 =	sld [smem:$0x3F8B];
	s0 =	simm.s32 @p0 $0x1  }
0x13: {  	[smem:$0x3FA6] =	sst s0;
	s0 =	simm.s32 @!p1 $0x0  }
0x14: {  	s2 =	sld [smem:$0x3F8A];
	s0 =	simm.s32 @p1 $0x1  }
0x15: {  	[smem:$0x3FA7] =	sst s0;
	s0 =	simm.s32 @!p2 $0x0  }
0x16: {  	s3 =	sld [smem:$0x3FDB];
	s0 =	simm.s32 @p2 $0x1  }
0x17: {  	s4 =	simm.s32 $0x1BF5;
	[smem:$0x3FA9] =	sst s0  }
0x18: {  	s0 =	sld [smem:$0x3F8C];
	_ =	swait.ge [sflag:s4], $0x0  }
0x19: {  	s7 =	sld [smem:$0x3F8D]  }
0x1a: {  	s8 =	sadd.s32 $0xFFFFE003, lr  }
0x1b: {  	s9 =	sadd.s32 $0xFFFFFEF7, lr;
	s5 =	simm.s32 $0xFFFFFFFF;
	p2 =	slt.u32 s8, $0xFFFFF086  }
0x1c: {  	p1 =	slt.u32 s9, $0xF7A;
	s5 =	simm.s32 @!p2 $0x0  }
0x1d: {  	s5 =	simm.s32 @p1 $0x1;
	p0 =	seq.s32 s7, s2  }
0x1e: {  	s7 =	smul.u32 @!p0 $0xF7A, s2;
	p2 =	seq.s32 @!p0 s5, $0x0  }
0x1f: {  	s9 =	smul.u32 $0xF7A, s1;
	s8 =	simm.s32 @!p0 $0x1BF5;
	p2 =	por !p2, p0  }
0x20: {  	[sflag:s8] =	ssyncset.s32 @!p0 $0xFFFFF086;
	s6 =	sadd.s32 @!p0 s3, s7;
	s7 =	simm.s32 @!p0 $0x108  }
0x21: {  	s3 =	sadd.s32 s3, s9;
	s6 =	sadd.s32 @!p0 $0x88, s6;
	s7 =	simm.s32 @p2 $0x1082  }
0x22: {  	[simem:s7], [sflag:s8] =	dma.local @!p0 [hbm:s6], $0xF7A  }
0x23: {  	s9 =	sor.u32 $0xD0000000, s2;
	s6 =	simm.s32 $0x108;
	_ =	swait.ge @!p0 [sflag:s8], $0x0  }
0x24: {  	s3 =	sadd.s32 $0x88, s3;
	s6 =	simm.s32 @!p1 $0x1082;
	[sflag:s4] =	ssyncset.s32 $0xFFFFF086  }
0x25: {  	[simem:s6], [sflag:s4] =	dma.local [hbm:s3], $0xF7A  }
0x26: {  	[smem:$0x3F8D] =	sst s1;
	(tag) =	ssettag s2;
	_ =	strace s9  }
0x27: {  	s1 =	sld [smem:$0x3F9D]  }
0x28: {  	s2 =	sld [smem:$0x3F9E]  }
0x29: {  	s4 =	sld [smem:$0x3FA0]  }
0x2a: {  	p0 =	seq.s32 s5, $0x0;
	s5 =	sld [smem:$0x3FA1]  }
0x2b: {  	s6 =	sld [smem:$0x3FA2]  }
0x2c: {  	s7 =	sld [smem:$0x3FA3]  }
0x2d: {  	s3 =	simm.s32 $0x108;
	s8 =	sld [smem:$0x3FA4]  }
0x2e: {  	s3 =	simm.s32 @!p0 $0x1082;
	s9 =	sld [smem:$0x3FA5]  }
0x2f: {  	lr =	sadd.s32 s0, s3;
	s0 =	sld [smem:$0x3F9C]  }
0x30: {  	s3 =	sld [smem:$0x3F9F]  }
0x31: {  	[smem:$0x3FA8] =	sst s10  }
0x32: {  	s10 =	sld [smem:$0x3FA6];
	_ =	sdelay $0x3  }
0x33: {  	p0 =	seq.s32 s10, $0x1;
	s10 =	sld [smem:$0x3FA8];
	_ =	sdelay $0x3  }
0x34: {  	[smem:$0x3FA8] =	sst s10  }
0x35: {  	s10 =	sld [smem:$0x3FA7];
	_ =	sdelay $0x3  }
0x36: {  	p1 =	seq.s32 s10, $0x1;
	s10 =	sld [smem:$0x3FA8];
	_ =	sdelay $0x3  }
0x37: {  	[smem:$0x3FA8] =	sst s10  }
0x38: {  	s10 =	sld [smem:$0x3FA9]  }
0x39: {  	_ = 	snop;
	(pc) =	sbr.ind lr, $3  }
0x3a: {  	_ = 	snop  }
0x3b: {  	_ = 	snop  }
0x3c: {  	p2 =	seq.s32 s10, $0x1;
	s10 =	sld [smem:$0x3FA8]  }
0x3d: {  	_ =	shalt  }
0x3e: {  	_ =	shalt  }
0x3f: {  	_ =	shalt  }
0x40: {  	_ =	shalt  }
0x41: {  	_ =	shalt  }
0x42: {  	_ =	shalt  }
0x43: {  	_ =	shalt  }
0x44: {  	_ =	shalt  }
0x45: {  	_ =	shalt  }
0x46: {  	_ =	shalt  }
0x47: {  	_ =	shalt  }
0x48: {  	_ =	shalt  }
0x49: {  	_ =	shalt  }
0x4a: {  	_ =	shalt  }
0x4b: {  	_ =	shalt  }
0x4c: {  	_ =	shalt  }
0x4d: {  	_ =	shalt  }
0x4e: {  	_ =	shalt  }
0x4f: {  	_ =	shalt  }
0x50: {  	_ =	shalt  }
0x51: {  	_ =	shalt  }
0x52: {  	_ =	shalt  }
0x53: {  	_ =	shalt  }
0x54: {  	_ =	shalt  }
0x55: {  	_ =	shalt  }
0x56: {  	_ =	shalt  }
0x57: {  	_ =	shalt  }
0x58: {  	_ =	shalt  }
0x59: {  	_ =	shalt  }
0x5a: {  	_ =	shalt  }
0x5b: {  	_ =	shalt  }
0x5c: {  	_ =	shalt  }
0x5d: {  	_ =	shalt  }
0x5e: {  	_ =	shalt  }
0x5f: {  	_ =	shalt  }
0x60: {  	_ =	shalt  }
0x61: {  	_ =	shalt  }
0x62: {  	_ =	shalt  }
0x63: {  	_ =	shalt  }
0x64: {  	_ =	shalt  }
0x65: {  	_ =	shalt  }
0x66: {  	_ =	shalt  }
0x67: {  	_ =	shalt  }
0x68: {  	_ =	shalt  }
0x69: {  	_ =	shalt  }
0x6a: {  	_ =	shalt  }
0x6b: {  	_ =	shalt  }
0x6c: {  	_ =	shalt  }
0x6d: {  	_ =	shalt  }
0x6e: {  	_ =	shalt  }
0x6f: {  	_ =	shalt  }
0x70: {  	_ =	shalt  }
0x71: {  	_ =	shalt  }
0x72: {  	_ =	shalt  }
0x73: {  	_ =	shalt  }
0x74: {  	_ =	shalt  }
0x75: {  	_ =	shalt  }
0x76: {  	_ =	shalt  }
0x77: {  	_ =	shalt  }
0x78: {  	_ =	shalt  }
0x79: {  	_ =	shalt  }
0x7a: {  	_ =	shalt  }
0x7b: {  	_ =	shalt  }
0x7c: {  	_ =	shalt  }
0x7d: {  	_ =	shalt  }
0x7e: {  	_ =	shalt  }
0x7f: {  	_ =	shalt  }
0x80: {  	_ =	shalt  }
0x81: {  	_ =	shalt  }
0x82: {  	_ =	shalt  }
0x83: {  	_ =	shalt  }
0x84: {  	_ =	shalt  }
0x85: {  	_ =	shalt  }
0x86: {  	_ =	shalt  }
0x87: {  	_ =	shalt  }
.Lfunc_end0:
.L_simem_size_0:
called_computation.4_lowered:
.L_overlay_start_0:
0x88: {  	s2 =	sld [smem:$0x3FD9]  }
0x89: {  	s3 =	sld [smem:$0x3FFE];
	_ =	sdelay $0x1  }
0x8a: {  	s1 =	srdreg.scid  }
0x8b: {  	s0 =	sand.u32 $0x1, s1  }
0x8c: {  	s17 =	sshll.u32 s0, $0xA;
	s2 =	sadd.s32 s3, s2  }
0x8d: {  	s2 =	sadd.s32 s2, s17  }
0x8e: {  	[smem:$0x3FB4] =	sst s2  }
0x8f: {  	_ = 	snop  }
0x90: {  	s2 =	sld [smem:$0x3FD0];
	(tm) =	ssettm $0x1  }
0x91: {  	s18 =	sld [smem:$0x3FFB];
	_ =	sdelay $0x3  }
0x92: {  	_ =	strace s18  }
0x93: {  	s3 =	sld [smem:$0x3FFC];
	_ =	sdelay $0x3  }
0x94: {  	_ =	strace s3  }
0x95: {  	s3 =	sld [smem:$0x3FFD];
	_ =	sdelay $0x3  }
0x96: {  	_ =	strace s3  }
0x97: {  	_ =	strace $0x8FFFFFFF  }
0x98: {  	s19 =	sld [smem:$0x3FDB];
	_ =	sdelay $0x1  }
0x99: {  	s4 =	simm.s32 $_scs_section_size  }
0x9a: {  	s5 =	simm.s32 $_size__tile_overlayer_lowered;
	s6 =	simm.s32 $_tile_overlayer_lowered  }
0x9b: {  	s22 =	simm.s32 $0x1BFF;
	s21 =	sshll.u32 s6, $0x1;
	s3 =	sadd.s32 s4, s19  }
0x9c: {  	s7 =	simm.s32 $0x0;
	s20 =	sshll.u32 s5, $0x1;
	s5 =	sadd.s32 s21, s3  }
0x9d: {  	[timem:s7], [sflag:s22] =	dma.local [hbm:s5], s20  }
0x9e: {  	_ =	swait.ge [sflag:s22], s20  }
0x9f: {  	s4 =	ssub.s32 $0x0, s20;
	[sflag:s22] =	ssyncset.done $0x0  }
0xa0: {  	[sflag:s22] =	ssyncadd.s32 s4;
	_ =	sdelay $0x1  }
0xa1: {  	s23 =	simm.s32 $0x1B8B  }
0xa2: {  	_ =	swait.ge [sflag:s23], $0x1  }
0xa3: {  	[sflag:s23] =	ssyncset.done $0x0  }
0xa4: {  	s25 =	simm.s32 $0x1B8E;
	s24 =	sld [smem:$0x3FFE];
	[sflag:s23] =	ssyncadd.s32 $0xFFFFFFFF  }
0xa5: {  	s26 =	simm.s32 $execute0_lowered;
	[smem:$0x3FD2] =	sst s25  }
0xa6: {  	s5 =	sshll.u32 s26, $0x1;
	_ =	strace $0x80000052;
	[dreg:$0x1] =	wrdreg $0xFFFFFFFF  }
0xa7: {  	s28 =	simm.s32 $_size_execute0_lowered;
	s3 =	sadd.s32 s3, s5;
	[dreg:$0x0] =	wrdreg $0x0  }
0xa8: {  	s5 =	sshll.u32 s28, $0x1;
	[dreg:$0x2] =	wrdreg s3  }
0xa9: {  	[dreg:$0x3] =	wrdreg s5  }
0xaa: {  	[dreg:$0x4] =	wrdreg $0xC0  }
0xab: {  	_ =	task [dreg:s7], $0x5FFFF  }
0xac: {  	[dreg:$0x1] =	wrdreg $0xFFFFFFFF  }
0xad: {  	[dreg:$0x0] =	wrdreg $0x60  }
0xae: {  	[dreg:$0x2] =	wrdreg s24  }
0xaf: {  	[dreg:$0x3] =	wrdreg s2  }
0xb0: {  	[dreg:$0x4] =	wrdreg $0x9  }
0xb1: {  	_ =	task.clear_ibuf [dreg:s7], $0x5FFFF;
	_ =	strace $0x90000052  }
0xb2: {  	s29 =	simm.s32 $0x9;
	_ =	strace $0x80000054  }
0xb3: {  	_ =	swait.ge [sflag:s29], $0x1  }
0xb4: {  	[sflag:s29] =	ssyncadd.s32 $0xFFFFFFFF  }
0xb5: {  	_ =	strace $0x90000054  }
0xb6: {  	_ =	sfence  }
0xb7: {  	s30 =	sld [smem:$0x0];
	_ =	sdelay $0x2  }
0xb8: {  	s31 =	sshll.u32 s1, $0xD;
	s1 =	sshrl.u32 s1, $0x2  }
0xb9: {  	s3 =	sand.u32 $0x4000, s31;
	s1 =	sadd.s32 s1, s30  }
0xba: {  	s0 =	sor.u32 s3, s0;
	s1 =	sshll.u32 s1, $0x11  }
0xbb: {  	s0 =	sor.u32 s1, s0  }
0xbc: {  	s0 =	sadd.s32 $0x8F2B, s0  }
0xbd: {  	[sflag:s0] =	ssyncadd.remote.s32 $0x1  }
0xbe: {  	_ =	sfence.sel $0xFFFF  }
0xbf: {  	[dreg:$0x0] =	wrdreg $0xFFFFFFFF;
	(pc) =	sbr.abs _section_cstart, $3  }
0xc0: {  	[dreg:$0x1] =	wrdreg $0xFFFFFFFF  }
0xc1: {  	_ =	task.clear_ibuf [dreg:s7], $0x2FFFF;
	_ =	strace $0x9FFFFFFF  }
0xc2: {  	(tm) =	ssettm $0x7FFFFFFF  }
0xc3: {  	_ =	shalt  }
tec
execute0_lowered:
.L_overlay_start_1:
0x0: {  	(tag) =	ssettag $0x1  }
0x1: {  	s6 =	rddreg [dreg:$0x0]  }
0x2: {  	s7 =	rddreg [dreg:$0x1]  }
0x3: {  	s0 =	rddreg [dreg:$0x2];
	s1 =	simm.s32 $0x0;
	s2 =	srdreg.scid  }
0x4: {  	s13 =	simm.s32 $0x1;
	s14 =	simm.s32 $0xFA0;
	s15 =	simm.s32 $0x4E200  }
0x5: {  	s16 =	simm.s32 $0x130B0;
	s17 =	simm.s32 $0x0;
	[smem:$0x7FF] =	sst s1  }
0x6: {  	s8 =	sand.u32 $0x1, s2;
	s3 =	sadd.s32 $0x3A00, s6;
	s2 =	stileid.u32  }
0x7: {  	s4 =	sadd.s32 $0x17400, s6;
	_ =	strace $0x80000053;
	s5 =	sshll.u32 s8, $0x4  }
0x8: {  	s10 =	sand.u32 $0x7, s2;
	s8 =	ssub.s32 $0x2, s8;
	s9 =	sor.u32 s2, s5  }
0x9: {  	s5 =	sadd.s32 $0x17E00, s6;
	p0 =	sne.s32 s10, $0x0;
	s10 =	smul.u32 $0x1388, s10  }
0xa: {  	s12 =	sshrl.u32 s8, $0x1;
	p1 =	seq.s32 s9, $0x0;
	s11 =	smul.u32 $0x1388, s9  }
0xb: {  	s9 =	sshrl.u32 s9, $0x3;
	s12 =	ssub.s32 s8, s12;
	p0 =	por !p0, !p1  }
0xc: {  	s7 =	sadd.s32 s7, s10;
	s10 =	smax.u32 s12, $0x1;
	p0 =	por !p0, !p0  }
0xd: {  	s12 =	simm.s32 $0x6D60;
	s11 =	sadd.s32 s11, s6;
	s13 =	simm.s32 @!p0 $0x0  }
0xe: {  	s6 =	simm.s32 $0x1;
	s31 =	ssub.s32 s9, s13;
	s9 =	sadd.s32 $0x18400, s11  }
0xf: {  	v0 =	vimm.f32 $0.0e+00;
	s11 =	simm.s32 $0x1F40;
	s13 =	simm.s32 $0x9470;
	s8 =	smul.u32 $0x13880, s31  }
.LBB2_1:
0x10: {  	[tilespmem:s11], [sflag:$0x1] =	stream.linear.gather [hbm4b:s4+s1], $0x4E20, $0x38;
	[tilespmem:$0x1CCF0] =	vst v63  }
0x11: {  	_ =	swait.ge [sflag:s6], $0x4E20  }
0x12: {  	[sflag:s6] =	ssyncset.done $0x0  }
0x13: {  	[sflag:s6] =	ssyncadd.s32 $0xFFFFB1E0  }
0x14: {  	[tilespmem:s12], [sflag:$0x1] =	stream.linear.gather [hbm4b:s5+s1], $0x2710, $0x38;
	[tilespmem:$0x1CCF0] =	vst v63  }
0x15: {  	_ =	swait.ge [sflag:s6], $0x2710  }
0x16: {  	[sflag:s6] =	ssyncset.done $0x0  }
0x17: {  	[sflag:s6] =	ssyncadd.s32 $0xFFFFD8F0  }
0x18: {  	[tilespmem:s13], [sflag:$0x1] =	stream.linear.gather [hbm4b:s7+s1], $0x9C40, $0x38;
	[tilespmem:$0x1CCF0] =	vst v63  }
0x19: {  	_ =	swait.ge [sflag:s6], $0x9C40  }
0x1a: {  	[sflag:s6] =	ssyncset.done $0x0  }
0x1b: {  	s18 =	simm.s32 $0x40;
	s19 =	simm.s32 $0x0;
	[sflag:s6] =	ssyncadd.s32 $0xFFFF63C0  }
.LBB2_2:
0x1c: {  	p0 =	sne.s32 s18, $0x9C00;
	[tilespmem:s19+$0x1A5E0] =	vst v0;
	s20 =	smov.u32 s18;
	s18 =	sadd.s32 $0x40, s18  }
.Ltmp0:
0x1d: {  	[tilespmem:s19+$0x17ED0] =	vst v0;
	(pc) =	sbr.rel @p0 .LBB2_2-.Ltmp0, $3  }
0x1e: {  	[tilespmem:s19+$0x130B0] =	vst v0  }
0x1f: {  	[tilespmem:s19+$0x157C0] =	vst v0;
	_ =	sdelay $0x1  }
0x20: {  	s19 =	sshra.s32 s20, $0x2  }
0x21: {  	[tilespmem:s19+$0x1A5E0] =	vst v0  }
0x22: {  	[tilespmem:s19+$0x17ED0] =	vst v0  }
0x23: {  	[tilespmem:s19+$0x130B0] =	vst v0  }
0x24: {  	s18 =	simm.s32 $0x0;
	[tilespmem:s19+$0x157C0] =	vst v0;
	s19 =	simm.s32 $0x0  }
.LBB2_4:
0x25: {  	s20 =	smul.u32 $0xFA0, s19;
	_ =	sdelay $0x1  }
0x26: {  	s20 =	sadd.s32 s8, s20  }
0x27: {  	s20 =	sshrl.u32 s20, $0x3  }
0x28: {  	s20 =	sadd.s32 s3, s20  }
0x29: {  	[tilespmem:s18], [sflag:$0x1] =	stream.strided.gather [hbm4b:s20+s14], $0x1F40, s15, s14, $0x38;
	[tilespmem:$0x1CCF0] =	vst v63  }
0x2a: {  	_ =	swait.ge [sflag:s6], $0x1F40  }
0x2b: {  	[sflag:s6] =	ssyncset.done $0x0  }
0x2c: {  	s21 =	simm.s32 $0x0;
	s20 =	simm.s32 $0x40;
	[sflag:s6] =	ssyncadd.s32 $0xFFFFE0C0  }
.LBB2_5:
0x2d: {  	p0 =	sne.s32 s20, $0x3E40;
	v1 =	vld [tilespmem:s21+$0xFA0]  }
0x2e: {  	v2 =	vld [tilespmem:s21+$0x0];
	_ =	sdelay $0x3  }
0x2f: {  	v3 =	vadd.s32 $0x2710, v1;
	_ =	sdelay $0x3  }
0x30: {  	v4 =	vld.idx.msk [tilespmem:v2+s11+$0x0], $0xffff  }
0x31: {  	v5 =	vld.idx.msk [tilespmem:v3+s11+$0x0], $0xffff;
	_ =	sdelay $0x3  }
0x32: {  	v6 =	vld.idx.msk [tilespmem:v1+s12+$0x0], $0xffff;
	_ =	sdelay $0x1  }
0x33: {  	v4 =	vadd.f32 v5, v4;
	_ =	sdelay $0x1  }
0x34: {  	v5 =	vmul.f32 $2.000000030e-01, v4  }
0x35: {  	vm0 =	vge.f32 v4, $0.0e+00  }
0x36: {  	v4 =	vsel vm0, v4, v5;
	v5 =	vadd.f32 $1.000000020e-16, v6  }
0x37: {  	v4 =	vmul.f32 $1.442695020e+00, v4  }
0x38: {  	(erf) = vrcp.f32 v5  }
0x39: {  	(erf) = vpow2.f32 v4;
	_ =	sdelay $0x5  }
0x3a: {  	v4 =	vld.idx.msk [tilespmem:v2+s13+$0x0], $0xffff;
	_ =	sdelay $0x1  }
0x3b: {  	v5 =	vpop (erf)  }
0x3c: {  	v6 =	vpop (erf)  }
0x3d: {  	v5 =	vmul.f32 v6, v5;
	v6 =	vadd.s32 $0x2710, v2;
	_ =	sdelay $0x1  }
0x3e: {  	v4 =	vmul.f32 v5, v4;
	_ =	sdelay $0x1  }
0x3f: {  	[tilespmem:v1+s16+$0x0] =	vst.idx.add.f32.msk $0xffff, v4  }
0x40: {  	v4 =	vld.idx.msk [tilespmem:v6+s13+$0x0], $0xffff;
	_ =	sdelay $0x3  }
0x41: {  	v6 =	vadd.s32 $0x4E20, v2;
	_ =	sdelay $0x1  }
0x42: {  	v4 =	vmul.f32 v5, v4;
	_ =	sdelay $0x1  }
0x43: {  	[tilespmem:v3+s16+$0x0] =	vst.idx.add.f32.msk $0xffff, v4  }
0x44: {  	v3 =	vld.idx.msk [tilespmem:v6+s13+$0x0], $0xffff;
	_ =	sdelay $0x2  }
0x45: {  	v4 =	vadd.s32 $0x4E20, v1  }
0x46: {  	v2 =	vadd.s32 $0x7530, v2;
	_ =	sdelay $0x1  }
0x47: {  	v3 =	vmul.f32 v5, v3;
	_ =	sdelay $0x1  }
0x48: {  	[tilespmem:v4+s16+$0x0] =	vst.idx.add.f32.msk $0xffff, v3  }
0x49: {  	v2 =	vld.idx.msk [tilespmem:v2+s13+$0x0], $0xffff;
	_ =	sdelay $0x2  }
0x4a: {  	v1 =	vadd.s32 $0x7530, v1  }
.Ltmp1:
0x4b: {  	(pc) =	sbr.rel @p0 .LBB2_5-.Ltmp1, $3  }
0x4c: {  	_ = 	snop  }
0x4d: {  	v2 =	vmul.f32 v2, v5;
	_ =	sdelay $0x1  }
0x4e: {  	s21 =	sshra.s32 s20, $0x2;
	s20 =	sadd.s32 $0x40, s20;
	[tilespmem:v1+s16+$0x0] =	vst.idx.add.f32.msk $0xffff, v2  }
0x4f: {  	v1 =	vld [tilespmem:s21+$0xFA0]  }
0x50: {  	v2 =	vld [tilespmem:s21+$0x0];
	_ =	sdelay $0x3  }
0x51: {  	v3 =	vadd.s32 $0x2710, v1;
	_ =	sdelay $0x3  }
0x52: {  	v4 =	vld.idx.msk [tilespmem:v2+s11+$0x0], $0xffff  }
0x53: {  	v5 =	vld.idx.msk [tilespmem:v3+s11+$0x0], $0xffff;
	_ =	sdelay $0x3  }
0x54: {  	v6 =	vld.idx.msk [tilespmem:v1+s12+$0x0], $0xffff  }
0x55: {  	v4 =	vadd.f32 v5, v4;
	_ =	sdelay $0x1  }
0x56: {  	v5 =	vmul.f32 $2.000000030e-01, v4  }
0x57: {  	vm0 =	vge.f32 v4, $0.0e+00  }
0x58: {  	v58 =	vadd.f32 $1.000000020e-16, v6;
	v4 =	vsel vm0, v4, v5  }
0x59: {  	v4 =	vmul.f32 $1.442695020e+00, v4  }
0x5a: {  	(erf) = vrcp.f32 v58  }
0x5b: {  	(erf) = vpow2.f32 v4;
	_ =	sdelay $0x6  }
0x5c: {  	v59 =	vld.idx.msk [tilespmem:v2+s13+$0x0], $0xffff  }
0x5d: {  	v5 =	vpop (erf)  }
0x5e: {  	v60 =	vpop (erf)  }
0x5f: {  	v61 =	vadd.s32 $0x2710, v2;
	v5 =	vmul.f32 v60, v5;
	_ =	sdelay $0x1  }
0x60: {  	v4 =	vmul.f32 v5, v59;
	_ =	sdelay $0x1  }
0x61: {  	[tilespmem:v1+s16+$0x0] =	vst.idx.add.f32.msk $0xffff, v4  }
0x62: {  	v4 =	vld.idx.msk [tilespmem:v61+s13+$0x0], $0xffff;
	_ =	sdelay $0x2  }
0x63: {  	v62 =	vadd.s32 $0x4E20, v2;
	_ =	sdelay $0x1  }
0x64: {  	v4 =	vmul.f32 v5, v4;
	_ =	sdelay $0x1  }
0x65: {  	[tilespmem:v3+s16+$0x0] =	vst.idx.add.f32.msk $0xffff, v4  }
0x66: {  	v3 =	vld.idx.msk [tilespmem:v62+s13+$0x0], $0xffff;
	_ =	sdelay $0x1  }
0x67: {  	v63 =	vadd.s32 $0x4E20, v1  }
0x68: {  	v2 =	vadd.s32 $0x7530, v2;
	_ =	sdelay $0x1  }
0x69: {  	v3 =	vmul.f32 v5, v3;
	_ =	sdelay $0x1  }
0x6a: {  	[tilespmem:v63+s16+$0x0] =	vst.idx.add.f32.msk $0xffff, v3  }
0x6b: {  	v2 =	vld.idx.msk [tilespmem:v2+s13+$0x0], $0xffff  }
0x6c: {  	s19 =	sadd.s32 $0x1, s19  }
0x6d: {  	p0 =	sne.s32 s19, $0x14;
	v1 =	vadd.s32 $0x7530, v1  }
.Ltmp2:
0x6e: {  	_ = 	snop;
	(pc) =	sbr.rel @p0 .LBB2_4-.Ltmp2, $3  }
0x6f: {  	_ = 	snop  }
0x70: {  	v2 =	vmul.f32 v2, v5;
	_ =	sdelay $0x1  }
0x71: {  	[tilespmem:v1+s16+$0x0] =	vst.idx.add.f32.msk $0xffff, v2  }
0x72: {  	s17 =	sadd.s32 $0x1, s17  }
0x73: {  	p0 =	sne.s32 s17, s10  }
.Ltmp3:
0x74: {  	_ = 	snop;
	(pc) =	sbr.rel @p0 .LBB2_1-.Ltmp3, $4  }
0x75: {  	[hbm4b:s9+s1] =	stream.linear.scatter [tilespmem:s16], [sflag:$0x1], $0x9C40, $0x38;
	[tilespmem:$0x1CCF0] =	vst v63  }
0x76: {  	_ =	swait.ge [sflag:s6], $0x9C40  }
0x77: {  	[sflag:s6] =	ssyncset.done $0x0  }
0x78: {  	[sflag:s6] =	ssyncadd.s32 $0xFFFF63C0  }
0x79: {  	_ =	sfence.sel $0x180000  }
0x7a: {  	[bflag:$0x0] =	sbarrier.arrive $0xFFFF  }
0x7b: {  	p0 =	sne.s32 s2, $0x0;
	_ =	strace $0x90000053  }
0x7c: {  	s0 =	sadd.s32 @!p0 $0x100000, s0;
	[bflag:$0x2] =	sbarrier.arrive $0xFFFF  }
0x7d: {  	[sflag:s0] =	ssyncadd.tile.s32 @!p0 $0x1;
	_ =	shalt  }
.Lfunc_end2:
_tile_overlayer_lowered:
.L_overlay_start_2:
0x7e: {  	(tag) =	ssettag $0x2  }
0x7f: {  	s0 =	rddreg [dreg:$0x0];
	s2 =	stileid.u32  }
0x80: {  	s1 =	rddreg [dreg:$0x1];
	p0 =	sne.s32 s2, $0x0  }
0x81: {  	s3 =	rddreg [dreg:$0x2];
	[bflag:$0x3] =	sbarrier.arrive $0xFFFF;
	s2 =	simm.s32 @!p0 $0x1C01  }
0x82: {  	[timem:s3], [sflag:s2] =	dma.local @!p0 [hbm:s0], s1  }
0x83: {  	s0 =	simm.s32 @!p0 $0x1  }
0x84: {  	_ =	swait.ge @!p0 [sflag:s0], s1  }
0x85: {  	s1 =	ssub.s32 @!p0 $0x0, s1;
	[sflag:s0] =	ssyncset.done @!p0 $0x0  }
0x86: {  	[sflag:s0] =	ssyncadd.s32 @!p0 s1  }
0x87: {  	[bflag:$0x3] =	sbarrier.arrive $0xFFFF  }
0x88: {  	_ =	shalt  }

</sc_bundles>
